<compile_context>
chip_gen: v7x
topology: tpu7x:2x2x1
jax: 0.10.2.dev20260603
libtpu: 0.0.44.dev20260713+nightly
codegen_flags: <defaults>
</compile_context>

<pallas_src>
import functools

import jax
import jax.numpy as jnp
from jax import lax
from jax.experimental import pallas as pl
from jax.experimental.pallas import tpu as pltpu
from jax.experimental.pallas import tpu_sc as plsc

B, N, C, K = 8, 2048, 128, 16
H = C // 2
TCOLS = 128
BLK_A = 256
BLK_C = 128
NEG_INF = float("-inf")



def _topk_table_kernel(xyzT_ref, xyz_ref, feat_ref, w1_ref, gidx_ref, t_ref):
    b = pl.program_id(0)
    xb = xyz_ref[0]
    xT = xyzT_ref[0]
    fb = feat_ref[0]
    w1 = w1_ref[...]

    xx_all = jnp.sum(xT * xT, axis=0, keepdims=True)
    xx_blk = jnp.sum(xb * xb, axis=1, keepdims=True)

    xbl = xb.astype(jnp.bfloat16).astype(jnp.float32)
    xTl = xT.astype(jnp.bfloat16).astype(jnp.float32)
    mm = xbl[:, 0:1] * xTl[0:1, :]
    mm = mm + xbl[:, 1:2] * xTl[1:2, :]
    mm = mm + xbl[:, 2:3] * xTl[2:3, :]
    inner = -2.0 * mm
    d = (-xx_blk) - inner - xx_all

    lanes = lax.broadcasted_iota(jnp.int32, (BLK_A, N), 1)
    big = jnp.int32(N)
    for k in range(K):
        m = jnp.max(d, axis=1, keepdims=True)
        t = jnp.where(d == m, lanes, big)
        idxk = jnp.min(t, axis=1, keepdims=True)
        d = jnp.where(t == idxk, NEG_INF, d)
        gidx_ref[0, :, k] = (idxk[:, 0] + b * N).astype(jnp.int32)

    t_ref[0, :, 0:3] = xb
    t_ref[0, :, 3:64] = jnp.zeros((BLK_A, 61), jnp.float32)
    t_ref[0, :, 64:TCOLS] = jnp.dot(fb, w1, preferred_element_type=jnp.float32)


def _run_topk_table(xyz, xyzT, features, diff_w1):
    grid = (B, N // BLK_A)
    gidx, table = pl.pallas_call(
        _topk_table_kernel,
        grid=grid,
        in_specs=[
            pl.BlockSpec((1, 3, N), lambda b, i: (b, 0, 0)),
            pl.BlockSpec((1, BLK_A, 3), lambda b, i: (b, i, 0)),
            pl.BlockSpec((1, BLK_A, C), lambda b, i: (b, i, 0)),
            pl.BlockSpec((C, H), lambda b, i: (0, 0)),
        ],
        out_specs=[
            pl.BlockSpec((1, BLK_A, K), lambda b, i: (b, i, 0)),
            pl.BlockSpec((1, BLK_A, TCOLS), lambda b, i: (b, i, 0)),
        ],
        out_shape=[
            jax.ShapeDtypeStruct((B, N, K), jnp.int32),
            jax.ShapeDtypeStruct((B, N, TCOLS), jnp.float32),
        ],
    )(xyzT, xyz, features, diff_w1)
    return gidx, table



def _run_gather(table_flat, idx_flat):
    info = plsc.get_sparse_core_info()
    nw = info.num_cores * info.num_subcores
    total = B * N * K
    per_w = total // nw
    chunk = 128
    nchunks = per_w // chunk
    mesh = plsc.VectorSubcoreMesh(core_axis_name="c", subcore_axis_name="s")

    kk = 4
    slab = chunk * kk
    nslabs = per_w // slab

    @functools.partial(
        pl.kernel,
        mesh=mesh,
        out_type=jax.ShapeDtypeStruct((total, TCOLS), jnp.float32),
        scratch_types=[
            pltpu.VMEM((slab,), jnp.int32),
            pltpu.VMEM((slab, TCOLS), jnp.float32),
            pltpu.SemaphoreType.DMA,
        ],
    )
    def gather_k(tf_hbm, idx_hbm, out_hbm, idx_v, rows_v, sem):
        wid = lax.axis_index("s") * info.num_cores + lax.axis_index("c")
        base_w = wid * per_w

        def body(j, carry):
            base = base_w + j * slab
            pltpu.sync_copy(idx_hbm.at[pl.ds(base, slab)], idx_v)
            cps = [pltpu.async_copy(
                       tf_hbm.at[idx_v.at[pl.ds(b * chunk, chunk)]],
                       rows_v.at[pl.ds(b * chunk, chunk)], sem)
                   for b in range(kk)]
            for cp in cps:
                cp.wait()
            pltpu.sync_copy(rows_v, out_hbm.at[pl.ds(base, slab)])
            return carry

        lax.fori_loop(0, nslabs, body, 0)

    return gather_k(table_flat, idx_flat)



_JACOBI_SEQ = ((0, 2), (1, 2), (0, 1))
_JACOBI_SWEEPS = 8


def _eigh3(cov6):
    a = dict(cov6)
    one = jnp.ones_like(a[(0, 0)])
    zero = jnp.zeros_like(one)
    v = [[one, zero, zero], [zero, one, zero], [zero, zero, one]]

    def get(i, j):
        return a[(i, j)] if i <= j else a[(j, i)]

    def put(i, j, val):
        a[(i, j) if i <= j else (j, i)] = val

    for _ in range(_JACOBI_SWEEPS):
        for (p, q) in _JACOBI_SEQ:
            r = 3 - p - q
            app = get(p, p); aqq = get(q, q); apq = get(p, q)
            apr = get(p, r); aqr = get(q, r)
            tau = (aqq - app) / (2.0 * apq)
            t = jnp.sign(tau) / (jnp.abs(tau) + jnp.sqrt(1.0 + tau * tau))
            t = jnp.where(apq == 0.0, 0.0, t)
            c = 1.0 / jnp.sqrt(1.0 + t * t)
            s = t * c
            put(p, p, c * (c * app - s * apq) - s * (c * apq - s * aqq))
            put(q, q, s * (s * app + c * apq) + c * (s * apq + c * aqq))
            put(p, q, zero)
            put(p, r, c * apr - s * aqr)
            put(q, r, s * apr + c * aqr)
            vp = v[p]; vq = v[q]
            v[p] = [c * vp[i] - s * vq[i] for i in range(3)]
            v[q] = [s * vp[i] + c * vq[i] for i in range(3)]

    w = [get(0, 0), get(1, 1), get(2, 2)]

    def cswap(i, j):
        swap = w[j] < w[i]
        wi = jnp.where(swap, w[j], w[i]); wj = jnp.where(swap, w[i], w[j])
        w[i] = wi; w[j] = wj
        vi = [jnp.where(swap, v[j][k], v[i][k]) for k in range(3)]
        vj = [jnp.where(swap, v[i][k], v[j][k]) for k in range(3)]
        v[i] = vi; v[j] = vj

    cswap(0, 1); cswap(1, 2); cswap(0, 1)
    return v[0], v[2]


def _layer_norm(x, g, b, eps=1e-5):
    m = jnp.mean(x, axis=-1, keepdims=True)
    var = jnp.mean((x - m) ** 2, axis=-1, keepdims=True)
    return (x - m) / jnp.sqrt(var + eps) * g + b


def _net_kernel(g_ref, t_ref, xyz_ref, feat_ref,
                geo_w1_ref, geo_b1_ref, geo_g1_ref, geo_be1_ref,
                geo_w2_ref, geo_b2_ref,
                diff_b1_ref, diff_g1_ref, diff_be1_ref,
                diff_w2_ref, diff_b2_ref,
                ep_w1_ref, ep_b1_ref, ep_w2t_ref, ep_b2_ref,
                rf_w_ref, rf_b_ref, rf_g_ref, rf_be_ref,
                refined_ref, edge_ref):
    g3 = g_ref[...]
    xyz_i = xyz_ref[...]
    feat = feat_ref[...]
    p_i = t_ref[...][:, 64:TCOLS]

    rel = g3[:, :, 0:3] - xyz_i[:, None, :]
    rx = rel[:, :, 0]; ry = rel[:, :, 1]; rz = rel[:, :, 2]
    dsq = rx * rx + ry * ry + rz * rz
    dist = jnp.sqrt(dsq + 1e-12)
    mean_dist = jnp.mean(dist, axis=1, keepdims=True)
    inv_k = 1.0 / K
    bx = rx.astype(jnp.bfloat16).astype(jnp.float32)
    by = ry.astype(jnp.bfloat16).astype(jnp.float32)
    bz = rz.astype(jnp.bfloat16).astype(jnp.float32)
    lm = lambda x: x.reshape(1, BLK_C)
    cov6 = {
        (0, 0): lm(jnp.sum(bx * bx, axis=1, keepdims=True) * inv_k),
        (0, 1): lm(jnp.sum(bx * by, axis=1, keepdims=True) * inv_k),
        (0, 2): lm(jnp.sum(bx * bz, axis=1, keepdims=True) * inv_k),
        (1, 1): lm(jnp.sum(by * by, axis=1, keepdims=True) * inv_k),
        (1, 2): lm(jnp.sum(by * bz, axis=1, keepdims=True) * inv_k),
        (2, 2): lm(jnp.sum(bz * bz, axis=1, keepdims=True) * inv_k),
    }
    mean_rel = [jnp.mean(rx, axis=1, keepdims=True),
                jnp.mean(ry, axis=1, keepdims=True),
                jnp.mean(rz, axis=1, keepdims=True)]
    normal_l, curv_l = _eigh3(cov6)
    normal = [x.reshape(BLK_C, 1) for x in normal_l]
    curv = [x.reshape(BLK_C, 1) for x in curv_l]
    geo_feat = jnp.concatenate(normal + curv + mean_rel + [mean_dist], axis=1)
    g1 = jax.nn.relu(_layer_norm(
        jnp.dot(geo_feat, geo_w1_ref[...],
                preferred_element_type=jnp.float32) + geo_b1_ref[...],
        geo_g1_ref[...], geo_be1_ref[...]))
    geo_encoded = jnp.dot(g1, geo_w2_ref[...],
                          preferred_element_type=jnp.float32) + geo_b2_ref[...]

    pn = g3[:, :, 64:TCOLS]
    h1 = (p_i[:, None, :] - pn) + diff_b1_ref[...]
    h1 = jax.nn.relu(_layer_norm(h1, diff_g1_ref[...], diff_be1_ref[...]))
    h1f = h1.reshape(BLK_C * K, H)
    d2 = jnp.dot(h1f, diff_w2_ref[...],
                 preferred_element_type=jnp.float32) + diff_b2_ref[...]
    diff_encoded = jnp.max(d2.reshape(BLK_C, K, H), axis=1)

    combined = jnp.concatenate([geo_encoded, diff_encoded], axis=1)

    e = jax.nn.relu(jnp.dot(combined, ep_w1_ref[...],
                            preferred_element_type=jnp.float32) + ep_b1_ref[...])
    logit = jnp.sum(e * ep_w2t_ref[...], axis=1, keepdims=True) + ep_b2_ref[...]
    edge_prob = jax.nn.sigmoid(logit)

    fc = jnp.concatenate([feat, combined], axis=1)
    r = jax.nn.relu(_layer_norm(
        jnp.dot(fc, rf_w_ref[...],
                preferred_element_type=jnp.float32) + rf_b_ref[...],
        rf_g_ref[...], rf_be_ref[...]))
    refined_ref[...] = feat + r * edge_prob
    edge_ref[...] = edge_prob


def _run_net(g4, table_flat, xyz_flat, feat_flat, ws):
    grid = (B * N // BLK_C,)
    full = lambda shape: pl.BlockSpec(shape, lambda i: tuple(0 for _ in shape))
    refined, edge = pl.pallas_call(
        _net_kernel,
        grid=grid,
        in_specs=[
            pl.BlockSpec((BLK_C, K, TCOLS), lambda i: (i, 0, 0)),
            pl.BlockSpec((BLK_C, TCOLS), lambda i: (i, 0)),
            pl.BlockSpec((BLK_C, 3), lambda i: (i, 0)),
            pl.BlockSpec((BLK_C, C), lambda i: (i, 0)),
            full((10, H)), full((H,)), full((H,)), full((H,)),
            full((H, H)), full((H,)),
            full((H,)), full((H,)), full((H,)),
            full((H, H)), full((H,)),
            full((C, C // 4)), full((C // 4,)), full((1, C // 4)), full((1,)),
            full((2 * C, C)), full((C,)), full((C,)), full((C,)),
        ],
        out_specs=[
            pl.BlockSpec((BLK_C, C), lambda i: (i, 0)),
            pl.BlockSpec((BLK_C, 1), lambda i: (i, 0)),
        ],
        out_shape=[
            jax.ShapeDtypeStruct((B * N, C), jnp.float32),
            jax.ShapeDtypeStruct((B * N, 1), jnp.float32),
        ],
    )(g4, table_flat, xyz_flat, feat_flat, *ws)
    return refined, edge



def kernel(xyz, features, geo_w1, geo_b1, geo_g1, geo_be1, geo_w2, geo_b2,
           diff_w1, diff_b1, diff_g1, diff_be1, diff_w2, diff_b2,
           ep_w1, ep_b1, ep_w2, ep_b2, rf_w, rf_b, rf_g, rf_be):
    xyzT = jnp.swapaxes(xyz, 1, 2)
    gidx, table = _run_topk_table(xyz, xyzT, features, diff_w1)

    table_flat = table.reshape(B * N, TCOLS)
    idx_flat = gidx.reshape(B * N * K)
    g = _run_gather(table_flat, idx_flat)
    g4 = g.reshape(B * N, K, TCOLS)

    ws = (geo_w1, geo_b1, geo_g1, geo_be1, geo_w2, geo_b2,
          diff_b1, diff_g1, diff_be1, diff_w2, diff_b2,
          ep_w1, ep_b1, ep_w2.reshape(1, C // 4), ep_b2,
          rf_w, rf_b, rf_g, rf_be)
    refined, edge = _run_net(g4, table_flat, xyz.reshape(B * N, 3),
                             features.reshape(B * N, C), ws)
    return refined.reshape(B, N, C), edge.reshape(B, N, 1)

# --- scband reference (transcript-rebuilt; emitter-appended) ---
"""Pipeline reference for scband-hybrid-point-net-68281390072582 (READ-ONLY COPY).

The authoritative reference and input builder live on the scoring server;
editing this copy changes nothing except your own understanding.
"""

import jax, jax.numpy as jnp
import numpy as np

B, N, C, K = 8, 2048, 128, 16

def index_points(points, idx):
    return jax.vmap(lambda p, i: p[i])(points, idx)

def knn(x, k):
    inner = -2.0 * jnp.matmul(x, jnp.swapaxes(x, 2, 1))
    xx = jnp.sum(x ** 2, axis=2, keepdims=True)
    pairwise = -xx - inner - jnp.swapaxes(xx, 2, 1)
    _, idx = jax.lax.top_k(pairwise, k)
    return idx

def layer_norm(x, g, b, eps=1e-5):
    m = jnp.mean(x, axis=-1, keepdims=True)
    v = jnp.var(x, axis=-1, keepdims=True)
    return (x - m) / jnp.sqrt(v + eps) * g + b

def setup_inputs(seed: int = 0):
    key = jax.random.key(seed)
    ks = jax.random.split(key, 12)
    h = C // 2
    def lin(k, i, o):
        return (jax.random.normal(k, (i, o), dtype=jnp.float32) / np.sqrt(i)).astype(jnp.float32)
    inp = {}
    inp['xyz'] = jax.random.normal(ks[0], (B, N, 3), dtype=jnp.float32)
    inp['features'] = jax.random.normal(ks[1], (B, N, C), dtype=jnp.float32)
    inp['geo_w1'] = lin(ks[2], 10, h); inp['geo_b1'] = jnp.zeros((h,), jnp.float32)
    inp['geo_g1'] = jnp.ones((h,), jnp.float32); inp['geo_be1'] = jnp.zeros((h,), jnp.float32)
    inp['geo_w2'] = lin(ks[3], h, h); inp['geo_b2'] = jnp.zeros((h,), jnp.float32)
    inp['diff_w1'] = lin(ks[4], C, h); inp['diff_b1'] = jnp.zeros((h,), jnp.float32)
    inp['diff_g1'] = jnp.ones((h,), jnp.float32); inp['diff_be1'] = jnp.zeros((h,), jnp.float32)
    inp['diff_w2'] = lin(ks[5], h, h); inp['diff_b2'] = jnp.zeros((h,), jnp.float32)
    inp['ep_w1'] = lin(ks[6], C, C // 4); inp['ep_b1'] = jnp.zeros((C // 4,), jnp.float32)
    inp['ep_w2'] = lin(ks[7], C // 4, 1); inp['ep_b2'] = jnp.zeros((1,), jnp.float32)
    inp['rf_w'] = lin(ks[8], 2 * C, C); inp['rf_b'] = jnp.zeros((C,), jnp.float32)
    inp['rf_g'] = jnp.ones((C,), jnp.float32); inp['rf_be'] = jnp.zeros((C,), jnp.float32)
    return inp

def reference(xyz, features, geo_w1, geo_b1, geo_g1, geo_be1, geo_w2, geo_b2, diff_w1, diff_b1, diff_g1, diff_be1, diff_w2, diff_b2, ep_w1, ep_b1, ep_w2, ep_b2, rf_w, rf_b, rf_g, rf_be):
    idx = knn(xyz, K)
    neighbors = index_points(xyz, idx)
    rel_pos = neighbors - xyz[:, :, None, :]
    cov = jnp.matmul(jnp.swapaxes(rel_pos, -2, -1), rel_pos) / K
    eigenvalues, eigenvectors = jnp.linalg.eigh(cov)
    normal = eigenvectors[..., 0]
    curvature_dir = eigenvectors[..., 2]
    mean_rel = jnp.mean(rel_pos, axis=2)
    mean_dist = jnp.mean(jnp.sqrt(jnp.sum(rel_pos ** 2, axis=-1) + 1e-12), axis=-1, keepdims=True)
    geo_feat = jnp.concatenate([normal, curvature_dir, mean_rel, mean_dist], axis=-1)
    g = jax.nn.relu(layer_norm(geo_feat @ geo_w1 + geo_b1, geo_g1, geo_be1))
    geo_encoded = g @ geo_w2 + geo_b2
    idx2 = knn(xyz, K)
    neighbor_feats = index_points(features, idx2)
    feat_diff = features[:, :, None, :] - neighbor_feats
    d = jax.nn.relu(layer_norm(feat_diff @ diff_w1 + diff_b1, diff_g1, diff_be1))
    d = d @ diff_w2 + diff_b2
    diff_encoded = jnp.max(d, axis=2)
    combined = jnp.concatenate([geo_encoded, diff_encoded], axis=-1)
    e = jax.nn.relu(combined @ ep_w1 + ep_b1)
    edge_prob = jax.nn.sigmoid(e @ ep_w2 + ep_b2)
    r = jax.nn.relu(layer_norm(jnp.concatenate([features, combined], axis=-1) @ rf_w + rf_b, rf_g, rf_be))
    refined = features + r * edge_prob
    return refined, edge_prob

if __name__ == "__main__":
    import jax
    _d = setup_inputs()
    print(jax.jit(kernel)(*tuple(_d.values())))

</pallas_src>

<mosaic_0001>
#map = affine_map<(d0, d1) -> (0, 0)>
#map1 = affine_map<(d0, d1) -> (0)>
module attributes {stable_mosaic.version = 14 : i64} {
  func.func @gather_k(%arg0: i32, %arg1: i32, %arg2: memref<16384x128xf32, #tpu.memory_space<hbm>>, %arg3: memref<262144xi32, #tpu.memory_space<hbm>>, %arg4: memref<262144x128xf32, #tpu.memory_space<hbm>>, %arg5: memref<512xi32, #tpu.memory_space<vmem>>, %arg6: memref<512x128xf32, #tpu.memory_space<vmem>>, %arg7: memref<!tpu.dma_semaphore, #tpu.memory_space<semaphore_mem>>) attributes {dimension_semantics = [#tpu.dimension_semantics<core_parallel>, #tpu.dimension_semantics<subcore_parallel>], iteration_bounds = array<i64: 2, 16>, scalar_prefetch = 0 : i64, scratch_operands = 3 : i64, tpu.core_type = #tpu.core_type<sc_vector_subcore>, window_params = [{transform_indices = #map}, {transform_indices = #map1}, {transform_indices = #map}]} {
    %mul3A = arith.constant 2 : i32
    %mul3A_0 = arith.muli %arg1, %mul3A : i32
    %add3A = arith.addi %mul3A_0, %arg0 : i32
    %mul3A_1 = arith.constant 8192 : i32
    %mul3A_2 = arith.muli %add3A, %mul3A_1 : i32
    %scan3A = arith.constant 0 : i32
    %scan3A_3 = arith.constant 0 : i32
    %scan3A_4 = arith.constant 16 : i32
    %scan3A_5 = arith.addi %scan3A_3, %scan3A_4 : i32
    %scan3A_6 = arith.constant 1 : i32
    scf.for %scan3A_8 = %scan3A_3 to %scan3A_5 step %scan3A_6  : i32 {
      %mul3A_9 = arith.constant 512 : i32
      %mul3A_10 = arith.muli %scan3A_8, %mul3A_9 : i32
      %add3A_11 = arith.addi %mul3A_2, %mul3A_10 : i32
      "tpu.region"() ({
        %run_scoped3A = tpu.sem_alloc : memref<!tpu.dma_semaphore, #tpu.memory_space<semaphore_mem>>
        %dma_start3A_74 = tpu.memref_slice %arg3[%add3A_11] : memref<262144xi32, #tpu.memory_space<hbm>> -> memref<512xi32, #tpu.memory_space<hbm>>
        %dma_start3A_75 = tpu.memref_slice %arg3[%add3A_11] : memref<262144xi32, #tpu.memory_space<hbm>> -> memref<512xi32, #tpu.memory_space<hbm>>
        tpu.enqueue_dma source(%dma_start3A_75 : memref<512xi32, #tpu.memory_space<hbm>>) target(%arg5 : memref<512xi32, #tpu.memory_space<vmem>>) target_semaphore(%run_scoped3A : memref<!tpu.dma_semaphore, #tpu.memory_space<semaphore_mem>>)
        %dma_wait3A_76 = tpu.memref_slice %arg3[%add3A_11] : memref<262144xi32, #tpu.memory_space<hbm>> -> memref<512xi32, #tpu.memory_space<hbm>>
        %dma_wait3A_77 = tpu.memref_slice %arg3[%add3A_11] : memref<262144xi32, #tpu.memory_space<hbm>> -> memref<512xi32, #tpu.memory_space<hbm>>
        tpu.wait_dma2 semaphore(%run_scoped3A : memref<!tpu.dma_semaphore, #tpu.memory_space<semaphore_mem>>) src(%dma_wait3A_77 : memref<512xi32, #tpu.memory_space<hbm>>) dst(%arg5 : memref<512xi32, #tpu.memory_space<vmem>>)
        tpu.yield
      }) : () -> ()
      %dma_start3A = arith.constant 0 : i32
      %dma_start3A_12 = arith.constant 0 : i32
      %dma_start3A_13 = tpu.memref_slice %arg6[%dma_start3A, %dma_start3A_12] : memref<512x128xf32, #tpu.memory_space<vmem>> -> memref<128x128xf32, #tpu.memory_space<vmem>>
      %dma_start3A_14 = arith.constant 0 : i32
      %dma_start3A_15 = tpu.memref_slice %arg5[%dma_start3A_14] : memref<512xi32, #tpu.memory_space<vmem>> -> memref<128xi32, #tpu.memory_space<vmem>>
      %dma_start3A_16 = arith.constant 0 : i32
      %dma_start3A_17 = arith.constant 0 : i32
      %dma_start3A_18 = tpu.memref_slice %arg2[%dma_start3A_16, %dma_start3A_17] : memref<16384x128xf32, #tpu.memory_space<hbm>> -> memref<16384x128xf32, #tpu.memory_space<hbm>>
      tpu.enqueue_indirect_dma source(%dma_start3A_18 : memref<16384x128xf32, #tpu.memory_space<hbm>>) target(%dma_start3A_13 : memref<128x128xf32, #tpu.memory_space<vmem>>) offsets(%dma_start3A_15 : memref<128xi32, #tpu.memory_space<vmem>>) semaphore(%arg7 : memref<!tpu.dma_semaphore, #tpu.memory_space<semaphore_mem>>)
      %dma_start3A_19 = arith.constant 128 : i32
      %dma_start3A_20 = arith.constant 0 : i32
      %dma_start3A_21 = tpu.memref_slice %arg6[%dma_start3A_19, %dma_start3A_20] : memref<512x128xf32, #tpu.memory_space<vmem>> -> memref<128x128xf32, #tpu.memory_space<vmem>>
      %dma_start3A_22 = arith.constant 128 : i32
      %dma_start3A_23 = tpu.memref_slice %arg5[%dma_start3A_22] : memref<512xi32, #tpu.memory_space<vmem>> -> memref<128xi32, #tpu.memory_space<vmem>>
      %dma_start3A_24 = arith.constant 0 : i32
      %dma_start3A_25 = arith.constant 0 : i32
      %dma_start3A_26 = tpu.memref_slice %arg2[%dma_start3A_24, %dma_start3A_25] : memref<16384x128xf32, #tpu.memory_space<hbm>> -> memref<16384x128xf32, #tpu.memory_space<hbm>>
      tpu.enqueue_indirect_dma source(%dma_start3A_26 : memref<16384x128xf32, #tpu.memory_space<hbm>>) target(%dma_start3A_21 : memref<128x128xf32, #tpu.memory_space<vmem>>) offsets(%dma_start3A_23 : memref<128xi32, #tpu.memory_space<vmem>>) semaphore(%arg7 : memref<!tpu.dma_semaphore, #tpu.memory_space<semaphore_mem>>)
      %dma_start3A_27 = arith.constant 256 : i32
      %dma_start3A_28 = arith.constant 0 : i32
      %dma_start3A_29 = tpu.memref_slice %arg6[%dma_start3A_27, %dma_start3A_28] : memref<512x128xf32, #tpu.memory_space<vmem>> -> memref<128x128xf32, #tpu.memory_space<vmem>>
      %dma_start3A_30 = arith.constant 256 : i32
      %dma_start3A_31 = tpu.memref_slice %arg5[%dma_start3A_30] : memref<512xi32, #tpu.memory_space<vmem>> -> memref<128xi32, #tpu.memory_space<vmem>>
      %dma_start3A_32 = arith.constant 0 : i32
      %dma_start3A_33 = arith.constant 0 : i32
      %dma_start3A_34 = tpu.memref_slice %arg2[%dma_start3A_32, %dma_start3A_33] : memref<16384x128xf32, #tpu.memory_space<hbm>> -> memref<16384x128xf32, #tpu.memory_space<hbm>>
      tpu.enqueue_indirect_dma source(%dma_start3A_34 : memref<16384x128xf32, #tpu.memory_space<hbm>>) target(%dma_start3A_29 : memref<128x128xf32, #tpu.memory_space<vmem>>) offsets(%dma_start3A_31 : memref<128xi32, #tpu.memory_space<vmem>>) semaphore(%arg7 : memref<!tpu.dma_semaphore, #tpu.memory_space<semaphore_mem>>)
      %dma_start3A_35 = arith.constant 384 : i32
      %dma_start3A_36 = arith.constant 0 : i32
      %dma_start3A_37 = tpu.memref_slice %arg6[%dma_start3A_35, %dma_start3A_36] : memref<512x128xf32, #tpu.memory_space<vmem>> -> memref<128x128xf32, #tpu.memory_space<vmem>>
      %dma_start3A_38 = arith.constant 384 : i32
      %dma_start3A_39 = tpu.memref_slice %arg5[%dma_start3A_38] : memref<512xi32, #tpu.memory_space<vmem>> -> memref<128xi32, #tpu.memory_space<vmem>>
      %dma_start3A_40 = arith.constant 0 : i32
      %dma_start3A_41 = arith.constant 0 : i32
      %dma_start3A_42 = tpu.memref_slice %arg2[%dma_start3A_40, %dma_start3A_41] : memref<16384x128xf32, #tpu.memory_space<hbm>> -> memref<16384x128xf32, #tpu.memory_space<hbm>>
      tpu.enqueue_indirect_dma source(%dma_start3A_42 : memref<16384x128xf32, #tpu.memory_space<hbm>>) target(%dma_start3A_37 : memref<128x128xf32, #tpu.memory_space<vmem>>) offsets(%dma_start3A_39 : memref<128xi32, #tpu.memory_space<vmem>>) semaphore(%arg7 : memref<!tpu.dma_semaphore, #tpu.memory_space<semaphore_mem>>)
      %dma_wait3A = arith.constant 0 : i32
      %dma_wait3A_43 = arith.constant 0 : i32
      %dma_wait3A_44 = tpu.memref_slice %arg6[%dma_wait3A, %dma_wait3A_43] : memref<512x128xf32, #tpu.memory_space<vmem>> -> memref<128x128xf32, #tpu.memory_space<vmem>>
      %dma_wait3A_45 = arith.constant 0 : i32
      %dma_wait3A_46 = tpu.memref_slice %arg5[%dma_wait3A_45] : memref<512xi32, #tpu.memory_space<vmem>> -> memref<128xi32, #tpu.memory_space<vmem>>
      %dma_wait3A_47 = arith.constant 0 : i32
      %dma_wait3A_48 = arith.constant 0 : i32
      %dma_wait3A_49 = tpu.memref_slice %arg2[%dma_wait3A_47, %dma_wait3A_48] : memref<16384x128xf32, #tpu.memory_space<hbm>> -> memref<16384x128xf32, #tpu.memory_space<hbm>>
      tpu.wait_indirect_dma semaphore(%arg7 : memref<!tpu.dma_semaphore, #tpu.memory_space<semaphore_mem>>) src(%dma_wait3A_49 : memref<16384x128xf32, #tpu.memory_space<hbm>>) dst(%dma_wait3A_44 : memref<128x128xf32, #tpu.memory_space<vmem>>)
      %dma_wait3A_50 = arith.constant 128 : i32
      %dma_wait3A_51 = arith.constant 0 : i32
      %dma_wait3A_52 = tpu.memref_slice %arg6[%dma_wait3A_50, %dma_wait3A_51] : memref<512x128xf32, #tpu.memory_space<vmem>> -> memref<128x128xf32, #tpu.memory_space<vmem>>
      %dma_wait3A_53 = arith.constant 128 : i32
      %dma_wait3A_54 = tpu.memref_slice %arg5[%dma_wait3A_53] : memref<512xi32, #tpu.memory_space<vmem>> -> memref<128xi32, #tpu.memory_space<vmem>>
      %dma_wait3A_55 = arith.constant 0 : i32
      %dma_wait3A_56 = arith.constant 0 : i32
      %dma_wait3A_57 = tpu.memref_slice %arg2[%dma_wait3A_55, %dma_wait3A_56] : memref<16384x128xf32, #tpu.memory_space<hbm>> -> memref<16384x128xf32, #tpu.memory_space<hbm>>
      tpu.wait_indirect_dma semaphore(%arg7 : memref<!tpu.dma_semaphore, #tpu.memory_space<semaphore_mem>>) src(%dma_wait3A_57 : memref<16384x128xf32, #tpu.memory_space<hbm>>) dst(%dma_wait3A_52 : memref<128x128xf32, #tpu.memory_space<vmem>>)
      %dma_wait3A_58 = arith.constant 256 : i32
      %dma_wait3A_59 = arith.constant 0 : i32
      %dma_wait3A_60 = tpu.memref_slice %arg6[%dma_wait3A_58, %dma_wait3A_59] : memref<512x128xf32, #tpu.memory_space<vmem>> -> memref<128x128xf32, #tpu.memory_space<vmem>>
      %dma_wait3A_61 = arith.constant 256 : i32
      %dma_wait3A_62 = tpu.memref_slice %arg5[%dma_wait3A_61] : memref<512xi32, #tpu.memory_space<vmem>> -> memref<128xi32, #tpu.memory_space<vmem>>
      %dma_wait3A_63 = arith.constant 0 : i32
      %dma_wait3A_64 = arith.constant 0 : i32
      %dma_wait3A_65 = tpu.memref_slice %arg2[%dma_wait3A_63, %dma_wait3A_64] : memref<16384x128xf32, #tpu.memory_space<hbm>> -> memref<16384x128xf32, #tpu.memory_space<hbm>>
      tpu.wait_indirect_dma semaphore(%arg7 : memref<!tpu.dma_semaphore, #tpu.memory_space<semaphore_mem>>) src(%dma_wait3A_65 : memref<16384x128xf32, #tpu.memory_space<hbm>>) dst(%dma_wait3A_60 : memref<128x128xf32, #tpu.memory_space<vmem>>)
      %dma_wait3A_66 = arith.constant 384 : i32
      %dma_wait3A_67 = arith.constant 0 : i32
      %dma_wait3A_68 = tpu.memref_slice %arg6[%dma_wait3A_66, %dma_wait3A_67] : memref<512x128xf32, #tpu.memory_space<vmem>> -> memref<128x128xf32, #tpu.memory_space<vmem>>
      %dma_wait3A_69 = arith.constant 384 : i32
      %dma_wait3A_70 = tpu.memref_slice %arg5[%dma_wait3A_69] : memref<512xi32, #tpu.memory_space<vmem>> -> memref<128xi32, #tpu.memory_space<vmem>>
      %dma_wait3A_71 = arith.constant 0 : i32
      %dma_wait3A_72 = arith.constant 0 : i32
      %dma_wait3A_73 = tpu.memref_slice %arg2[%dma_wait3A_71, %dma_wait3A_72] : memref<16384x128xf32, #tpu.memory_space<hbm>> -> memref<16384x128xf32, #tpu.memory_space<hbm>>
      tpu.wait_indirect_dma semaphore(%arg7 : memref<!tpu.dma_semaphore, #tpu.memory_space<semaphore_mem>>) src(%dma_wait3A_73 : memref<16384x128xf32, #tpu.memory_space<hbm>>) dst(%dma_wait3A_68 : memref<128x128xf32, #tpu.memory_space<vmem>>)
      "tpu.region"() ({
        %run_scoped3A = tpu.sem_alloc : memref<!tpu.dma_semaphore, #tpu.memory_space<semaphore_mem>>
        %dma_start3A_74 = arith.constant 0 : i32
        %dma_start3A_75 = tpu.memref_slice %arg4[%add3A_11, %dma_start3A_74] : memref<262144x128xf32, #tpu.memory_space<hbm>> -> memref<512x128xf32, #tpu.memory_space<hbm>>
        %dma_start3A_76 = arith.constant 0 : i32
        %dma_start3A_77 = tpu.memref_slice %arg4[%add3A_11, %dma_start3A_76] : memref<262144x128xf32, #tpu.memory_space<hbm>> -> memref<512x128xf32, #tpu.memory_space<hbm>>
        tpu.enqueue_dma source(%arg6 : memref<512x128xf32, #tpu.memory_space<vmem>>) target(%dma_start3A_77 : memref<512x128xf32, #tpu.memory_space<hbm>>) target_semaphore(%run_scoped3A : memref<!tpu.dma_semaphore, #tpu.memory_space<semaphore_mem>>)
        %dma_wait3A_78 = arith.constant 0 : i32
        %dma_wait3A_79 = tpu.memref_slice %arg4[%add3A_11, %dma_wait3A_78] : memref<262144x128xf32, #tpu.memory_space<hbm>> -> memref<512x128xf32, #tpu.memory_space<hbm>>
        %dma_wait3A_80 = arith.constant 0 : i32
        %dma_wait3A_81 = tpu.memref_slice %arg4[%add3A_11, %dma_wait3A_80] : memref<262144x128xf32, #tpu.memory_space<hbm>> -> memref<512x128xf32, #tpu.memory_space<hbm>>
        tpu.wait_dma2 semaphore(%run_scoped3A : memref<!tpu.dma_semaphore, #tpu.memory_space<semaphore_mem>>) src(%arg6 : memref<512x128xf32, #tpu.memory_space<vmem>>) dst(%dma_wait3A_81 : memref<512x128xf32, #tpu.memory_space<hbm>>)
        tpu.yield
      }) : () -> ()
    }
    %scan3A_7 = arith.constant 16 : i32
    return
  }
}

module attributes {stable_mosaic.version = 14 : i64} {
  func.func @_topk_table_kernel(%arg0: i32, %arg1: i32, %arg2: memref<1x3x2048xf32, #tpu.memory_space<vmem>>, %arg3: memref<1x256x3xf32, #tpu.memory_space<vmem>>, %arg4: memref<1x256x128xf32, #tpu.memory_space<vmem>>, %arg5: memref<128x64xf32, #tpu.memory_space<vmem>>, %arg6: memref<1x256x16xi32, #tpu.memory_space<vmem>>, %arg7: memref<1x256x128xf32, #tpu.memory_space<vmem>>) attributes {dimension_semantics = [#tpu.dimension_semantics<arbitrary>, #tpu.dimension_semantics<arbitrary>], iteration_bounds = array<i64: 8, 8>, scalar_prefetch = 0 : i64, scratch_operands = 0 : i64, tpu.core_type = #tpu.core_type<tc>, window_params = [{transform_indices = @transform_0, window_bounds = array<i64: 1, 3, 2048>}, {transform_indices = @transform_1, window_bounds = array<i64: 1, 256, 3>}, {transform_indices = @transform_2, window_bounds = array<i64: 1, 256, 128>}, {pipeline_mode = #tpu.pipeline_mode<synchronous>, transform_indices = @transform_3, window_bounds = array<i64: 128, 64>}, {transform_indices = @transform_4, window_bounds = array<i64: 1, 256, 16>}, {transform_indices = @transform_5, window_bounds = array<i64: 1, 256, 128>}]} {
    %get3A = arith.constant 0 : index
    %get3A_0 = arith.constant 0 : index
    %get3A_1 = arith.constant 0 : index
    %get3A_2 = vector.load %arg3[%get3A, %get3A_0, %get3A_1] : memref<1x256x3xf32, #tpu.memory_space<vmem>>, vector<1x256x3xf32>
    %get3A_3 = vector.shape_cast %get3A_2 : vector<1x256x3xf32> to vector<256x3xf32>
    %get3A_4 = arith.constant 0 : index
    %get3A_5 = arith.constant 0 : index
    %get3A_6 = arith.constant 0 : index
    %get3A_7 = vector.load %arg2[%get3A_4, %get3A_5, %get3A_6] : memref<1x3x2048xf32, #tpu.memory_space<vmem>>, vector<1x3x2048xf32>
    %get3A_8 = vector.shape_cast %get3A_7 : vector<1x3x2048xf32> to vector<3x2048xf32>
    %get3A_9 = arith.constant 0 : index
    %get3A_10 = arith.constant 0 : index
    %get3A_11 = arith.constant 0 : index
    %get3A_12 = vector.load %arg4[%get3A_9, %get3A_10, %get3A_11] : memref<1x256x128xf32, #tpu.memory_space<vmem>>, vector<1x256x128xf32>
    %get3A_13 = vector.shape_cast %get3A_12 : vector<1x256x128xf32> to vector<256x128xf32>
    %get3A_14 = arith.constant 0 : index
    %get3A_15 = arith.constant 0 : index
    %get3A_16 = vector.load %arg5[%get3A_14, %get3A_15] : memref<128x64xf32, #tpu.memory_space<vmem>>, vector<128x64xf32>
    %mul3A = arith.mulf %get3A_8, %get3A_8 : vector<3x2048xf32>
    %reduce_sum3A = arith.constant dense<0.000000e+00> : vector<2048xf32>
    %reduce_sum3A_17 = vector.multi_reduction <add>, %mul3A, %reduce_sum3A [0] : vector<3x2048xf32> to vector<2048xf32>
    %broadcast_in_dim3A = vector.shape_cast %reduce_sum3A_17 : vector<2048xf32> to vector<1x2048xf32>
    %mul3A_18 = arith.mulf %get3A_3, %get3A_3 : vector<256x3xf32>
    %reduce_sum3A_19 = arith.constant dense<0.000000e+00> : vector<256xf32>
    %reduce_sum3A_20 = vector.multi_reduction <add>, %mul3A_18, %reduce_sum3A_19 [1] : vector<256x3xf32> to vector<256xf32>
    %broadcast_in_dim3A_21 = vector.shape_cast %reduce_sum3A_20 : vector<256xf32> to vector<256x1xf32>
    %convert_element_type3A = arith.truncf %get3A_3 : vector<256x3xf32> to vector<256x3xbf16>
    %convert_element_type3A_22 = arith.extf %convert_element_type3A : vector<256x3xbf16> to vector<256x3xf32>
    %convert_element_type3A_23 = arith.truncf %get3A_8 : vector<3x2048xf32> to vector<3x2048xbf16>
    %convert_element_type3A_24 = arith.extf %convert_element_type3A_23 : vector<3x2048xbf16> to vector<3x2048xf32>
    %slice3A = vector.extract_strided_slice %convert_element_type3A_22 {offsets = [0, 0], sizes = [256, 1], strides = [1, 1]} : vector<256x3xf32> to vector<256x1xf32>
    %slice3A_25 = vector.extract_strided_slice %convert_element_type3A_24 {offsets = [0, 0], sizes = [1, 2048], strides = [1, 1]} : vector<3x2048xf32> to vector<1x2048xf32>
    %mul3A_26 = vector.broadcast %slice3A : vector<256x1xf32> to vector<256x2048xf32>
    %mul3A_27 = vector.broadcast %slice3A_25 : vector<1x2048xf32> to vector<256x2048xf32>
    %mul3A_28 = arith.mulf %mul3A_26, %mul3A_27 : vector<256x2048xf32>
    %slice3A_29 = vector.extract_strided_slice %convert_element_type3A_22 {offsets = [0, 1], sizes = [256, 1], strides = [1, 1]} : vector<256x3xf32> to vector<256x1xf32>
    %slice3A_30 = vector.extract_strided_slice %convert_element_type3A_24 {offsets = [1, 0], sizes = [1, 2048], strides = [1, 1]} : vector<3x2048xf32> to vector<1x2048xf32>
    %mul3A_31 = vector.broadcast %slice3A_29 : vector<256x1xf32> to vector<256x2048xf32>
    %mul3A_32 = vector.broadcast %slice3A_30 : vector<1x2048xf32> to vector<256x2048xf32>
    %mul3A_33 = arith.mulf %mul3A_31, %mul3A_32 : vector<256x2048xf32>
    %add3A = arith.addf %mul3A_28, %mul3A_33 : vector<256x2048xf32>
    %slice3A_34 = vector.extract_strided_slice %convert_element_type3A_22 {offsets = [0, 2], sizes = [256, 1], strides = [1, 1]} : vector<256x3xf32> to vector<256x1xf32>
    %slice3A_35 = vector.extract_strided_slice %convert_element_type3A_24 {offsets = [2, 0], sizes = [1, 2048], strides = [1, 1]} : vector<3x2048xf32> to vector<1x2048xf32>
    %mul3A_36 = vector.broadcast %slice3A_34 : vector<256x1xf32> to vector<256x2048xf32>
    %mul3A_37 = vector.broadcast %slice3A_35 : vector<1x2048xf32> to vector<256x2048xf32>
    %mul3A_38 = arith.mulf %mul3A_36, %mul3A_37 : vector<256x2048xf32>
    %add3A_39 = arith.addf %add3A, %mul3A_38 : vector<256x2048xf32>
    %mul3A_40 = arith.constant -2.000000e+00 : f32
    %mul3A_41 = vector.broadcast %mul3A_40 : f32 to vector<256x2048xf32>
    %mul3A_42 = arith.mulf %mul3A_41, %add3A_39 : vector<256x2048xf32>
    %neg3A = arith.constant 0.000000e+00 : f32
    %neg3A_43 = vector.broadcast %neg3A : f32 to vector<256x1xf32>
    %neg3A_44 = arith.subf %neg3A_43, %broadcast_in_dim3A_21 : vector<256x1xf32>
    %sub3A = vector.broadcast %neg3A_44 : vector<256x1xf32> to vector<256x2048xf32>
    %sub3A_45 = arith.subf %sub3A, %mul3A_42 : vector<256x2048xf32>
    %sub3A_46 = vector.broadcast %broadcast_in_dim3A : vector<1x2048xf32> to vector<256x2048xf32>
    %sub3A_47 = arith.subf %sub3A_45, %sub3A_46 : vector<256x2048xf32>
    %iota3A = tpu.iota {dimensions = array<i32: 1>} : vector<256x2048xi32>
    %reduce_max3A = arith.constant dense<0xFF800000> : vector<256xf32>
    %reduce_max3A_48 = vector.multi_reduction <maximumf>, %sub3A_47, %reduce_max3A [1] : vector<256x2048xf32> to vector<256xf32>
    %broadcast_in_dim3A_49 = vector.shape_cast %reduce_max3A_48 : vector<256xf32> to vector<256x1xf32>
    %eq3A = vector.broadcast %broadcast_in_dim3A_49 : vector<256x1xf32> to vector<256x2048xf32>
    %eq3A_50 = arith.cmpf oeq, %sub3A_47, %eq3A : vector<256x2048xf32>
    %jit3A = arith.constant 2048 : i32
    %broadcast_in_dim3A_51 = vector.broadcast %jit3A : i32 to vector<256x2048xi32>
    %select_n3A = arith.select %eq3A_50, %iota3A, %broadcast_in_dim3A_51 : vector<256x2048xi1>, vector<256x2048xi32>
    %reduce_min3A = arith.constant dense<2147483647> : vector<256xi32>
    %reduce_min3A_52 = vector.multi_reduction <minsi>, %select_n3A, %reduce_min3A [1] : vector<256x2048xi32> to vector<256xi32>
    %broadcast_in_dim3A_53 = vector.shape_cast %reduce_min3A_52 : vector<256xi32> to vector<256x1xi32>
    %eq3A_54 = vector.broadcast %broadcast_in_dim3A_53 : vector<256x1xi32> to vector<256x2048xi32>
    %eq3A_55 = arith.cmpi eq, %select_n3A, %eq3A_54 : vector<256x2048xi32>
    %jit3A_56 = arith.constant 0xFF800000 : f32
    %broadcast_in_dim3A_57 = vector.broadcast %jit3A_56 : f32 to vector<256x2048xf32>
    %select_n3A_58 = arith.select %eq3A_55, %broadcast_in_dim3A_57, %sub3A_47 : vector<256x2048xi1>, vector<256x2048xf32>
    %squeeze3A = vector.shape_cast %broadcast_in_dim3A_53 : vector<256x1xi32> to vector<256xi32>
    %mul3A_59 = arith.constant 2048 : i32
    %mul3A_60 = arith.muli %arg0, %mul3A_59 : i32
    %add3A_61 = vector.broadcast %mul3A_60 : i32 to vector<256xi32>
    %add3A_62 = arith.addi %squeeze3A, %add3A_61 : vector<256xi32>
    %swap3A = arith.constant 0 : index
    %swap3A_63 = arith.constant 0 : index
    %swap3A_64 = arith.constant 0 : index
    %swap3A_65 = vector.load %arg6[%swap3A, %swap3A_63, %swap3A_64] : memref<1x256x16xi32, #tpu.memory_space<vmem>>, vector<1x256x1xi32>
    %swap3A_66 = vector.shape_cast %swap3A_65 : vector<1x256x1xi32> to vector<256xi32>
    %swap3A_67 = vector.shape_cast %add3A_62 : vector<256xi32> to vector<1x256x1xi32>
    tpu.vector_store %arg6[%swap3A, %swap3A_63, %swap3A_64], %swap3A_67 {strides = array<i32>} : memref<1x256x16xi32, #tpu.memory_space<vmem>>, vector<1x256x1xi32>,
    %reduce_max3A_68 = arith.constant dense<0xFF800000> : vector<256xf32>
    %reduce_max3A_69 = vector.multi_reduction <maximumf>, %select_n3A_58, %reduce_max3A_68 [1] : vector<256x2048xf32> to vector<256xf32>
    %broadcast_in_dim3A_70 = vector.shape_cast %reduce_max3A_69 : vector<256xf32> to vector<256x1xf32>
    %eq3A_71 = vector.broadcast %broadcast_in_dim3A_70 : vector<256x1xf32> to vector<256x2048xf32>
    %eq3A_72 = arith.cmpf oeq, %select_n3A_58, %eq3A_71 : vector<256x2048xf32>
    %jit3A_73 = arith.constant 2048 : i32
    %broadcast_in_dim3A_74 = vector.broadcast %jit3A_73 : i32 to vector<256x2048xi32>
    %select_n3A_75 = arith.select %eq3A_72, %iota3A, %broadcast_in_dim3A_74 : vector<256x2048xi1>, vector<256x2048xi32>
    %reduce_min3A_76 = arith.constant dense<2147483647> : vector<256xi32>
    %reduce_min3A_77 = vector.multi_reduction <minsi>, %select_n3A_75, %reduce_min3A_76 [1] : vector<256x2048xi32> to vector<256xi32>
    %broadcast_in_dim3A_78 = vector.shape_cast %reduce_min3A_77 : vector<256xi32> to vector<256x1xi32>
    %eq3A_79 = vector.broadcast %broadcast_in_dim3A_78 : vector<256x1xi32> to vector<256x2048xi32>
    %eq3A_80 = arith.cmpi eq, %select_n3A_75, %eq3A_79 : vector<256x2048xi32>
    %jit3A_81 = arith.constant 0xFF800000 : f32
    %broadcast_in_dim3A_82 = vector.broadcast %jit3A_81 : f32 to vector<256x2048xf32>
    %select_n3A_83 = arith.select %eq3A_80, %broadcast_in_dim3A_82, %select_n3A_58 : vector<256x2048xi1>, vector<256x2048xf32>
    %squeeze3A_84 = vector.shape_cast %broadcast_in_dim3A_78 : vector<256x1xi32> to vector<256xi32>
    %mul3A_85 = arith.constant 2048 : i32
    %mul3A_86 = arith.muli %arg0, %mul3A_85 : i32
    %add3A_87 = vector.broadcast %mul3A_86 : i32 to vector<256xi32>
    %add3A_88 = arith.addi %squeeze3A_84, %add3A_87 : vector<256xi32>
    %swap3A_89 = arith.constant 0 : index
    %swap3A_90 = arith.constant 0 : index
    %swap3A_91 = arith.constant 1 : index
    %swap3A_92 = vector.load %arg6[%swap3A_89, %swap3A_90, %swap3A_91] : memref<1x256x16xi32, #tpu.memory_space<vmem>>, vector<1x256x1xi32>
    %swap3A_93 = vector.shape_cast %swap3A_92 : vector<1x256x1xi32> to vector<256xi32>
    %swap3A_94 = vector.shape_cast %add3A_88 : vector<256xi32> to vector<1x256x1xi32>
    tpu.vector_store %arg6[%swap3A_89, %swap3A_90, %swap3A_91], %swap3A_94 {strides = array<i32>} : memref<1x256x16xi32, #tpu.memory_space<vmem>>, vector<1x256x1xi32>,
    %reduce_max3A_95 = arith.constant dense<0xFF800000> : vector<256xf32>
    %reduce_max3A_96 = vector.multi_reduction <maximumf>, %select_n3A_83, %reduce_max3A_95 [1] : vector<256x2048xf32> to vector<256xf32>
    %broadcast_in_dim3A_97 = vector.shape_cast %reduce_max3A_96 : vector<256xf32> to vector<256x1xf32>
    %eq3A_98 = vector.broadcast %broadcast_in_dim3A_97 : vector<256x1xf32> to vector<256x2048xf32>
    %eq3A_99 = arith.cmpf oeq, %select_n3A_83, %eq3A_98 : vector<256x2048xf32>
    %jit3A_100 = arith.constant 2048 : i32
    %broadcast_in_dim3A_101 = vector.broadcast %jit3A_100 : i32 to vector<256x2048xi32>
    %select_n3A_102 = arith.select %eq3A_99, %iota3A, %broadcast_in_dim3A_101 : vector<256x2048xi1>, vector<256x2048xi32>
    %reduce_min3A_103 = arith.constant dense<2147483647> : vector<256xi32>
    %reduce_min3A_104 = vector.multi_reduction <minsi>, %select_n3A_102, %reduce_min3A_103 [1] : vector<256x2048xi32> to vector<256xi32>
    %broadcast_in_dim3A_105 = vector.shape_cast %reduce_min3A_104 : vector<256xi32> to vector<256x1xi32>
    %eq3A_106 = vector.broadcast %broadcast_in_dim3A_105 : vector<256x1xi32> to vector<256x2048xi32>
    %eq3A_107 = arith.cmpi eq, %select_n3A_102, %eq3A_106 : vector<256x2048xi32>
    %jit3A_108 = arith.constant 0xFF800000 : f32
    %broadcast_in_dim3A_109 = vector.broadcast %jit3A_108 : f32 to vector<256x2048xf32>
    %select_n3A_110 = arith.select %eq3A_107, %broadcast_in_dim3A_109, %select_n3A_83 : vector<256x2048xi1>, vector<256x2048xf32>
    %squeeze3A_111 = vector.shape_cast %broadcast_in_dim3A_105 : vector<256x1xi32> to vector<256xi32>
    %mul3A_112 = arith.constant 2048 : i32
    %mul3A_113 = arith.muli %arg0, %mul3A_112 : i32
    %add3A_114 = vector.broadcast %mul3A_113 : i32 to vector<256xi32>
    %add3A_115 = arith.addi %squeeze3A_111, %add3A_114 : vector<256xi32>
    %swap3A_116 = arith.constant 0 : index
    %swap3A_117 = arith.constant 0 : index
    %swap3A_118 = arith.constant 2 : index
    %swap3A_119 = vector.load %arg6[%swap3A_116, %swap3A_117, %swap3A_118] : memref<1x256x16xi32, #tpu.memory_space<vmem>>, vector<1x256x1xi32>
    %swap3A_120 = vector.shape_cast %swap3A_119 : vector<1x256x1xi32> to vector<256xi32>
    %swap3A_121 = vector.shape_cast %add3A_115 : vector<256xi32> to vector<1x256x1xi32>
    tpu.vector_store %arg6[%swap3A_116, %swap3A_117, %swap3A_118], %swap3A_121 {strides = array<i32>} : memref<1x256x16xi32, #tpu.memory_space<vmem>>, vector<1x256x1xi32>,
    %reduce_max3A_122 = arith.constant dense<0xFF800000> : vector<256xf32>
    %reduce_max3A_123 = vector.multi_reduction <maximumf>, %select_n3A_110, %reduce_max3A_122 [1] : vector<256x2048xf32> to vector<256xf32>
    %broadcast_in_dim3A_124 = vector.shape_cast %reduce_max3A_123 : vector<256xf32> to vector<256x1xf32>
    %eq3A_125 = vector.broadcast %broadcast_in_dim3A_124 : vector<256x1xf32> to vector<256x2048xf32>
    %eq3A_126 = arith.cmpf oeq, %select_n3A_110, %eq3A_125 : vector<256x2048xf32>
    %jit3A_127 = arith.constant 2048 : i32
    %broadcast_in_dim3A_128 = vector.broadcast %jit3A_127 : i32 to vector<256x2048xi32>
    %select_n3A_129 = arith.select %eq3A_126, %iota3A, %broadcast_in_dim3A_128 : vector<256x2048xi1>, vector<256x2048xi32>
    %reduce_min3A_130 = arith.constant dense<2147483647> : vector<256xi32>
    %reduce_min3A_131 = vector.multi_reduction <minsi>, %select_n3A_129, %reduce_min3A_130 [1] : vector<256x2048xi32> to vector<256xi32>
    %broadcast_in_dim3A_132 = vector.shape_cast %reduce_min3A_131 : vector<256xi32> to vector<256x1xi32>
    %eq3A_133 = vector.broadcast %broadcast_in_dim3A_132 : vector<256x1xi32> to vector<256x2048xi32>
    %eq3A_134 = arith.cmpi eq, %select_n3A_129, %eq3A_133 : vector<256x2048xi32>
    %jit3A_135 = arith.constant 0xFF800000 : f32
    %broadcast_in_dim3A_136 = vector.broadcast %jit3A_135 : f32 to vector<256x2048xf32>
    %select_n3A_137 = arith.select %eq3A_134, %broadcast_in_dim3A_136, %select_n3A_110 : vector<256x2048xi1>, vector<256x2048xf32>
    %squeeze3A_138 = vector.shape_cast %broadcast_in_dim3A_132 : vector<256x1xi32> to vector<256xi32>
    %mul3A_139 = arith.constant 2048 : i32
    %mul3A_140 = arith.muli %arg0, %mul3A_139 : i32
    %add3A_141 = vector.broadcast %mul3A_140 : i32 to vector<256xi32>
    %add3A_142 = arith.addi %squeeze3A_138, %add3A_141 : vector<256xi32>
    %swap3A_143 = arith.constant 0 : index
    %swap3A_144 = arith.constant 0 : index
    %swap3A_145 = arith.constant 3 : index
    %swap3A_146 = vector.load %arg6[%swap3A_143, %swap3A_144, %swap3A_145] : memref<1x256x16xi32, #tpu.memory_space<vmem>>, vector<1x256x1xi32>
    %swap3A_147 = vector.shape_cast %swap3A_146 : vector<1x256x1xi32> to vector<256xi32>
    %swap3A_148 = vector.shape_cast %add3A_142 : vector<256xi32> to vector<1x256x1xi32>
    tpu.vector_store %arg6[%swap3A_143, %swap3A_144, %swap3A_145], %swap3A_148 {strides = array<i32>} : memref<1x256x16xi32, #tpu.memory_space<vmem>>, vector<1x256x1xi32>,
    %reduce_max3A_149 = arith.constant dense<0xFF800000> : vector<256xf32>
    %reduce_max3A_150 = vector.multi_reduction <maximumf>, %select_n3A_137, %reduce_max3A_149 [1] : vector<256x2048xf32> to vector<256xf32>
    %broadcast_in_dim3A_151 = vector.shape_cast %reduce_max3A_150 : vector<256xf32> to vector<256x1xf32>
    %eq3A_152 = vector.broadcast %broadcast_in_dim3A_151 : vector<256x1xf32> to vector<256x2048xf32>
    %eq3A_153 = arith.cmpf oeq, %select_n3A_137, %eq3A_152 : vector<256x2048xf32>
    %jit3A_154 = arith.constant 2048 : i32
    %broadcast_in_dim3A_155 = vector.broadcast %jit3A_154 : i32 to vector<256x2048xi32>
    %select_n3A_156 = arith.select %eq3A_153, %iota3A, %broadcast_in_dim3A_155 : vector<256x2048xi1>, vector<256x2048xi32>
    %reduce_min3A_157 = arith.constant dense<2147483647> : vector<256xi32>
    %reduce_min3A_158 = vector.multi_reduction <minsi>, %select_n3A_156, %reduce_min3A_157 [1] : vector<256x2048xi32> to vector<256xi32>
    %broadcast_in_dim3A_159 = vector.shape_cast %reduce_min3A_158 : vector<256xi32> to vector<256x1xi32>
    %eq3A_160 = vector.broadcast %broadcast_in_dim3A_159 : vector<256x1xi32> to vector<256x2048xi32>
    %eq3A_161 = arith.cmpi eq, %select_n3A_156, %eq3A_160 : vector<256x2048xi32>
    %jit3A_162 = arith.constant 0xFF800000 : f32
    %broadcast_in_dim3A_163 = vector.broadcast %jit3A_162 : f32 to vector<256x2048xf32>
    %select_n3A_164 = arith.select %eq3A_161, %broadcast_in_dim3A_163, %select_n3A_137 : vector<256x2048xi1>, vector<256x2048xf32>
    %squeeze3A_165 = vector.shape_cast %broadcast_in_dim3A_159 : vector<256x1xi32> to vector<256xi32>
    %mul3A_166 = arith.constant 2048 : i32
    %mul3A_167 = arith.muli %arg0, %mul3A_166 : i32
    %add3A_168 = vector.broadcast %mul3A_167 : i32 to vector<256xi32>
    %add3A_169 = arith.addi %squeeze3A_165, %add3A_168 : vector<256xi32>
    %swap3A_170 = arith.constant 0 : index
    %swap3A_171 = arith.constant 0 : index
    %swap3A_172 = arith.constant 4 : index
    %swap3A_173 = vector.load %arg6[%swap3A_170, %swap3A_171, %swap3A_172] : memref<1x256x16xi32, #tpu.memory_space<vmem>>, vector<1x256x1xi32>
    %swap3A_174 = vector.shape_cast %swap3A_173 : vector<1x256x1xi32> to vector<256xi32>
    %swap3A_175 = vector.shape_cast %add3A_169 : vector<256xi32> to vector<1x256x1xi32>
    tpu.vector_store %arg6[%swap3A_170, %swap3A_171, %swap3A_172], %swap3A_175 {strides = array<i32>} : memref<1x256x16xi32, #tpu.memory_space<vmem>>, vector<1x256x1xi32>,
    %reduce_max3A_176 = arith.constant dense<0xFF800000> : vector<256xf32>
    %reduce_max3A_177 = vector.multi_reduction <maximumf>, %select_n3A_164, %reduce_max3A_176 [1] : vector<256x2048xf32> to vector<256xf32>
    %broadcast_in_dim3A_178 = vector.shape_cast %reduce_max3A_177 : vector<256xf32> to vector<256x1xf32>
    %eq3A_179 = vector.broadcast %broadcast_in_dim3A_178 : vector<256x1xf32> to vector<256x2048xf32>
    %eq3A_180 = arith.cmpf oeq, %select_n3A_164, %eq3A_179 : vector<256x2048xf32>
    %jit3A_181 = arith.constant 2048 : i32
    %broadcast_in_dim3A_182 = vector.broadcast %jit3A_181 : i32 to vector<256x2048xi32>
    %select_n3A_183 = arith.select %eq3A_180, %iota3A, %broadcast_in_dim3A_182 : vector<256x2048xi1>, vector<256x2048xi32>
    %reduce_min3A_184 = arith.constant dense<2147483647> : vector<256xi32>
    %reduce_min3A_185 = vector.multi_reduction <minsi>, %select_n3A_183, %reduce_min3A_184 [1] : vector<256x2048xi32> to vector<256xi32>
    %broadcast_in_dim3A_186 = vector.shape_cast %reduce_min3A_185 : vector<256xi32> to vector<256x1xi32>
    %eq3A_187 = vector.broadcast %broadcast_in_dim3A_186 : vector<256x1xi32> to vector<256x2048xi32>
    %eq3A_188 = arith.cmpi eq, %select_n3A_183, %eq3A_187 : vector<256x2048xi32>
    %jit3A_189 = arith.constant 0xFF800000 : f32
    %broadcast_in_dim3A_190 = vector.broadcast %jit3A_189 : f32 to vector<256x2048xf32>
    %select_n3A_191 = arith.select %eq3A_188, %broadcast_in_dim3A_190, %select_n3A_164 : vector<256x2048xi1>, vector<256x2048xf32>
    %squeeze3A_192 = vector.shape_cast %broadcast_in_dim3A_186 : vector<256x1xi32> to vector<256xi32>
    %mul3A_193 = arith.constant 2048 : i32
    %mul3A_194 = arith.muli %arg0, %mul3A_193 : i32
    %add3A_195 = vector.broadcast %mul3A_194 : i32 to vector<256xi32>
    %add3A_196 = arith.addi %squeeze3A_192, %add3A_195 : vector<256xi32>
    %swap3A_197 = arith.constant 0 : index
    %swap3A_198 = arith.constant 0 : index
    %swap3A_199 = arith.constant 5 : index
    %swap3A_200 = vector.load %arg6[%swap3A_197, %swap3A_198, %swap3A_199] : memref<1x256x16xi32, #tpu.memory_space<vmem>>, vector<1x256x1xi32>
    %swap3A_201 = vector.shape_cast %swap3A_200 : vector<1x256x1xi32> to vector<256xi32>
    %swap3A_202 = vector.shape_cast %add3A_196 : vector<256xi32> to vector<1x256x1xi32>
    tpu.vector_store %arg6[%swap3A_197, %swap3A_198, %swap3A_199], %swap3A_202 {strides = array<i32>} : memref<1x256x16xi32, #tpu.memory_space<vmem>>, vector<1x256x1xi32>,
    %reduce_max3A_203 = arith.constant dense<0xFF800000> : vector<256xf32>
    %reduce_max3A_204 = vector.multi_reduction <maximumf>, %select_n3A_191, %reduce_max3A_203 [1] : vector<256x2048xf32> to vector<256xf32>
    %broadcast_in_dim3A_205 = vector.shape_cast %reduce_max3A_204 : vector<256xf32> to vector<256x1xf32>
    %eq3A_206 = vector.broadcast %broadcast_in_dim3A_205 : vector<256x1xf32> to vector<256x2048xf32>
    %eq3A_207 = arith.cmpf oeq, %select_n3A_191, %eq3A_206 : vector<256x2048xf32>
    %jit3A_208 = arith.constant 2048 : i32
    %broadcast_in_dim3A_209 = vector.broadcast %jit3A_208 : i32 to vector<256x2048xi32>
    %select_n3A_210 = arith.select %eq3A_207, %iota3A, %broadcast_in_dim3A_209 : vector<256x2048xi1>, vector<256x2048xi32>
    %reduce_min3A_211 = arith.constant dense<2147483647> : vector<256xi32>
    %reduce_min3A_212 = vector.multi_reduction <minsi>, %select_n3A_210, %reduce_min3A_211 [1] : vector<256x2048xi32> to vector<256xi32>
    %broadcast_in_dim3A_213 = vector.shape_cast %reduce_min3A_212 : vector<256xi32> to vector<256x1xi32>
    %eq3A_214 = vector.broadcast %broadcast_in_dim3A_213 : vector<256x1xi32> to vector<256x2048xi32>
    %eq3A_215 = arith.cmpi eq, %select_n3A_210, %eq3A_214 : vector<256x2048xi32>
    %jit3A_216 = arith.constant 0xFF800000 : f32
    %broadcast_in_dim3A_217 = vector.broadcast %jit3A_216 : f32 to vector<256x2048xf32>
    %select_n3A_218 = arith.select %eq3A_215, %broadcast_in_dim3A_217, %select_n3A_191 : vector<256x2048xi1>, vector<256x2048xf32>
    %squeeze3A_219 = vector.shape_cast %broadcast_in_dim3A_213 : vector<256x1xi32> to vector<256xi32>
    %mul3A_220 = arith.constant 2048 : i32
    %mul3A_221 = arith.muli %arg0, %mul3A_220 : i32
    %add3A_222 = vector.broadcast %mul3A_221 : i32 to vector<256xi32>
    %add3A_223 = arith.addi %squeeze3A_219, %add3A_222 : vector<256xi32>
    %swap3A_224 = arith.constant 0 : index
    %swap3A_225 = arith.constant 0 : index
    %swap3A_226 = arith.constant 6 : index
    %swap3A_227 = vector.load %arg6[%swap3A_224, %swap3A_225, %swap3A_226] : memref<1x256x16xi32, #tpu.memory_space<vmem>>, vector<1x256x1xi32>
    %swap3A_228 = vector.shape_cast %swap3A_227 : vector<1x256x1xi32> to vector<256xi32>
    %swap3A_229 = vector.shape_cast %add3A_223 : vector<256xi32> to vector<1x256x1xi32>
    tpu.vector_store %arg6[%swap3A_224, %swap3A_225, %swap3A_226], %swap3A_229 {strides = array<i32>} : memref<1x256x16xi32, #tpu.memory_space<vmem>>, vector<1x256x1xi32>,
    %reduce_max3A_230 = arith.constant dense<0xFF800000> : vector<256xf32>
    %reduce_max3A_231 = vector.multi_reduction <maximumf>, %select_n3A_218, %reduce_max3A_230 [1] : vector<256x2048xf32> to vector<256xf32>
    %broadcast_in_dim3A_232 = vector.shape_cast %reduce_max3A_231 : vector<256xf32> to vector<256x1xf32>
    %eq3A_233 = vector.broadcast %broadcast_in_dim3A_232 : vector<256x1xf32> to vector<256x2048xf32>
    %eq3A_234 = arith.cmpf oeq, %select_n3A_218, %eq3A_233 : vector<256x2048xf32>
    %jit3A_235 = arith.constant 2048 : i32
    %broadcast_in_dim3A_236 = vector.broadcast %jit3A_235 : i32 to vector<256x2048xi32>
    %select_n3A_237 = arith.select %eq3A_234, %iota3A, %broadcast_in_dim3A_236 : vector<256x2048xi1>, vector<256x2048xi32>
    %reduce_min3A_238 = arith.constant dense<2147483647> : vector<256xi32>
    %reduce_min3A_239 = vector.multi_reduction <minsi>, %select_n3A_237, %reduce_min3A_238 [1] : vector<256x2048xi32> to vector<256xi32>
    %broadcast_in_dim3A_240 = vector.shape_cast %reduce_min3A_239 : vector<256xi32> to vector<256x1xi32>
    %eq3A_241 = vector.broadcast %broadcast_in_dim3A_240 : vector<256x1xi32> to vector<256x2048xi32>
    %eq3A_242 = arith.cmpi eq, %select_n3A_237, %eq3A_241 : vector<256x2048xi32>
    %jit3A_243 = arith.constant 0xFF800000 : f32
    %broadcast_in_dim3A_244 = vector.broadcast %jit3A_243 : f32 to vector<256x2048xf32>
    %select_n3A_245 = arith.select %eq3A_242, %broadcast_in_dim3A_244, %select_n3A_218 : vector<256x2048xi1>, vector<256x2048xf32>
    %squeeze3A_246 = vector.shape_cast %broadcast_in_dim3A_240 : vector<256x1xi32> to vector<256xi32>
    %mul3A_247 = arith.constant 2048 : i32
    %mul3A_248 = arith.muli %arg0, %mul3A_247 : i32
    %add3A_249 = vector.broadcast %mul3A_248 : i32 to vector<256xi32>
    %add3A_250 = arith.addi %squeeze3A_246, %add3A_249 : vector<256xi32>
    %swap3A_251 = arith.constant 0 : index
    %swap3A_252 = arith.constant 0 : index
    %swap3A_253 = arith.constant 7 : index
    %swap3A_254 = vector.load %arg6[%swap3A_251, %swap3A_252, %swap3A_253] : memref<1x256x16xi32, #tpu.memory_space<vmem>>, vector<1x256x1xi32>
    %swap3A_255 = vector.shape_cast %swap3A_254 : vector<1x256x1xi32> to vector<256xi32>
    %swap3A_256 = vector.shape_cast %add3A_250 : vector<256xi32> to vector<1x256x1xi32>
    tpu.vector_store %arg6[%swap3A_251, %swap3A_252, %swap3A_253], %swap3A_256 {strides = array<i32>} : memref<1x256x16xi32, #tpu.memory_space<vmem>>, vector<1x256x1xi32>,
    %reduce_max3A_257 = arith.constant dense<0xFF800000> : vector<256xf32>
    %reduce_max3A_258 = vector.multi_reduction <maximumf>, %select_n3A_245, %reduce_max3A_257 [1] : vector<256x2048xf32> to vector<256xf32>
    %broadcast_in_dim3A_259 = vector.shape_cast %reduce_max3A_258 : vector<256xf32> to vector<256x1xf32>
    %eq3A_260 = vector.broadcast %broadcast_in_dim3A_259 : vector<256x1xf32> to vector<256x2048xf32>
    %eq3A_261 = arith.cmpf oeq, %select_n3A_245, %eq3A_260 : vector<256x2048xf32>
    %jit3A_262 = arith.constant 2048 : i32
    %broadcast_in_dim3A_263 = vector.broadcast %jit3A_262 : i32 to vector<256x2048xi32>
    %select_n3A_264 = arith.select %eq3A_261, %iota3A, %broadcast_in_dim3A_263 : vector<256x2048xi1>, vector<256x2048xi32>
    %reduce_min3A_265 = arith.constant dense<2147483647> : vector<256xi32>
    %reduce_min3A_266 = vector.multi_reduction <minsi>, %select_n3A_264, %reduce_min3A_265 [1] : vector<256x2048xi32> to vector<256xi32>
    %broadcast_in_dim3A_267 = vector.shape_cast %reduce_min3A_266 : vector<256xi32> to vector<256x1xi32>
    %eq3A_268 = vector.broadcast %broadcast_in_dim3A_267 : vector<256x1xi32> to vector<256x2048xi32>
    %eq3A_269 = arith.cmpi eq, %select_n3A_264, %eq3A_268 : vector<256x2048xi32>
    %jit3A_270 = arith.constant 0xFF800000 : f32
    %broadcast_in_dim3A_271 = vector.broadcast %jit3A_270 : f32 to vector<256x2048xf32>
    %select_n3A_272 = arith.select %eq3A_269, %broadcast_in_dim3A_271, %select_n3A_245 : vector<256x2048xi1>, vector<256x2048xf32>
    %squeeze3A_273 = vector.shape_cast %broadcast_in_dim3A_267 : vector<256x1xi32> to vector<256xi32>
    %mul3A_274 = arith.constant 2048 : i32
    %mul3A_275 = arith.muli %arg0, %mul3A_274 : i32
    %add3A_276 = vector.broadcast %mul3A_275 : i32 to vector<256xi32>
    %add3A_277 = arith.addi %squeeze3A_273, %add3A_276 : vector<256xi32>
    %swap3A_278 = arith.constant 0 : index
    %swap3A_279 = arith.constant 0 : index
    %swap3A_280 = arith.constant 8 : index
    %swap3A_281 = vector.load %arg6[%swap3A_278, %swap3A_279, %swap3A_280] : memref<1x256x16xi32, #tpu.memory_space<vmem>>, vector<1x256x1xi32>
    %swap3A_282 = vector.shape_cast %swap3A_281 : vector<1x256x1xi32> to vector<256xi32>
    %swap3A_283 = vector.shape_cast %add3A_277 : vector<256xi32> to vector<1x256x1xi32>
    tpu.vector_store %arg6[%swap3A_278, %swap3A_279, %swap3A_280], %swap3A_283 {strides = array<i32>} : memref<1x256x16xi32, #tpu.memory_space<vmem>>, vector<1x256x1xi32>,
    %reduce_max3A_284 = arith.constant dense<0xFF800000> : vector<256xf32>
    %reduce_max3A_285 = vector.multi_reduction <maximumf>, %select_n3A_272, %reduce_max3A_284 [1] : vector<256x2048xf32> to vector<256xf32>
    %broadcast_in_dim3A_286 = vector.shape_cast %reduce_max3A_285 : vector<256xf32> to vector<256x1xf32>
    %eq3A_287 = vector.broadcast %broadcast_in_dim3A_286 : vector<256x1xf32> to vector<256x2048xf32>
    %eq3A_288 = arith.cmpf oeq, %select_n3A_272, %eq3A_287 : vector<256x2048xf32>
    %jit3A_289 = arith.constant 2048 : i32
    %broadcast_in_dim3A_290 = vector.broadcast %jit3A_289 : i32 to vector<256x2048xi32>
    %select_n3A_291 = arith.select %eq3A_288, %iota3A, %broadcast_in_dim3A_290 : vector<256x2048xi1>, vector<256x2048xi32>
    %reduce_min3A_292 = arith.constant dense<2147483647> : vector<256xi32>
    %reduce_min3A_293 = vector.multi_reduction <minsi>, %select_n3A_291, %reduce_min3A_292 [1] : vector<256x2048xi32> to vector<256xi32>
    %broadcast_in_dim3A_294 = vector.shape_cast %reduce_min3A_293 : vector<256xi32> to vector<256x1xi32>
    %eq3A_295 = vector.broadcast %broadcast_in_dim3A_294 : vector<256x1xi32> to vector<256x2048xi32>
    %eq3A_296 = arith.cmpi eq, %select_n3A_291, %eq3A_295 : vector<256x2048xi32>
    %jit3A_297 = arith.constant 0xFF800000 : f32
    %broadcast_in_dim3A_298 = vector.broadcast %jit3A_297 : f32 to vector<256x2048xf32>
    %select_n3A_299 = arith.select %eq3A_296, %broadcast_in_dim3A_298, %select_n3A_272 : vector<256x2048xi1>, vector<256x2048xf32>
    %squeeze3A_300 = vector.shape_cast %broadcast_in_dim3A_294 : vector<256x1xi32> to vector<256xi32>
    %mul3A_301 = arith.constant 2048 : i32
    %mul3A_302 = arith.muli %arg0, %mul3A_301 : i32
    %add3A_303 = vector.broadcast %mul3A_302 : i32 to vector<256xi32>
    %add3A_304 = arith.addi %squeeze3A_300, %add3A_303 : vector<256xi32>
    %swap3A_305 = arith.constant 0 : index
    %swap3A_306 = arith.constant 0 : index
    %swap3A_307 = arith.constant 9 : index
    %swap3A_308 = vector.load %arg6[%swap3A_305, %swap3A_306, %swap3A_307] : memref<1x256x16xi32, #tpu.memory_space<vmem>>, vector<1x256x1xi32>
    %swap3A_309 = vector.shape_cast %swap3A_308 : vector<1x256x1xi32> to vector<256xi32>
    %swap3A_310 = vector.shape_cast %add3A_304 : vector<256xi32> to vector<1x256x1xi32>
    tpu.vector_store %arg6[%swap3A_305, %swap3A_306, %swap3A_307], %swap3A_310 {strides = array<i32>} : memref<1x256x16xi32, #tpu.memory_space<vmem>>, vector<1x256x1xi32>,
    %reduce_max3A_311 = arith.constant dense<0xFF800000> : vector<256xf32>
    %reduce_max3A_312 = vector.multi_reduction <maximumf>, %select_n3A_299, %reduce_max3A_311 [1] : vector<256x2048xf32> to vector<256xf32>
    %broadcast_in_dim3A_313 = vector.shape_cast %reduce_max3A_312 : vector<256xf32> to vector<256x1xf32>
    %eq3A_314 = vector.broadcast %broadcast_in_dim3A_313 : vector<256x1xf32> to vector<256x2048xf32>
    %eq3A_315 = arith.cmpf oeq, %select_n3A_299, %eq3A_314 : vector<256x2048xf32>
    %jit3A_316 = arith.constant 2048 : i32
    %broadcast_in_dim3A_317 = vector.broadcast %jit3A_316 : i32 to vector<256x2048xi32>
    %select_n3A_318 = arith.select %eq3A_315, %iota3A, %broadcast_in_dim3A_317 : vector<256x2048xi1>, vector<256x2048xi32>
    %reduce_min3A_319 = arith.constant dense<2147483647> : vector<256xi32>
    %reduce_min3A_320 = vector.multi_reduction <minsi>, %select_n3A_318, %reduce_min3A_319 [1] : vector<256x2048xi32> to vector<256xi32>
    %broadcast_in_dim3A_321 = vector.shape_cast %reduce_min3A_320 : vector<256xi32> to vector<256x1xi32>
    %eq3A_322 = vector.broadcast %broadcast_in_dim3A_321 : vector<256x1xi32> to vector<256x2048xi32>
    %eq3A_323 = arith.cmpi eq, %select_n3A_318, %eq3A_322 : vector<256x2048xi32>
    %jit3A_324 = arith.constant 0xFF800000 : f32
    %broadcast_in_dim3A_325 = vector.broadcast %jit3A_324 : f32 to vector<256x2048xf32>
    %select_n3A_326 = arith.select %eq3A_323, %broadcast_in_dim3A_325, %select_n3A_299 : vector<256x2048xi1>, vector<256x2048xf32>
    %squeeze3A_327 = vector.shape_cast %broadcast_in_dim3A_321 : vector<256x1xi32> to vector<256xi32>
    %mul3A_328 = arith.constant 2048 : i32
    %mul3A_329 = arith.muli %arg0, %mul3A_328 : i32
    %add3A_330 = vector.broadcast %mul3A_329 : i32 to vector<256xi32>
    %add3A_331 = arith.addi %squeeze3A_327, %add3A_330 : vector<256xi32>
    %swap3A_332 = arith.constant 0 : index
    %swap3A_333 = arith.constant 0 : index
    %swap3A_334 = arith.constant 10 : index
    %swap3A_335 = vector.load %arg6[%swap3A_332, %swap3A_333, %swap3A_334] : memref<1x256x16xi32, #tpu.memory_space<vmem>>, vector<1x256x1xi32>
    %swap3A_336 = vector.shape_cast %swap3A_335 : vector<1x256x1xi32> to vector<256xi32>
    %swap3A_337 = vector.shape_cast %add3A_331 : vector<256xi32> to vector<1x256x1xi32>
    tpu.vector_store %arg6[%swap3A_332, %swap3A_333, %swap3A_334], %swap3A_337 {strides = array<i32>} : memref<1x256x16xi32, #tpu.memory_space<vmem>>, vector<1x256x1xi32>,
    %reduce_max3A_338 = arith.constant dense<0xFF800000> : vector<256xf32>
    %reduce_max3A_339 = vector.multi_reduction <maximumf>, %select_n3A_326, %reduce_max3A_338 [1] : vector<256x2048xf32> to vector<256xf32>
    %broadcast_in_dim3A_340 = vector.shape_cast %reduce_max3A_339 : vector<256xf32> to vector<256x1xf32>
    %eq3A_341 = vector.broadcast %broadcast_in_dim3A_340 : vector<256x1xf32> to vector<256x2048xf32>
    %eq3A_342 = arith.cmpf oeq, %select_n3A_326, %eq3A_341 : vector<256x2048xf32>
    %jit3A_343 = arith.constant 2048 : i32
    %broadcast_in_dim3A_344 = vector.broadcast %jit3A_343 : i32 to vector<256x2048xi32>
    %select_n3A_345 = arith.select %eq3A_342, %iota3A, %broadcast_in_dim3A_344 : vector<256x2048xi1>, vector<256x2048xi32>
    %reduce_min3A_346 = arith.constant dense<2147483647> : vector<256xi32>
    %reduce_min3A_347 = vector.multi_reduction <minsi>, %select_n3A_345, %reduce_min3A_346 [1] : vector<256x2048xi32> to vector<256xi32>
    %broadcast_in_dim3A_348 = vector.shape_cast %reduce_min3A_347 : vector<256xi32> to vector<256x1xi32>
    %eq3A_349 = vector.broadcast %broadcast_in_dim3A_348 : vector<256x1xi32> to vector<256x2048xi32>
    %eq3A_350 = arith.cmpi eq, %select_n3A_345, %eq3A_349 : vector<256x2048xi32>
    %jit3A_351 = arith.constant 0xFF800000 : f32
    %broadcast_in_dim3A_352 = vector.broadcast %jit3A_351 : f32 to vector<256x2048xf32>
    %select_n3A_353 = arith.select %eq3A_350, %broadcast_in_dim3A_352, %select_n3A_326 : vector<256x2048xi1>, vector<256x2048xf32>
    %squeeze3A_354 = vector.shape_cast %broadcast_in_dim3A_348 : vector<256x1xi32> to vector<256xi32>
    %mul3A_355 = arith.constant 2048 : i32
    %mul3A_356 = arith.muli %arg0, %mul3A_355 : i32
    %add3A_357 = vector.broadcast %mul3A_356 : i32 to vector<256xi32>
    %add3A_358 = arith.addi %squeeze3A_354, %add3A_357 : vector<256xi32>
    %swap3A_359 = arith.constant 0 : index
    %swap3A_360 = arith.constant 0 : index
    %swap3A_361 = arith.constant 11 : index
    %swap3A_362 = vector.load %arg6[%swap3A_359, %swap3A_360, %swap3A_361] : memref<1x256x16xi32, #tpu.memory_space<vmem>>, vector<1x256x1xi32>
    %swap3A_363 = vector.shape_cast %swap3A_362 : vector<1x256x1xi32> to vector<256xi32>
    %swap3A_364 = vector.shape_cast %add3A_358 : vector<256xi32> to vector<1x256x1xi32>
    tpu.vector_store %arg6[%swap3A_359, %swap3A_360, %swap3A_361], %swap3A_364 {strides = array<i32>} : memref<1x256x16xi32, #tpu.memory_space<vmem>>, vector<1x256x1xi32>,
    %reduce_max3A_365 = arith.constant dense<0xFF800000> : vector<256xf32>
    %reduce_max3A_366 = vector.multi_reduction <maximumf>, %select_n3A_353, %reduce_max3A_365 [1] : vector<256x2048xf32> to vector<256xf32>
    %broadcast_in_dim3A_367 = vector.shape_cast %reduce_max3A_366 : vector<256xf32> to vector<256x1xf32>
    %eq3A_368 = vector.broadcast %broadcast_in_dim3A_367 : vector<256x1xf32> to vector<256x2048xf32>
    %eq3A_369 = arith.cmpf oeq, %select_n3A_353, %eq3A_368 : vector<256x2048xf32>
    %jit3A_370 = arith.constant 2048 : i32
    %broadcast_in_dim3A_371 = vector.broadcast %jit3A_370 : i32 to vector<256x2048xi32>
    %select_n3A_372 = arith.select %eq3A_369, %iota3A, %broadcast_in_dim3A_371 : vector<256x2048xi1>, vector<256x2048xi32>
    %reduce_min3A_373 = arith.constant dense<2147483647> : vector<256xi32>
    %reduce_min3A_374 = vector.multi_reduction <minsi>, %select_n3A_372, %reduce_min3A_373 [1] : vector<256x2048xi32> to vector<256xi32>
    %broadcast_in_dim3A_375 = vector.shape_cast %reduce_min3A_374 : vector<256xi32> to vector<256x1xi32>
    %eq3A_376 = vector.broadcast %broadcast_in_dim3A_375 : vector<256x1xi32> to vector<256x2048xi32>
    %eq3A_377 = arith.cmpi eq, %select_n3A_372, %eq3A_376 : vector<256x2048xi32>
    %jit3A_378 = arith.constant 0xFF800000 : f32
    %broadcast_in_dim3A_379 = vector.broadcast %jit3A_378 : f32 to vector<256x2048xf32>
    %select_n3A_380 = arith.select %eq3A_377, %broadcast_in_dim3A_379, %select_n3A_353 : vector<256x2048xi1>, vector<256x2048xf32>
    %squeeze3A_381 = vector.shape_cast %broadcast_in_dim3A_375 : vector<256x1xi32> to vector<256xi32>
    %mul3A_382 = arith.constant 2048 : i32
    %mul3A_383 = arith.muli %arg0, %mul3A_382 : i32
    %add3A_384 = vector.broadcast %mul3A_383 : i32 to vector<256xi32>
    %add3A_385 = arith.addi %squeeze3A_381, %add3A_384 : vector<256xi32>
    %swap3A_386 = arith.constant 0 : index
    %swap3A_387 = arith.constant 0 : index
    %swap3A_388 = arith.constant 12 : index
    %swap3A_389 = vector.load %arg6[%swap3A_386, %swap3A_387, %swap3A_388] : memref<1x256x16xi32, #tpu.memory_space<vmem>>, vector<1x256x1xi32>
    %swap3A_390 = vector.shape_cast %swap3A_389 : vector<1x256x1xi32> to vector<256xi32>
    %swap3A_391 = vector.shape_cast %add3A_385 : vector<256xi32> to vector<1x256x1xi32>
    tpu.vector_store %arg6[%swap3A_386, %swap3A_387, %swap3A_388], %swap3A_391 {strides = array<i32>} : memref<1x256x16xi32, #tpu.memory_space<vmem>>, vector<1x256x1xi32>,
    %reduce_max3A_392 = arith.constant dense<0xFF800000> : vector<256xf32>
    %reduce_max3A_393 = vector.multi_reduction <maximumf>, %select_n3A_380, %reduce_max3A_392 [1] : vector<256x2048xf32> to vector<256xf32>
    %broadcast_in_dim3A_394 = vector.shape_cast %reduce_max3A_393 : vector<256xf32> to vector<256x1xf32>
    %eq3A_395 = vector.broadcast %broadcast_in_dim3A_394 : vector<256x1xf32> to vector<256x2048xf32>
    %eq3A_396 = arith.cmpf oeq, %select_n3A_380, %eq3A_395 : vector<256x2048xf32>
    %jit3A_397 = arith.constant 2048 : i32
    %broadcast_in_dim3A_398 = vector.broadcast %jit3A_397 : i32 to vector<256x2048xi32>
    %select_n3A_399 = arith.select %eq3A_396, %iota3A, %broadcast_in_dim3A_398 : vector<256x2048xi1>, vector<256x2048xi32>
    %reduce_min3A_400 = arith.constant dense<2147483647> : vector<256xi32>
    %reduce_min3A_401 = vector.multi_reduction <minsi>, %select_n3A_399, %reduce_min3A_400 [1] : vector<256x2048xi32> to vector<256xi32>
    %broadcast_in_dim3A_402 = vector.shape_cast %reduce_min3A_401 : vector<256xi32> to vector<256x1xi32>
    %eq3A_403 = vector.broadcast %broadcast_in_dim3A_402 : vector<256x1xi32> to vector<256x2048xi32>
    %eq3A_404 = arith.cmpi eq, %select_n3A_399, %eq3A_403 : vector<256x2048xi32>
    %jit3A_405 = arith.constant 0xFF800000 : f32
    %broadcast_in_dim3A_406 = vector.broadcast %jit3A_405 : f32 to vector<256x2048xf32>
    %select_n3A_407 = arith.select %eq3A_404, %broadcast_in_dim3A_406, %select_n3A_380 : vector<256x2048xi1>, vector<256x2048xf32>
    %squeeze3A_408 = vector.shape_cast %broadcast_in_dim3A_402 : vector<256x1xi32> to vector<256xi32>
    %mul3A_409 = arith.constant 2048 : i32
    %mul3A_410 = arith.muli %arg0, %mul3A_409 : i32
    %add3A_411 = vector.broadcast %mul3A_410 : i32 to vector<256xi32>
    %add3A_412 = arith.addi %squeeze3A_408, %add3A_411 : vector<256xi32>
    %swap3A_413 = arith.constant 0 : index
    %swap3A_414 = arith.constant 0 : index
    %swap3A_415 = arith.constant 13 : index
    %swap3A_416 = vector.load %arg6[%swap3A_413, %swap3A_414, %swap3A_415] : memref<1x256x16xi32, #tpu.memory_space<vmem>>, vector<1x256x1xi32>
    %swap3A_417 = vector.shape_cast %swap3A_416 : vector<1x256x1xi32> to vector<256xi32>
    %swap3A_418 = vector.shape_cast %add3A_412 : vector<256xi32> to vector<1x256x1xi32>
    tpu.vector_store %arg6[%swap3A_413, %swap3A_414, %swap3A_415], %swap3A_418 {strides = array<i32>} : memref<1x256x16xi32, #tpu.memory_space<vmem>>, vector<1x256x1xi32>,
    %reduce_max3A_419 = arith.constant dense<0xFF800000> : vector<256xf32>
    %reduce_max3A_420 = vector.multi_reduction <maximumf>, %select_n3A_407, %reduce_max3A_419 [1] : vector<256x2048xf32> to vector<256xf32>
    %broadcast_in_dim3A_421 = vector.shape_cast %reduce_max3A_420 : vector<256xf32> to vector<256x1xf32>
    %eq3A_422 = vector.broadcast %broadcast_in_dim3A_421 : vector<256x1xf32> to vector<256x2048xf32>
    %eq3A_423 = arith.cmpf oeq, %select_n3A_407, %eq3A_422 : vector<256x2048xf32>
    %jit3A_424 = arith.constant 2048 : i32
    %broadcast_in_dim3A_425 = vector.broadcast %jit3A_424 : i32 to vector<256x2048xi32>
    %select_n3A_426 = arith.select %eq3A_423, %iota3A, %broadcast_in_dim3A_425 : vector<256x2048xi1>, vector<256x2048xi32>
    %reduce_min3A_427 = arith.constant dense<2147483647> : vector<256xi32>
    %reduce_min3A_428 = vector.multi_reduction <minsi>, %select_n3A_426, %reduce_min3A_427 [1] : vector<256x2048xi32> to vector<256xi32>
    %broadcast_in_dim3A_429 = vector.shape_cast %reduce_min3A_428 : vector<256xi32> to vector<256x1xi32>
    %eq3A_430 = vector.broadcast %broadcast_in_dim3A_429 : vector<256x1xi32> to vector<256x2048xi32>
    %eq3A_431 = arith.cmpi eq, %select_n3A_426, %eq3A_430 : vector<256x2048xi32>
    %jit3A_432 = arith.constant 0xFF800000 : f32
    %broadcast_in_dim3A_433 = vector.broadcast %jit3A_432 : f32 to vector<256x2048xf32>
    %select_n3A_434 = arith.select %eq3A_431, %broadcast_in_dim3A_433, %select_n3A_407 : vector<256x2048xi1>, vector<256x2048xf32>
    %squeeze3A_435 = vector.shape_cast %broadcast_in_dim3A_429 : vector<256x1xi32> to vector<256xi32>
    %mul3A_436 = arith.constant 2048 : i32
    %mul3A_437 = arith.muli %arg0, %mul3A_436 : i32
    %add3A_438 = vector.broadcast %mul3A_437 : i32 to vector<256xi32>
    %add3A_439 = arith.addi %squeeze3A_435, %add3A_438 : vector<256xi32>
    %swap3A_440 = arith.constant 0 : index
    %swap3A_441 = arith.constant 0 : index
    %swap3A_442 = arith.constant 14 : index
    %swap3A_443 = vector.load %arg6[%swap3A_440, %swap3A_441, %swap3A_442] : memref<1x256x16xi32, #tpu.memory_space<vmem>>, vector<1x256x1xi32>
    %swap3A_444 = vector.shape_cast %swap3A_443 : vector<1x256x1xi32> to vector<256xi32>
    %swap3A_445 = vector.shape_cast %add3A_439 : vector<256xi32> to vector<1x256x1xi32>
    tpu.vector_store %arg6[%swap3A_440, %swap3A_441, %swap3A_442], %swap3A_445 {strides = array<i32>} : memref<1x256x16xi32, #tpu.memory_space<vmem>>, vector<1x256x1xi32>,
    %reduce_max3A_446 = arith.constant dense<0xFF800000> : vector<256xf32>
    %reduce_max3A_447 = vector.multi_reduction <maximumf>, %select_n3A_434, %reduce_max3A_446 [1] : vector<256x2048xf32> to vector<256xf32>
    %broadcast_in_dim3A_448 = vector.shape_cast %reduce_max3A_447 : vector<256xf32> to vector<256x1xf32>
    %eq3A_449 = vector.broadcast %broadcast_in_dim3A_448 : vector<256x1xf32> to vector<256x2048xf32>
    %eq3A_450 = arith.cmpf oeq, %select_n3A_434, %eq3A_449 : vector<256x2048xf32>
    %jit3A_451 = arith.constant 2048 : i32
    %broadcast_in_dim3A_452 = vector.broadcast %jit3A_451 : i32 to vector<256x2048xi32>
    %select_n3A_453 = arith.select %eq3A_450, %iota3A, %broadcast_in_dim3A_452 : vector<256x2048xi1>, vector<256x2048xi32>
    %reduce_min3A_454 = arith.constant dense<2147483647> : vector<256xi32>
    %reduce_min3A_455 = vector.multi_reduction <minsi>, %select_n3A_453, %reduce_min3A_454 [1] : vector<256x2048xi32> to vector<256xi32>
    %broadcast_in_dim3A_456 = vector.shape_cast %reduce_min3A_455 : vector<256xi32> to vector<256x1xi32>
    %squeeze3A_457 = vector.shape_cast %broadcast_in_dim3A_456 : vector<256x1xi32> to vector<256xi32>
    %mul3A_458 = arith.constant 2048 : i32
    %mul3A_459 = arith.muli %arg0, %mul3A_458 : i32
    %add3A_460 = vector.broadcast %mul3A_459 : i32 to vector<256xi32>
    %add3A_461 = arith.addi %squeeze3A_457, %add3A_460 : vector<256xi32>
    %swap3A_462 = arith.constant 0 : index
    %swap3A_463 = arith.constant 0 : index
    %swap3A_464 = arith.constant 15 : index
    %swap3A_465 = vector.load %arg6[%swap3A_462, %swap3A_463, %swap3A_464] : memref<1x256x16xi32, #tpu.memory_space<vmem>>, vector<1x256x1xi32>
    %swap3A_466 = vector.shape_cast %swap3A_465 : vector<1x256x1xi32> to vector<256xi32>
    %swap3A_467 = vector.shape_cast %add3A_461 : vector<256xi32> to vector<1x256x1xi32>
    tpu.vector_store %arg6[%swap3A_462, %swap3A_463, %swap3A_464], %swap3A_467 {strides = array<i32>} : memref<1x256x16xi32, #tpu.memory_space<vmem>>, vector<1x256x1xi32>,
    %swap3A_468 = arith.constant 0 : index
    %swap3A_469 = arith.constant 0 : index
    %swap3A_470 = arith.constant 0 : index
    %swap3A_471 = vector.load %arg7[%swap3A_468, %swap3A_469, %swap3A_470] : memref<1x256x128xf32, #tpu.memory_space<vmem>>, vector<1x256x3xf32>
    %swap3A_472 = vector.shape_cast %swap3A_471 : vector<1x256x3xf32> to vector<256x3xf32>
    %swap3A_473 = vector.shape_cast %get3A_3 : vector<256x3xf32> to vector<1x256x3xf32>
    tpu.vector_store %arg7[%swap3A_468, %swap3A_469, %swap3A_470], %swap3A_473 {strides = array<i32>} : memref<1x256x128xf32, #tpu.memory_space<vmem>>, vector<1x256x3xf32>,
    %broadcast_in_dim3A_474 = arith.constant 0.000000e+00 : f32
    %broadcast_in_dim3A_475 = vector.broadcast %broadcast_in_dim3A_474 : f32 to vector<256x61xf32>
    %swap3A_476 = arith.constant 0 : index
    %swap3A_477 = arith.constant 0 : index
    %swap3A_478 = arith.constant 3 : index
    %swap3A_479 = vector.load %arg7[%swap3A_476, %swap3A_477, %swap3A_478] : memref<1x256x128xf32, #tpu.memory_space<vmem>>, vector<1x256x61xf32>
    %swap3A_480 = vector.shape_cast %swap3A_479 : vector<1x256x61xf32> to vector<256x61xf32>
    %swap3A_481 = vector.shape_cast %broadcast_in_dim3A_475 : vector<256x61xf32> to vector<1x256x61xf32>
    tpu.vector_store %arg7[%swap3A_476, %swap3A_477, %swap3A_478], %swap3A_481 {strides = array<i32>} : memref<1x256x128xf32, #tpu.memory_space<vmem>>, vector<1x256x61xf32>,
    %dot_general3A = arith.constant dense<0.000000e+00> : vector<256x64xf32>
    %dot_general3A_482 = tpu.matmul %get3A_13, %get3A_16, %dot_general3A {dimension_numbers = #tpu.dot_dimension_numbers<[1], [0], [0], [1], [0, 0, 1, 1], [], []>, transpose_lhs_hint = false} : vector<256x128xf32>, vector<128x64xf32>, vector<256x64xf32> -> vector<256x64xf32>
    %swap3A_483 = arith.constant 0 : index
    %swap3A_484 = arith.constant 0 : index
    %swap3A_485 = arith.constant 64 : index
    %swap3A_486 = vector.load %arg7[%swap3A_483, %swap3A_484, %swap3A_485] : memref<1x256x128xf32, #tpu.memory_space<vmem>>, vector<1x256x64xf32>
    %swap3A_487 = vector.shape_cast %swap3A_486 : vector<1x256x64xf32> to vector<256x64xf32>
    %swap3A_488 = vector.shape_cast %dot_general3A_482 : vector<256x64xf32> to vector<1x256x64xf32>
    tpu.vector_store %arg7[%swap3A_483, %swap3A_484, %swap3A_485], %swap3A_488 {strides = array<i32>} : memref<1x256x128xf32, #tpu.memory_space<vmem>>, vector<1x256x64xf32>,
    return
  }
  func.func @transform_0(%arg0: i32, %arg1: i32) -> (i32, i32, i32) {
    %c0_i32 = arith.constant 0 : i32
    %c0_i32_0 = arith.constant 0 : i32
    %c0_i32_1 = arith.constant 0 : i32
    return %arg0, %c0_i32, %c0_i32_0 : i32, i32, i32
  }
  func.func @transform_1(%arg0: i32, %arg1: i32) -> (i32, i32, i32) {
    %c0_i32 = arith.constant 0 : i32
    %c0_i32_0 = arith.constant 0 : i32
    return %arg0, %arg1, %c0_i32 : i32, i32, i32
  }
  func.func @transform_2(%arg0: i32, %arg1: i32) -> (i32, i32, i32) {
    %c0_i32 = arith.constant 0 : i32
    %c0_i32_0 = arith.constant 0 : i32
    return %arg0, %arg1, %c0_i32 : i32, i32, i32
  }
  func.func @transform_3(%arg0: i32, %arg1: i32) -> (i32, i32) {
    %c0_i32 = arith.constant 0 : i32
    %c0_i32_0 = arith.constant 0 : i32
    %c0_i32_1 = arith.constant 0 : i32
    return %c0_i32, %c0_i32_0 : i32, i32
  }
  func.func @transform_4(%arg0: i32, %arg1: i32) -> (i32, i32, i32) {
    %c0_i32 = arith.constant 0 : i32
    %c0_i32_0 = arith.constant 0 : i32
    return %arg0, %arg1, %c0_i32 : i32, i32, i32
  }
  func.func @transform_5(%arg0: i32, %arg1: i32) -> (i32, i32, i32) {
    %c0_i32 = arith.constant 0 : i32
    %c0_i32_0 = arith.constant 0 : i32
    return %arg0, %arg1, %c0_i32 : i32, i32, i32
  }
}

module attributes {stable_mosaic.version = 14 : i64} {
  func.func @_net_kernel(%arg0: i32, %arg1: memref<128x16x128xf32, #tpu.memory_space<vmem>>, %arg2: memref<128x128xf32, #tpu.memory_space<vmem>>, %arg3: memref<128x3xf32, #tpu.memory_space<vmem>>, %arg4: memref<128x128xf32, #tpu.memory_space<vmem>>, %arg5: memref<10x64xf32, #tpu.memory_space<vmem>>, %arg6: memref<64xf32, #tpu.memory_space<vmem>>, %arg7: memref<64xf32, #tpu.memory_space<vmem>>, %arg8: memref<64xf32, #tpu.memory_space<vmem>>, %arg9: memref<64x64xf32, #tpu.memory_space<vmem>>, %arg10: memref<64xf32, #tpu.memory_space<vmem>>, %arg11: memref<64xf32, #tpu.memory_space<vmem>>, %arg12: memref<64xf32, #tpu.memory_space<vmem>>, %arg13: memref<64xf32, #tpu.memory_space<vmem>>, %arg14: memref<64x64xf32, #tpu.memory_space<vmem>>, %arg15: memref<64xf32, #tpu.memory_space<vmem>>, %arg16: memref<128x32xf32, #tpu.memory_space<vmem>>, %arg17: memref<32xf32, #tpu.memory_space<vmem>>, %arg18: memref<1x32xf32, #tpu.memory_space<vmem>>, %arg19: memref<1xf32, #tpu.memory_space<vmem>>, %arg20: memref<256x128xf32, #tpu.memory_space<vmem>>, %arg21: memref<128xf32, #tpu.memory_space<vmem>>, %arg22: memref<128xf32, #tpu.memory_space<vmem>>, %arg23: memref<128xf32, #tpu.memory_space<vmem>>, %arg24: memref<128x128xf32, #tpu.memory_space<vmem>>, %arg25: memref<128x1xf32, #tpu.memory_space<vmem>>) attributes {dimension_semantics = [#tpu.dimension_semantics<arbitrary>], iteration_bounds = array<i64: 128>, scalar_prefetch = 0 : i64, scratch_operands = 0 : i64, tpu.core_type = #tpu.core_type<tc>, window_params = [{transform_indices = @transform_0, window_bounds = array<i64: 128, 16, 128>}, {transform_indices = @transform_1, window_bounds = array<i64: 128, 128>}, {transform_indices = @transform_2, window_bounds = array<i64: 128, 3>}, {transform_indices = @transform_3, window_bounds = array<i64: 128, 128>}, {pipeline_mode = #tpu.pipeline_mode<synchronous>, transform_indices = @transform_4, window_bounds = array<i64: 10, 64>}, {pipeline_mode = #tpu.pipeline_mode<synchronous>, transform_indices = @transform_5, window_bounds = array<i64: 64>}, {pipeline_mode = #tpu.pipeline_mode<synchronous>, transform_indices = @transform_6, window_bounds = array<i64: 64>}, {pipeline_mode = #tpu.pipeline_mode<synchronous>, transform_indices = @transform_7, window_bounds = array<i64: 64>}, {pipeline_mode = #tpu.pipeline_mode<synchronous>, transform_indices = @transform_8, window_bounds = array<i64: 64, 64>}, {pipeline_mode = #tpu.pipeline_mode<synchronous>, transform_indices = @transform_9, window_bounds = array<i64: 64>}, {pipeline_mode = #tpu.pipeline_mode<synchronous>, transform_indices = @transform_10, window_bounds = array<i64: 64>}, {pipeline_mode = #tpu.pipeline_mode<synchronous>, transform_indices = @transform_11, window_bounds = array<i64: 64>}, {pipeline_mode = #tpu.pipeline_mode<synchronous>, transform_indices = @transform_12, window_bounds = array<i64: 64>}, {pipeline_mode = #tpu.pipeline_mode<synchronous>, transform_indices = @transform_13, window_bounds = array<i64: 64, 64>}, {pipeline_mode = #tpu.pipeline_mode<synchronous>, transform_indices = @transform_14, window_bounds = array<i64: 64>}, {pipeline_mode = #tpu.pipeline_mode<synchronous>, transform_indices = @transform_15, window_bounds = array<i64: 128, 32>}, {pipeline_mode = #tpu.pipeline_mode<synchronous>, transform_indices = @transform_16, window_bounds = array<i64: 32>}, {pipeline_mode = #tpu.pipeline_mode<synchronous>, transform_indices = @transform_17, window_bounds = array<i64: 1, 32>}, {pipeline_mode = #tpu.pipeline_mode<synchronous>, transform_indices = @transform_18, window_bounds = array<i64: 1>}, {pipeline_mode = #tpu.pipeline_mode<synchronous>, transform_indices = @transform_19, window_bounds = array<i64: 256, 128>}, {pipeline_mode = #tpu.pipeline_mode<synchronous>, transform_indices = @transform_20, window_bounds = array<i64: 128>}, {pipeline_mode = #tpu.pipeline_mode<synchronous>, transform_indices = @transform_21, window_bounds = array<i64: 128>}, {pipeline_mode = #tpu.pipeline_mode<synchronous>, transform_indices = @transform_22, window_bounds = array<i64: 128>}, {transform_indices = @transform_23, window_bounds = array<i64: 128, 128>}, {transform_indices = @transform_24, window_bounds = array<i64: 128, 1>}]} {
    %get3A = arith.constant 0 : index
    %get3A_0 = arith.constant 0 : index
    %get3A_1 = arith.constant 0 : index
    %get3A_2 = vector.load %arg1[%get3A, %get3A_0, %get3A_1] : memref<128x16x128xf32, #tpu.memory_space<vmem>>, vector<128x16x128xf32>
    %get3A_3 = arith.constant 0 : index
    %get3A_4 = arith.constant 0 : index
    %get3A_5 = vector.load %arg3[%get3A_3, %get3A_4] : memref<128x3xf32, #tpu.memory_space<vmem>>, vector<128x3xf32>
    %get3A_6 = arith.constant 0 : index
    %get3A_7 = arith.constant 0 : index
    %get3A_8 = vector.load %arg4[%get3A_6, %get3A_7] : memref<128x128xf32, #tpu.memory_space<vmem>>, vector<128x128xf32>
    %get3A_9 = arith.constant 0 : index
    %get3A_10 = arith.constant 0 : index
    %get3A_11 = vector.load %arg2[%get3A_9, %get3A_10] : memref<128x128xf32, #tpu.memory_space<vmem>>, vector<128x128xf32>
    %slice3A = vector.extract_strided_slice %get3A_11 {offsets = [0, 64], sizes = [128, 64], strides = [1, 1]} : vector<128x128xf32> to vector<128x64xf32>
    %slice3A_12 = vector.extract_strided_slice %get3A_2 {offsets = [0, 0, 0], sizes = [128, 16, 3], strides = [1, 1, 1]} : vector<128x16x128xf32> to vector<128x16x3xf32>
    %broadcast_in_dim3A = vector.shape_cast %get3A_5 : vector<128x3xf32> to vector<128x1x3xf32>
    %sub3A = vector.broadcast %broadcast_in_dim3A : vector<128x1x3xf32> to vector<128x16x3xf32>
    %sub3A_13 = arith.subf %slice3A_12, %sub3A : vector<128x16x3xf32>
    %slice3A_14 = vector.extract_strided_slice %sub3A_13 {offsets = [0, 0, 0], sizes = [128, 16, 1], strides = [1, 1, 1]} : vector<128x16x3xf32> to vector<128x16x1xf32>
    %squeeze3A = vector.shape_cast %slice3A_14 : vector<128x16x1xf32> to vector<128x16xf32>
    %slice3A_15 = vector.extract_strided_slice %sub3A_13 {offsets = [0, 0, 1], sizes = [128, 16, 1], strides = [1, 1, 1]} : vector<128x16x3xf32> to vector<128x16x1xf32>
    %squeeze3A_16 = vector.shape_cast %slice3A_15 : vector<128x16x1xf32> to vector<128x16xf32>
    %slice3A_17 = vector.extract_strided_slice %sub3A_13 {offsets = [0, 0, 2], sizes = [128, 16, 1], strides = [1, 1, 1]} : vector<128x16x3xf32> to vector<128x16x1xf32>
    %squeeze3A_18 = vector.shape_cast %slice3A_17 : vector<128x16x1xf32> to vector<128x16xf32>
    %mul3A = arith.mulf %squeeze3A, %squeeze3A : vector<128x16xf32>
    %mul3A_19 = arith.mulf %squeeze3A_16, %squeeze3A_16 : vector<128x16xf32>
    %add3A = arith.addf %mul3A, %mul3A_19 : vector<128x16xf32>
    %mul3A_20 = arith.mulf %squeeze3A_18, %squeeze3A_18 : vector<128x16xf32>
    %add3A_21 = arith.addf %add3A, %mul3A_20 : vector<128x16xf32>
    %add3A_22 = arith.constant 9.99999996E-13 : f32
    %add3A_23 = vector.broadcast %add3A_22 : f32 to vector<128x16xf32>
    %add3A_24 = arith.addf %add3A_21, %add3A_23 : vector<128x16xf32>
    %sqrt3A = math.sqrt %add3A_24 : vector<128x16xf32>
    %reduce_sum3A = arith.constant dense<0.000000e+00> : vector<128xf32>
    %reduce_sum3A_25 = vector.multi_reduction <add>, %sqrt3A, %reduce_sum3A [1] : vector<128x16xf32> to vector<128xf32>
    %broadcast_in_dim3A_26 = vector.shape_cast %reduce_sum3A_25 : vector<128xf32> to vector<128x1xf32>
    %div3A = arith.constant 1.600000e+01 : f32
    %div3A_27 = vector.broadcast %div3A : f32 to vector<128x1xf32>
    %div3A_28 = arith.divf %broadcast_in_dim3A_26, %div3A_27 : vector<128x1xf32>
    %convert_element_type3A = arith.truncf %squeeze3A : vector<128x16xf32> to vector<128x16xbf16>
    %convert_element_type3A_29 = arith.extf %convert_element_type3A : vector<128x16xbf16> to vector<128x16xf32>
    %convert_element_type3A_30 = arith.truncf %squeeze3A_16 : vector<128x16xf32> to vector<128x16xbf16>
    %convert_element_type3A_31 = arith.extf %convert_element_type3A_30 : vector<128x16xbf16> to vector<128x16xf32>
    %convert_element_type3A_32 = arith.truncf %squeeze3A_18 : vector<128x16xf32> to vector<128x16xbf16>
    %convert_element_type3A_33 = arith.extf %convert_element_type3A_32 : vector<128x16xbf16> to vector<128x16xf32>
    %mul3A_34 = arith.mulf %convert_element_type3A_29, %convert_element_type3A_29 : vector<128x16xf32>
    %reduce_sum3A_35 = arith.constant dense<0.000000e+00> : vector<128xf32>
    %reduce_sum3A_36 = vector.multi_reduction <add>, %mul3A_34, %reduce_sum3A_35 [1] : vector<128x16xf32> to vector<128xf32>
    %broadcast_in_dim3A_37 = vector.shape_cast %reduce_sum3A_36 : vector<128xf32> to vector<128x1xf32>
    %mul3A_38 = arith.constant 6.250000e-02 : f32
    %mul3A_39 = vector.broadcast %mul3A_38 : f32 to vector<128x1xf32>
    %mul3A_40 = arith.mulf %broadcast_in_dim3A_37, %mul3A_39 : vector<128x1xf32>
    %reshape3A = vector.shape_cast %mul3A_40 : vector<128x1xf32> to vector<1x128xf32>
    %mul3A_41 = arith.mulf %convert_element_type3A_29, %convert_element_type3A_31 : vector<128x16xf32>
    %reduce_sum3A_42 = arith.constant dense<0.000000e+00> : vector<128xf32>
    %reduce_sum3A_43 = vector.multi_reduction <add>, %mul3A_41, %reduce_sum3A_42 [1] : vector<128x16xf32> to vector<128xf32>
    %broadcast_in_dim3A_44 = vector.shape_cast %reduce_sum3A_43 : vector<128xf32> to vector<128x1xf32>
    %mul3A_45 = arith.constant 6.250000e-02 : f32
    %mul3A_46 = vector.broadcast %mul3A_45 : f32 to vector<128x1xf32>
    %mul3A_47 = arith.mulf %broadcast_in_dim3A_44, %mul3A_46 : vector<128x1xf32>
    %reshape3A_48 = vector.shape_cast %mul3A_47 : vector<128x1xf32> to vector<1x128xf32>
    %mul3A_49 = arith.mulf %convert_element_type3A_29, %convert_element_type3A_33 : vector<128x16xf32>
    %reduce_sum3A_50 = arith.constant dense<0.000000e+00> : vector<128xf32>
    %reduce_sum3A_51 = vector.multi_reduction <add>, %mul3A_49, %reduce_sum3A_50 [1] : vector<128x16xf32> to vector<128xf32>
    %broadcast_in_dim3A_52 = vector.shape_cast %reduce_sum3A_51 : vector<128xf32> to vector<128x1xf32>
    %mul3A_53 = arith.constant 6.250000e-02 : f32
    %mul3A_54 = vector.broadcast %mul3A_53 : f32 to vector<128x1xf32>
    %mul3A_55 = arith.mulf %broadcast_in_dim3A_52, %mul3A_54 : vector<128x1xf32>
    %reshape3A_56 = vector.shape_cast %mul3A_55 : vector<128x1xf32> to vector<1x128xf32>
    %mul3A_57 = arith.mulf %convert_element_type3A_31, %convert_element_type3A_31 : vector<128x16xf32>
    %reduce_sum3A_58 = arith.constant dense<0.000000e+00> : vector<128xf32>
    %reduce_sum3A_59 = vector.multi_reduction <add>, %mul3A_57, %reduce_sum3A_58 [1] : vector<128x16xf32> to vector<128xf32>
    %broadcast_in_dim3A_60 = vector.shape_cast %reduce_sum3A_59 : vector<128xf32> to vector<128x1xf32>
    %mul3A_61 = arith.constant 6.250000e-02 : f32
    %mul3A_62 = vector.broadcast %mul3A_61 : f32 to vector<128x1xf32>
    %mul3A_63 = arith.mulf %broadcast_in_dim3A_60, %mul3A_62 : vector<128x1xf32>
    %reshape3A_64 = vector.shape_cast %mul3A_63 : vector<128x1xf32> to vector<1x128xf32>
    %mul3A_65 = arith.mulf %convert_element_type3A_31, %convert_element_type3A_33 : vector<128x16xf32>
    %reduce_sum3A_66 = arith.constant dense<0.000000e+00> : vector<128xf32>
    %reduce_sum3A_67 = vector.multi_reduction <add>, %mul3A_65, %reduce_sum3A_66 [1] : vector<128x16xf32> to vector<128xf32>
    %broadcast_in_dim3A_68 = vector.shape_cast %reduce_sum3A_67 : vector<128xf32> to vector<128x1xf32>
    %mul3A_69 = arith.constant 6.250000e-02 : f32
    %mul3A_70 = vector.broadcast %mul3A_69 : f32 to vector<128x1xf32>
    %mul3A_71 = arith.mulf %broadcast_in_dim3A_68, %mul3A_70 : vector<128x1xf32>
    %reshape3A_72 = vector.shape_cast %mul3A_71 : vector<128x1xf32> to vector<1x128xf32>
    %mul3A_73 = arith.mulf %convert_element_type3A_33, %convert_element_type3A_33 : vector<128x16xf32>
    %reduce_sum3A_74 = arith.constant dense<0.000000e+00> : vector<128xf32>
    %reduce_sum3A_75 = vector.multi_reduction <add>, %mul3A_73, %reduce_sum3A_74 [1] : vector<128x16xf32> to vector<128xf32>
    %broadcast_in_dim3A_76 = vector.shape_cast %reduce_sum3A_75 : vector<128xf32> to vector<128x1xf32>
    %mul3A_77 = arith.constant 6.250000e-02 : f32
    %mul3A_78 = vector.broadcast %mul3A_77 : f32 to vector<128x1xf32>
    %mul3A_79 = arith.mulf %broadcast_in_dim3A_76, %mul3A_78 : vector<128x1xf32>
    %reshape3A_80 = vector.shape_cast %mul3A_79 : vector<128x1xf32> to vector<1x128xf32>
    %reduce_sum3A_81 = arith.constant dense<0.000000e+00> : vector<128xf32>
    %reduce_sum3A_82 = vector.multi_reduction <add>, %squeeze3A, %reduce_sum3A_81 [1] : vector<128x16xf32> to vector<128xf32>
    %broadcast_in_dim3A_83 = vector.shape_cast %reduce_sum3A_82 : vector<128xf32> to vector<128x1xf32>
    %div3A_84 = arith.constant 1.600000e+01 : f32
    %div3A_85 = vector.broadcast %div3A_84 : f32 to vector<128x1xf32>
    %div3A_86 = arith.divf %broadcast_in_dim3A_83, %div3A_85 : vector<128x1xf32>
    %reduce_sum3A_87 = arith.constant dense<0.000000e+00> : vector<128xf32>
    %reduce_sum3A_88 = vector.multi_reduction <add>, %squeeze3A_16, %reduce_sum3A_87 [1] : vector<128x16xf32> to vector<128xf32>
    %broadcast_in_dim3A_89 = vector.shape_cast %reduce_sum3A_88 : vector<128xf32> to vector<128x1xf32>
    %div3A_90 = arith.constant 1.600000e+01 : f32
    %div3A_91 = vector.broadcast %div3A_90 : f32 to vector<128x1xf32>
    %div3A_92 = arith.divf %broadcast_in_dim3A_89, %div3A_91 : vector<128x1xf32>
    %reduce_sum3A_93 = arith.constant dense<0.000000e+00> : vector<128xf32>
    %reduce_sum3A_94 = vector.multi_reduction <add>, %squeeze3A_18, %reduce_sum3A_93 [1] : vector<128x16xf32> to vector<128xf32>
    %broadcast_in_dim3A_95 = vector.shape_cast %reduce_sum3A_94 : vector<128xf32> to vector<128x1xf32>
    %div3A_96 = arith.constant 1.600000e+01 : f32
    %div3A_97 = vector.broadcast %div3A_96 : f32 to vector<128x1xf32>
    %div3A_98 = arith.divf %broadcast_in_dim3A_95, %div3A_97 : vector<128x1xf32>
    %broadcast_in_dim3A_99 = arith.constant 1.000000e+00 : f32
    %broadcast_in_dim3A_100 = vector.broadcast %broadcast_in_dim3A_99 : f32 to vector<1x128xf32>
    %broadcast_in_dim3A_101 = arith.constant 0.000000e+00 : f32
    %broadcast_in_dim3A_102 = vector.broadcast %broadcast_in_dim3A_101 : f32 to vector<1x128xf32>
    %sub3A_103 = arith.subf %reshape3A_80, %reshape3A : vector<1x128xf32>
    %mul3A_104 = arith.constant 2.000000e+00 : f32
    %mul3A_105 = vector.broadcast %mul3A_104 : f32 to vector<1x128xf32>
    %mul3A_106 = arith.mulf %mul3A_105, %reshape3A_56 : vector<1x128xf32>
    %div3A_107 = arith.divf %sub3A_103, %mul3A_106 : vector<1x128xf32>
    %sign3A = tpu.bitcast %div3A_107 : vector<1x128xf32> -> vector<1x128xi32>
    %sign3A_108 = arith.constant -2147483648 : i32
    %sign3A_109 = vector.broadcast %sign3A_108 : i32 to vector<1x128xi32>
    %sign3A_110 = arith.andi %sign3A, %sign3A_109 : vector<1x128xi32>
    %sign3A_111 = arith.constant 1065353216 : i32
    %sign3A_112 = vector.broadcast %sign3A_111 : i32 to vector<1x128xi32>
    %sign3A_113 = arith.ori %sign3A_112, %sign3A_110 : vector<1x128xi32>
    %sign3A_114 = tpu.bitcast %sign3A_113 : vector<1x128xi32> -> vector<1x128xf32>
    %sign3A_115 = math.absf %div3A_107 : vector<1x128xf32>
    %sign3A_116 = arith.constant 0.000000e+00 : f32
    %sign3A_117 = vector.broadcast %sign3A_116 : f32 to vector<1x128xf32>
    %sign3A_118 = arith.cmpf ogt, %sign3A_115, %sign3A_117 : vector<1x128xf32>
    %sign3A_119 = arith.select %sign3A_118, %sign3A_114, %div3A_107 : vector<1x128xi1>, vector<1x128xf32>
    %abs3A = math.absf %div3A_107 : vector<1x128xf32>
    %mul3A_120 = arith.mulf %div3A_107, %div3A_107 : vector<1x128xf32>
    %add3A_121 = arith.constant 1.000000e+00 : f32
    %add3A_122 = vector.broadcast %add3A_121 : f32 to vector<1x128xf32>
    %add3A_123 = arith.addf %add3A_122, %mul3A_120 : vector<1x128xf32>
    %sqrt3A_124 = math.sqrt %add3A_123 : vector<1x128xf32>
    %add3A_125 = arith.addf %abs3A, %sqrt3A_124 : vector<1x128xf32>
    %div3A_126 = arith.divf %sign3A_119, %add3A_125 : vector<1x128xf32>
    %eq3A = arith.constant 0.000000e+00 : f32
    %eq3A_127 = vector.broadcast %eq3A : f32 to vector<1x128xf32>
    %eq3A_128 = arith.cmpf oeq, %reshape3A_56, %eq3A_127 : vector<1x128xf32>
    %jit3A = arith.constant 0.000000e+00 : f32
    %broadcast_in_dim3A_129 = vector.broadcast %jit3A : f32 to vector<1x128xf32>
    %select_n3A = arith.select %eq3A_128, %broadcast_in_dim3A_129, %div3A_126 : vector<1x128xi1>, vector<1x128xf32>
    %mul3A_130 = arith.mulf %select_n3A, %select_n3A : vector<1x128xf32>
    %add3A_131 = arith.constant 1.000000e+00 : f32
    %add3A_132 = vector.broadcast %add3A_131 : f32 to vector<1x128xf32>
    %add3A_133 = arith.addf %add3A_132, %mul3A_130 : vector<1x128xf32>
    %sqrt3A_134 = math.sqrt %add3A_133 : vector<1x128xf32>
    %div3A_135 = arith.constant 1.000000e+00 : f32
    %div3A_136 = vector.broadcast %div3A_135 : f32 to vector<1x128xf32>
    %div3A_137 = arith.divf %div3A_136, %sqrt3A_134 : vector<1x128xf32>
    %mul3A_138 = arith.mulf %select_n3A, %div3A_137 : vector<1x128xf32>
    %mul3A_139 = arith.mulf %div3A_137, %reshape3A : vector<1x128xf32>
    %mul3A_140 = arith.mulf %mul3A_138, %reshape3A_56 : vector<1x128xf32>
    %sub3A_141 = arith.subf %mul3A_139, %mul3A_140 : vector<1x128xf32>
    %mul3A_142 = arith.mulf %div3A_137, %sub3A_141 : vector<1x128xf32>
    %mul3A_143 = arith.mulf %div3A_137, %reshape3A_56 : vector<1x128xf32>
    %mul3A_144 = arith.mulf %mul3A_138, %reshape3A_80 : vector<1x128xf32>
    %sub3A_145 = arith.subf %mul3A_143, %mul3A_144 : vector<1x128xf32>
    %mul3A_146 = arith.mulf %mul3A_138, %sub3A_145 : vector<1x128xf32>
    %sub3A_147 = arith.subf %mul3A_142, %mul3A_146 : vector<1x128xf32>
    %mul3A_148 = arith.mulf %mul3A_138, %reshape3A : vector<1x128xf32>
    %mul3A_149 = arith.mulf %div3A_137, %reshape3A_56 : vector<1x128xf32>
    %add3A_150 = arith.addf %mul3A_148, %mul3A_149 : vector<1x128xf32>
    %mul3A_151 = arith.mulf %mul3A_138, %add3A_150 : vector<1x128xf32>
    %mul3A_152 = arith.mulf %mul3A_138, %reshape3A_56 : vector<1x128xf32>
    %mul3A_153 = arith.mulf %div3A_137, %reshape3A_80 : vector<1x128xf32>
    %add3A_154 = arith.addf %mul3A_152, %mul3A_153 : vector<1x128xf32>
    %mul3A_155 = arith.mulf %div3A_137, %add3A_154 : vector<1x128xf32>
    %add3A_156 = arith.addf %mul3A_151, %mul3A_155 : vector<1x128xf32>
    %mul3A_157 = arith.mulf %div3A_137, %reshape3A_48 : vector<1x128xf32>
    %mul3A_158 = arith.mulf %mul3A_138, %reshape3A_72 : vector<1x128xf32>
    %sub3A_159 = arith.subf %mul3A_157, %mul3A_158 : vector<1x128xf32>
    %mul3A_160 = arith.mulf %mul3A_138, %reshape3A_48 : vector<1x128xf32>
    %mul3A_161 = arith.mulf %div3A_137, %reshape3A_72 : vector<1x128xf32>
    %add3A_162 = arith.addf %mul3A_160, %mul3A_161 : vector<1x128xf32>
    %mul3A_163 = arith.mulf %div3A_137, %broadcast_in_dim3A_100 : vector<1x128xf32>
    %mul3A_164 = arith.mulf %mul3A_138, %broadcast_in_dim3A_102 : vector<1x128xf32>
    %sub3A_165 = arith.subf %mul3A_163, %mul3A_164 : vector<1x128xf32>
    %mul3A_166 = arith.mulf %div3A_137, %broadcast_in_dim3A_102 : vector<1x128xf32>
    %mul3A_167 = arith.mulf %mul3A_138, %broadcast_in_dim3A_102 : vector<1x128xf32>
    %sub3A_168 = arith.subf %mul3A_166, %mul3A_167 : vector<1x128xf32>
    %mul3A_169 = arith.mulf %div3A_137, %broadcast_in_dim3A_102 : vector<1x128xf32>
    %mul3A_170 = arith.mulf %mul3A_138, %broadcast_in_dim3A_100 : vector<1x128xf32>
    %sub3A_171 = arith.subf %mul3A_169, %mul3A_170 : vector<1x128xf32>
    %mul3A_172 = arith.mulf %mul3A_138, %broadcast_in_dim3A_100 : vector<1x128xf32>
    %mul3A_173 = arith.mulf %div3A_137, %broadcast_in_dim3A_102 : vector<1x128xf32>
    %add3A_174 = arith.addf %mul3A_172, %mul3A_173 : vector<1x128xf32>
    %mul3A_175 = arith.mulf %mul3A_138, %broadcast_in_dim3A_102 : vector<1x128xf32>
    %mul3A_176 = arith.mulf %div3A_137, %broadcast_in_dim3A_102 : vector<1x128xf32>
    %add3A_177 = arith.addf %mul3A_175, %mul3A_176 : vector<1x128xf32>
    %mul3A_178 = arith.mulf %mul3A_138, %broadcast_in_dim3A_102 : vector<1x128xf32>
    %mul3A_179 = arith.mulf %div3A_137, %broadcast_in_dim3A_100 : vector<1x128xf32>
    %add3A_180 = arith.addf %mul3A_178, %mul3A_179 : vector<1x128xf32>
    %sub3A_181 = arith.subf %add3A_156, %reshape3A_64 : vector<1x128xf32>
    %mul3A_182 = arith.constant 2.000000e+00 : f32
    %mul3A_183 = vector.broadcast %mul3A_182 : f32 to vector<1x128xf32>
    %mul3A_184 = arith.mulf %mul3A_183, %add3A_162 : vector<1x128xf32>
    %div3A_185 = arith.divf %sub3A_181, %mul3A_184 : vector<1x128xf32>
    %sign3A_186 = tpu.bitcast %div3A_185 : vector<1x128xf32> -> vector<1x128xi32>
    %sign3A_187 = arith.constant -2147483648 : i32
    %sign3A_188 = vector.broadcast %sign3A_187 : i32 to vector<1x128xi32>
    %sign3A_189 = arith.andi %sign3A_186, %sign3A_188 : vector<1x128xi32>
    %sign3A_190 = arith.constant 1065353216 : i32
    %sign3A_191 = vector.broadcast %sign3A_190 : i32 to vector<1x128xi32>
    %sign3A_192 = arith.ori %sign3A_191, %sign3A_189 : vector<1x128xi32>
    %sign3A_193 = tpu.bitcast %sign3A_192 : vector<1x128xi32> -> vector<1x128xf32>
    %sign3A_194 = math.absf %div3A_185 : vector<1x128xf32>
    %sign3A_195 = arith.constant 0.000000e+00 : f32
    %sign3A_196 = vector.broadcast %sign3A_195 : f32 to vector<1x128xf32>
    %sign3A_197 = arith.cmpf ogt, %sign3A_194, %sign3A_196 : vector<1x128xf32>
    %sign3A_198 = arith.select %sign3A_197, %sign3A_193, %div3A_185 : vector<1x128xi1>, vector<1x128xf32>
    %abs3A_199 = math.absf %div3A_185 : vector<1x128xf32>
    %mul3A_200 = arith.mulf %div3A_185, %div3A_185 : vector<1x128xf32>
    %add3A_201 = arith.constant 1.000000e+00 : f32
    %add3A_202 = vector.broadcast %add3A_201 : f32 to vector<1x128xf32>
    %add3A_203 = arith.addf %add3A_202, %mul3A_200 : vector<1x128xf32>
    %sqrt3A_204 = math.sqrt %add3A_203 : vector<1x128xf32>
    %add3A_205 = arith.addf %abs3A_199, %sqrt3A_204 : vector<1x128xf32>
    %div3A_206 = arith.divf %sign3A_198, %add3A_205 : vector<1x128xf32>
    %eq3A_207 = arith.constant 0.000000e+00 : f32
    %eq3A_208 = vector.broadcast %eq3A_207 : f32 to vector<1x128xf32>
    %eq3A_209 = arith.cmpf oeq, %add3A_162, %eq3A_208 : vector<1x128xf32>
    %jit3A_210 = arith.constant 0.000000e+00 : f32
    %broadcast_in_dim3A_211 = vector.broadcast %jit3A_210 : f32 to vector<1x128xf32>
    %select_n3A_212 = arith.select %eq3A_209, %broadcast_in_dim3A_211, %div3A_206 : vector<1x128xi1>, vector<1x128xf32>
    %mul3A_213 = arith.mulf %select_n3A_212, %select_n3A_212 : vector<1x128xf32>
    %add3A_214 = arith.constant 1.000000e+00 : f32
    %add3A_215 = vector.broadcast %add3A_214 : f32 to vector<1x128xf32>
    %add3A_216 = arith.addf %add3A_215, %mul3A_213 : vector<1x128xf32>
    %sqrt3A_217 = math.sqrt %add3A_216 : vector<1x128xf32>
    %div3A_218 = arith.constant 1.000000e+00 : f32
    %div3A_219 = vector.broadcast %div3A_218 : f32 to vector<1x128xf32>
    %div3A_220 = arith.divf %div3A_219, %sqrt3A_217 : vector<1x128xf32>
    %mul3A_221 = arith.mulf %select_n3A_212, %div3A_220 : vector<1x128xf32>
    %mul3A_222 = arith.mulf %div3A_220, %reshape3A_64 : vector<1x128xf32>
    %mul3A_223 = arith.mulf %mul3A_221, %add3A_162 : vector<1x128xf32>
    %sub3A_224 = arith.subf %mul3A_222, %mul3A_223 : vector<1x128xf32>
    %mul3A_225 = arith.mulf %div3A_220, %sub3A_224 : vector<1x128xf32>
    %mul3A_226 = arith.mulf %div3A_220, %add3A_162 : vector<1x128xf32>
    %mul3A_227 = arith.mulf %mul3A_221, %add3A_156 : vector<1x128xf32>
    %sub3A_228 = arith.subf %mul3A_226, %mul3A_227 : vector<1x128xf32>
    %mul3A_229 = arith.mulf %mul3A_221, %sub3A_228 : vector<1x128xf32>
    %sub3A_230 = arith.subf %mul3A_225, %mul3A_229 : vector<1x128xf32>
    %mul3A_231 = arith.mulf %mul3A_221, %reshape3A_64 : vector<1x128xf32>
    %mul3A_232 = arith.mulf %div3A_220, %add3A_162 : vector<1x128xf32>
    %add3A_233 = arith.addf %mul3A_231, %mul3A_232 : vector<1x128xf32>
    %mul3A_234 = arith.mulf %mul3A_221, %add3A_233 : vector<1x128xf32>
    %mul3A_235 = arith.mulf %mul3A_221, %add3A_162 : vector<1x128xf32>
    %mul3A_236 = arith.mulf %div3A_220, %add3A_156 : vector<1x128xf32>
    %add3A_237 = arith.addf %mul3A_235, %mul3A_236 : vector<1x128xf32>
    %mul3A_238 = arith.mulf %div3A_220, %add3A_237 : vector<1x128xf32>
    %add3A_239 = arith.addf %mul3A_234, %mul3A_238 : vector<1x128xf32>
    %mul3A_240 = arith.mulf %div3A_220, %sub3A_159 : vector<1x128xf32>
    %mul3A_241 = arith.mulf %mul3A_221, %broadcast_in_dim3A_102 : vector<1x128xf32>
    %sub3A_242 = arith.subf %mul3A_240, %mul3A_241 : vector<1x128xf32>
    %mul3A_243 = arith.mulf %mul3A_221, %sub3A_159 : vector<1x128xf32>
    %mul3A_244 = arith.mulf %div3A_220, %broadcast_in_dim3A_102 : vector<1x128xf32>
    %add3A_245 = arith.addf %mul3A_243, %mul3A_244 : vector<1x128xf32>
    %mul3A_246 = arith.mulf %div3A_220, %broadcast_in_dim3A_102 : vector<1x128xf32>
    %mul3A_247 = arith.mulf %mul3A_221, %add3A_174 : vector<1x128xf32>
    %sub3A_248 = arith.subf %mul3A_246, %mul3A_247 : vector<1x128xf32>
    %mul3A_249 = arith.mulf %div3A_220, %broadcast_in_dim3A_100 : vector<1x128xf32>
    %mul3A_250 = arith.mulf %mul3A_221, %add3A_177 : vector<1x128xf32>
    %sub3A_251 = arith.subf %mul3A_249, %mul3A_250 : vector<1x128xf32>
    %mul3A_252 = arith.mulf %div3A_220, %broadcast_in_dim3A_102 : vector<1x128xf32>
    %mul3A_253 = arith.mulf %mul3A_221, %add3A_180 : vector<1x128xf32>
    %sub3A_254 = arith.subf %mul3A_252, %mul3A_253 : vector<1x128xf32>
    %mul3A_255 = arith.mulf %mul3A_221, %broadcast_in_dim3A_102 : vector<1x128xf32>
    %mul3A_256 = arith.mulf %div3A_220, %add3A_174 : vector<1x128xf32>
    %add3A_257 = arith.addf %mul3A_255, %mul3A_256 : vector<1x128xf32>
    %mul3A_258 = arith.mulf %mul3A_221, %broadcast_in_dim3A_100 : vector<1x128xf32>
    %mul3A_259 = arith.mulf %div3A_220, %add3A_177 : vector<1x128xf32>
    %add3A_260 = arith.addf %mul3A_258, %mul3A_259 : vector<1x128xf32>
    %mul3A_261 = arith.mulf %mul3A_221, %broadcast_in_dim3A_102 : vector<1x128xf32>
    %mul3A_262 = arith.mulf %div3A_220, %add3A_180 : vector<1x128xf32>
    %add3A_263 = arith.addf %mul3A_261, %mul3A_262 : vector<1x128xf32>
    %sub3A_264 = arith.subf %sub3A_230, %sub3A_147 : vector<1x128xf32>
    %mul3A_265 = arith.constant 2.000000e+00 : f32
    %mul3A_266 = vector.broadcast %mul3A_265 : f32 to vector<1x128xf32>
    %mul3A_267 = arith.mulf %mul3A_266, %sub3A_242 : vector<1x128xf32>
    %div3A_268 = arith.divf %sub3A_264, %mul3A_267 : vector<1x128xf32>
    %sign3A_269 = tpu.bitcast %div3A_268 : vector<1x128xf32> -> vector<1x128xi32>
    %sign3A_270 = arith.constant -2147483648 : i32
    %sign3A_271 = vector.broadcast %sign3A_270 : i32 to vector<1x128xi32>
    %sign3A_272 = arith.andi %sign3A_269, %sign3A_271 : vector<1x128xi32>
    %sign3A_273 = arith.constant 1065353216 : i32
    %sign3A_274 = vector.broadcast %sign3A_273 : i32 to vector<1x128xi32>
    %sign3A_275 = arith.ori %sign3A_274, %sign3A_272 : vector<1x128xi32>
    %sign3A_276 = tpu.bitcast %sign3A_275 : vector<1x128xi32> -> vector<1x128xf32>
    %sign3A_277 = math.absf %div3A_268 : vector<1x128xf32>
    %sign3A_278 = arith.constant 0.000000e+00 : f32
    %sign3A_279 = vector.broadcast %sign3A_278 : f32 to vector<1x128xf32>
    %sign3A_280 = arith.cmpf ogt, %sign3A_277, %sign3A_279 : vector<1x128xf32>
    %sign3A_281 = arith.select %sign3A_280, %sign3A_276, %div3A_268 : vector<1x128xi1>, vector<1x128xf32>
    %abs3A_282 = math.absf %div3A_268 : vector<1x128xf32>
    %mul3A_283 = arith.mulf %div3A_268, %div3A_268 : vector<1x128xf32>
    %add3A_284 = arith.constant 1.000000e+00 : f32
    %add3A_285 = vector.broadcast %add3A_284 : f32 to vector<1x128xf32>
    %add3A_286 = arith.addf %add3A_285, %mul3A_283 : vector<1x128xf32>
    %sqrt3A_287 = math.sqrt %add3A_286 : vector<1x128xf32>
    %add3A_288 = arith.addf %abs3A_282, %sqrt3A_287 : vector<1x128xf32>
    %div3A_289 = arith.divf %sign3A_281, %add3A_288 : vector<1x128xf32>
    %eq3A_290 = arith.constant 0.000000e+00 : f32
    %eq3A_291 = vector.broadcast %eq3A_290 : f32 to vector<1x128xf32>
    %eq3A_292 = arith.cmpf oeq, %sub3A_242, %eq3A_291 : vector<1x128xf32>
    %jit3A_293 = arith.constant 0.000000e+00 : f32
    %broadcast_in_dim3A_294 = vector.broadcast %jit3A_293 : f32 to vector<1x128xf32>
    %select_n3A_295 = arith.select %eq3A_292, %broadcast_in_dim3A_294, %div3A_289 : vector<1x128xi1>, vector<1x128xf32>
    %mul3A_296 = arith.mulf %select_n3A_295, %select_n3A_295 : vector<1x128xf32>
    %add3A_297 = arith.constant 1.000000e+00 : f32
    %add3A_298 = vector.broadcast %add3A_297 : f32 to vector<1x128xf32>
    %add3A_299 = arith.addf %add3A_298, %mul3A_296 : vector<1x128xf32>
    %sqrt3A_300 = math.sqrt %add3A_299 : vector<1x128xf32>
    %div3A_301 = arith.constant 1.000000e+00 : f32
    %div3A_302 = vector.broadcast %div3A_301 : f32 to vector<1x128xf32>
    %div3A_303 = arith.divf %div3A_302, %sqrt3A_300 : vector<1x128xf32>
    %mul3A_304 = arith.mulf %select_n3A_295, %div3A_303 : vector<1x128xf32>
    %mul3A_305 = arith.mulf %div3A_303, %sub3A_147 : vector<1x128xf32>
    %mul3A_306 = arith.mulf %mul3A_304, %sub3A_242 : vector<1x128xf32>
    %sub3A_307 = arith.subf %mul3A_305, %mul3A_306 : vector<1x128xf32>
    %mul3A_308 = arith.mulf %div3A_303, %sub3A_307 : vector<1x128xf32>
    %mul3A_309 = arith.mulf %div3A_303, %sub3A_242 : vector<1x128xf32>
    %mul3A_310 = arith.mulf %mul3A_304, %sub3A_230 : vector<1x128xf32>
    %sub3A_311 = arith.subf %mul3A_309, %mul3A_310 : vector<1x128xf32>
    %mul3A_312 = arith.mulf %mul3A_304, %sub3A_311 : vector<1x128xf32>
    %sub3A_313 = arith.subf %mul3A_308, %mul3A_312 : vector<1x128xf32>
    %mul3A_314 = arith.mulf %mul3A_304, %sub3A_147 : vector<1x128xf32>
    %mul3A_315 = arith.mulf %div3A_303, %sub3A_242 : vector<1x128xf32>
    %add3A_316 = arith.addf %mul3A_314, %mul3A_315 : vector<1x128xf32>
    %mul3A_317 = arith.mulf %mul3A_304, %add3A_316 : vector<1x128xf32>
    %mul3A_318 = arith.mulf %mul3A_304, %sub3A_242 : vector<1x128xf32>
    %mul3A_319 = arith.mulf %div3A_303, %sub3A_230 : vector<1x128xf32>
    %add3A_320 = arith.addf %mul3A_318, %mul3A_319 : vector<1x128xf32>
    %mul3A_321 = arith.mulf %div3A_303, %add3A_320 : vector<1x128xf32>
    %add3A_322 = arith.addf %mul3A_317, %mul3A_321 : vector<1x128xf32>
    %mul3A_323 = arith.mulf %div3A_303, %add3A_245 : vector<1x128xf32>
    %mul3A_324 = arith.mulf %mul3A_304, %broadcast_in_dim3A_102 : vector<1x128xf32>
    %sub3A_325 = arith.subf %mul3A_323, %mul3A_324 : vector<1x128xf32>
    %mul3A_326 = arith.mulf %mul3A_304, %add3A_245 : vector<1x128xf32>
    %mul3A_327 = arith.mulf %div3A_303, %broadcast_in_dim3A_102 : vector<1x128xf32>
    %add3A_328 = arith.addf %mul3A_326, %mul3A_327 : vector<1x128xf32>
    %mul3A_329 = arith.mulf %div3A_303, %sub3A_165 : vector<1x128xf32>
    %mul3A_330 = arith.mulf %mul3A_304, %sub3A_248 : vector<1x128xf32>
    %sub3A_331 = arith.subf %mul3A_329, %mul3A_330 : vector<1x128xf32>
    %mul3A_332 = arith.mulf %div3A_303, %sub3A_168 : vector<1x128xf32>
    %mul3A_333 = arith.mulf %mul3A_304, %sub3A_251 : vector<1x128xf32>
    %sub3A_334 = arith.subf %mul3A_332, %mul3A_333 : vector<1x128xf32>
    %mul3A_335 = arith.mulf %div3A_303, %sub3A_171 : vector<1x128xf32>
    %mul3A_336 = arith.mulf %mul3A_304, %sub3A_254 : vector<1x128xf32>
    %sub3A_337 = arith.subf %mul3A_335, %mul3A_336 : vector<1x128xf32>
    %mul3A_338 = arith.mulf %mul3A_304, %sub3A_165 : vector<1x128xf32>
    %mul3A_339 = arith.mulf %div3A_303, %sub3A_248 : vector<1x128xf32>
    %add3A_340 = arith.addf %mul3A_338, %mul3A_339 : vector<1x128xf32>
    %mul3A_341 = arith.mulf %mul3A_304, %sub3A_168 : vector<1x128xf32>
    %mul3A_342 = arith.mulf %div3A_303, %sub3A_251 : vector<1x128xf32>
    %add3A_343 = arith.addf %mul3A_341, %mul3A_342 : vector<1x128xf32>
    %mul3A_344 = arith.mulf %mul3A_304, %sub3A_171 : vector<1x128xf32>
    %mul3A_345 = arith.mulf %div3A_303, %sub3A_254 : vector<1x128xf32>
    %add3A_346 = arith.addf %mul3A_344, %mul3A_345 : vector<1x128xf32>
    %sub3A_347 = arith.subf %add3A_239, %sub3A_313 : vector<1x128xf32>
    %mul3A_348 = arith.constant 2.000000e+00 : f32
    %mul3A_349 = vector.broadcast %mul3A_348 : f32 to vector<1x128xf32>
    %mul3A_350 = arith.mulf %mul3A_349, %sub3A_325 : vector<1x128xf32>
    %div3A_351 = arith.divf %sub3A_347, %mul3A_350 : vector<1x128xf32>
    %sign3A_352 = tpu.bitcast %div3A_351 : vector<1x128xf32> -> vector<1x128xi32>
    %sign3A_353 = arith.constant -2147483648 : i32
    %sign3A_354 = vector.broadcast %sign3A_353 : i32 to vector<1x128xi32>
    %sign3A_355 = arith.andi %sign3A_352, %sign3A_354 : vector<1x128xi32>
    %sign3A_356 = arith.constant 1065353216 : i32
    %sign3A_357 = vector.broadcast %sign3A_356 : i32 to vector<1x128xi32>
    %sign3A_358 = arith.ori %sign3A_357, %sign3A_355 : vector<1x128xi32>
    %sign3A_359 = tpu.bitcast %sign3A_358 : vector<1x128xi32> -> vector<1x128xf32>
    %sign3A_360 = math.absf %div3A_351 : vector<1x128xf32>
    %sign3A_361 = arith.constant 0.000000e+00 : f32
    %sign3A_362 = vector.broadcast %sign3A_361 : f32 to vector<1x128xf32>
    %sign3A_363 = arith.cmpf ogt, %sign3A_360, %sign3A_362 : vector<1x128xf32>
    %sign3A_364 = arith.select %sign3A_363, %sign3A_359, %div3A_351 : vector<1x128xi1>, vector<1x128xf32>
    %abs3A_365 = math.absf %div3A_351 : vector<1x128xf32>
    %mul3A_366 = arith.mulf %div3A_351, %div3A_351 : vector<1x128xf32>
    %add3A_367 = arith.constant 1.000000e+00 : f32
    %add3A_368 = vector.broadcast %add3A_367 : f32 to vector<1x128xf32>
    %add3A_369 = arith.addf %add3A_368, %mul3A_366 : vector<1x128xf32>
    %sqrt3A_370 = math.sqrt %add3A_369 : vector<1x128xf32>
    %add3A_371 = arith.addf %abs3A_365, %sqrt3A_370 : vector<1x128xf32>
    %div3A_372 = arith.divf %sign3A_364, %add3A_371 : vector<1x128xf32>
    %eq3A_373 = arith.constant 0.000000e+00 : f32
    %eq3A_374 = vector.broadcast %eq3A_373 : f32 to vector<1x128xf32>
    %eq3A_375 = arith.cmpf oeq, %sub3A_325, %eq3A_374 : vector<1x128xf32>
    %jit3A_376 = arith.constant 0.000000e+00 : f32
    %broadcast_in_dim3A_377 = vector.broadcast %jit3A_376 : f32 to vector<1x128xf32>
    %select_n3A_378 = arith.select %eq3A_375, %broadcast_in_dim3A_377, %div3A_372 : vector<1x128xi1>, vector<1x128xf32>
    %mul3A_379 = arith.mulf %select_n3A_378, %select_n3A_378 : vector<1x128xf32>
    %add3A_380 = arith.constant 1.000000e+00 : f32
    %add3A_381 = vector.broadcast %add3A_380 : f32 to vector<1x128xf32>
    %add3A_382 = arith.addf %add3A_381, %mul3A_379 : vector<1x128xf32>
    %sqrt3A_383 = math.sqrt %add3A_382 : vector<1x128xf32>
    %div3A_384 = arith.constant 1.000000e+00 : f32
    %div3A_385 = vector.broadcast %div3A_384 : f32 to vector<1x128xf32>
    %div3A_386 = arith.divf %div3A_385, %sqrt3A_383 : vector<1x128xf32>
    %mul3A_387 = arith.mulf %select_n3A_378, %div3A_386 : vector<1x128xf32>
    %mul3A_388 = arith.mulf %div3A_386, %sub3A_313 : vector<1x128xf32>
    %mul3A_389 = arith.mulf %mul3A_387, %sub3A_325 : vector<1x128xf32>
    %sub3A_390 = arith.subf %mul3A_388, %mul3A_389 : vector<1x128xf32>
    %mul3A_391 = arith.mulf %div3A_386, %sub3A_390 : vector<1x128xf32>
    %mul3A_392 = arith.mulf %div3A_386, %sub3A_325 : vector<1x128xf32>
    %mul3A_393 = arith.mulf %mul3A_387, %add3A_239 : vector<1x128xf32>
    %sub3A_394 = arith.subf %mul3A_392, %mul3A_393 : vector<1x128xf32>
    %mul3A_395 = arith.mulf %mul3A_387, %sub3A_394 : vector<1x128xf32>
    %sub3A_396 = arith.subf %mul3A_391, %mul3A_395 : vector<1x128xf32>
    %mul3A_397 = arith.mulf %mul3A_387, %sub3A_313 : vector<1x128xf32>
    %mul3A_398 = arith.mulf %div3A_386, %sub3A_325 : vector<1x128xf32>
    %add3A_399 = arith.addf %mul3A_397, %mul3A_398 : vector<1x128xf32>
    %mul3A_400 = arith.mulf %mul3A_387, %add3A_399 : vector<1x128xf32>
    %mul3A_401 = arith.mulf %mul3A_387, %sub3A_325 : vector<1x128xf32>
    %mul3A_402 = arith.mulf %div3A_386, %add3A_239 : vector<1x128xf32>
    %add3A_403 = arith.addf %mul3A_401, %mul3A_402 : vector<1x128xf32>
    %mul3A_404 = arith.mulf %div3A_386, %add3A_403 : vector<1x128xf32>
    %add3A_405 = arith.addf %mul3A_400, %mul3A_404 : vector<1x128xf32>
    %mul3A_406 = arith.mulf %div3A_386, %broadcast_in_dim3A_102 : vector<1x128xf32>
    %mul3A_407 = arith.mulf %mul3A_387, %add3A_328 : vector<1x128xf32>
    %sub3A_408 = arith.subf %mul3A_406, %mul3A_407 : vector<1x128xf32>
    %mul3A_409 = arith.mulf %mul3A_387, %broadcast_in_dim3A_102 : vector<1x128xf32>
    %mul3A_410 = arith.mulf %div3A_386, %add3A_328 : vector<1x128xf32>
    %add3A_411 = arith.addf %mul3A_409, %mul3A_410 : vector<1x128xf32>
    %mul3A_412 = arith.mulf %div3A_386, %sub3A_331 : vector<1x128xf32>
    %mul3A_413 = arith.mulf %mul3A_387, %add3A_257 : vector<1x128xf32>
    %sub3A_414 = arith.subf %mul3A_412, %mul3A_413 : vector<1x128xf32>
    %mul3A_415 = arith.mulf %div3A_386, %sub3A_334 : vector<1x128xf32>
    %mul3A_416 = arith.mulf %mul3A_387, %add3A_260 : vector<1x128xf32>
    %sub3A_417 = arith.subf %mul3A_415, %mul3A_416 : vector<1x128xf32>
    %mul3A_418 = arith.mulf %div3A_386, %sub3A_337 : vector<1x128xf32>
    %mul3A_419 = arith.mulf %mul3A_387, %add3A_263 : vector<1x128xf32>
    %sub3A_420 = arith.subf %mul3A_418, %mul3A_419 : vector<1x128xf32>
    %mul3A_421 = arith.mulf %mul3A_387, %sub3A_331 : vector<1x128xf32>
    %mul3A_422 = arith.mulf %div3A_386, %add3A_257 : vector<1x128xf32>
    %add3A_423 = arith.addf %mul3A_421, %mul3A_422 : vector<1x128xf32>
    %mul3A_424 = arith.mulf %mul3A_387, %sub3A_334 : vector<1x128xf32>
    %mul3A_425 = arith.mulf %div3A_386, %add3A_260 : vector<1x128xf32>
    %add3A_426 = arith.addf %mul3A_424, %mul3A_425 : vector<1x128xf32>
    %mul3A_427 = arith.mulf %mul3A_387, %sub3A_337 : vector<1x128xf32>
    %mul3A_428 = arith.mulf %div3A_386, %add3A_263 : vector<1x128xf32>
    %add3A_429 = arith.addf %mul3A_427, %mul3A_428 : vector<1x128xf32>
    %sub3A_430 = arith.subf %add3A_405, %add3A_322 : vector<1x128xf32>
    %mul3A_431 = arith.constant 2.000000e+00 : f32
    %mul3A_432 = vector.broadcast %mul3A_431 : f32 to vector<1x128xf32>
    %mul3A_433 = arith.mulf %mul3A_432, %add3A_411 : vector<1x128xf32>
    %div3A_434 = arith.divf %sub3A_430, %mul3A_433 : vector<1x128xf32>
    %sign3A_435 = tpu.bitcast %div3A_434 : vector<1x128xf32> -> vector<1x128xi32>
    %sign3A_436 = arith.constant -2147483648 : i32
    %sign3A_437 = vector.broadcast %sign3A_436 : i32 to vector<1x128xi32>
    %sign3A_438 = arith.andi %sign3A_435, %sign3A_437 : vector<1x128xi32>
    %sign3A_439 = arith.constant 1065353216 : i32
    %sign3A_440 = vector.broadcast %sign3A_439 : i32 to vector<1x128xi32>
    %sign3A_441 = arith.ori %sign3A_440, %sign3A_438 : vector<1x128xi32>
    %sign3A_442 = tpu.bitcast %sign3A_441 : vector<1x128xi32> -> vector<1x128xf32>
    %sign3A_443 = math.absf %div3A_434 : vector<1x128xf32>
    %sign3A_444 = arith.constant 0.000000e+00 : f32
    %sign3A_445 = vector.broadcast %sign3A_444 : f32 to vector<1x128xf32>
    %sign3A_446 = arith.cmpf ogt, %sign3A_443, %sign3A_445 : vector<1x128xf32>
    %sign3A_447 = arith.select %sign3A_446, %sign3A_442, %div3A_434 : vector<1x128xi1>, vector<1x128xf32>
    %abs3A_448 = math.absf %div3A_434 : vector<1x128xf32>
    %mul3A_449 = arith.mulf %div3A_434, %div3A_434 : vector<1x128xf32>
    %add3A_450 = arith.constant 1.000000e+00 : f32
    %add3A_451 = vector.broadcast %add3A_450 : f32 to vector<1x128xf32>
    %add3A_452 = arith.addf %add3A_451, %mul3A_449 : vector<1x128xf32>
    %sqrt3A_453 = math.sqrt %add3A_452 : vector<1x128xf32>
    %add3A_454 = arith.addf %abs3A_448, %sqrt3A_453 : vector<1x128xf32>
    %div3A_455 = arith.divf %sign3A_447, %add3A_454 : vector<1x128xf32>
    %eq3A_456 = arith.constant 0.000000e+00 : f32
    %eq3A_457 = vector.broadcast %eq3A_456 : f32 to vector<1x128xf32>
    %eq3A_458 = arith.cmpf oeq, %add3A_411, %eq3A_457 : vector<1x128xf32>
    %jit3A_459 = arith.constant 0.000000e+00 : f32
    %broadcast_in_dim3A_460 = vector.broadcast %jit3A_459 : f32 to vector<1x128xf32>
    %select_n3A_461 = arith.select %eq3A_458, %broadcast_in_dim3A_460, %div3A_455 : vector<1x128xi1>, vector<1x128xf32>
    %mul3A_462 = arith.mulf %select_n3A_461, %select_n3A_461 : vector<1x128xf32>
    %add3A_463 = arith.constant 1.000000e+00 : f32
    %add3A_464 = vector.broadcast %add3A_463 : f32 to vector<1x128xf32>
    %add3A_465 = arith.addf %add3A_464, %mul3A_462 : vector<1x128xf32>
    %sqrt3A_466 = math.sqrt %add3A_465 : vector<1x128xf32>
    %div3A_467 = arith.constant 1.000000e+00 : f32
    %div3A_468 = vector.broadcast %div3A_467 : f32 to vector<1x128xf32>
    %div3A_469 = arith.divf %div3A_468, %sqrt3A_466 : vector<1x128xf32>
    %mul3A_470 = arith.mulf %select_n3A_461, %div3A_469 : vector<1x128xf32>
    %mul3A_471 = arith.mulf %div3A_469, %add3A_322 : vector<1x128xf32>
    %mul3A_472 = arith.mulf %mul3A_470, %add3A_411 : vector<1x128xf32>
    %sub3A_473 = arith.subf %mul3A_471, %mul3A_472 : vector<1x128xf32>
    %mul3A_474 = arith.mulf %div3A_469, %sub3A_473 : vector<1x128xf32>
    %mul3A_475 = arith.mulf %div3A_469, %add3A_411 : vector<1x128xf32>
    %mul3A_476 = arith.mulf %mul3A_470, %add3A_405 : vector<1x128xf32>
    %sub3A_477 = arith.subf %mul3A_475, %mul3A_476 : vector<1x128xf32>
    %mul3A_478 = arith.mulf %mul3A_470, %sub3A_477 : vector<1x128xf32>
    %sub3A_479 = arith.subf %mul3A_474, %mul3A_478 : vector<1x128xf32>
    %mul3A_480 = arith.mulf %mul3A_470, %add3A_322 : vector<1x128xf32>
    %mul3A_481 = arith.mulf %div3A_469, %add3A_411 : vector<1x128xf32>
    %add3A_482 = arith.addf %mul3A_480, %mul3A_481 : vector<1x128xf32>
    %mul3A_483 = arith.mulf %mul3A_470, %add3A_482 : vector<1x128xf32>
    %mul3A_484 = arith.mulf %mul3A_470, %add3A_411 : vector<1x128xf32>
    %mul3A_485 = arith.mulf %div3A_469, %add3A_405 : vector<1x128xf32>
    %add3A_486 = arith.addf %mul3A_484, %mul3A_485 : vector<1x128xf32>
    %mul3A_487 = arith.mulf %div3A_469, %add3A_486 : vector<1x128xf32>
    %add3A_488 = arith.addf %mul3A_483, %mul3A_487 : vector<1x128xf32>
    %mul3A_489 = arith.mulf %div3A_469, %sub3A_408 : vector<1x128xf32>
    %mul3A_490 = arith.mulf %mul3A_470, %broadcast_in_dim3A_102 : vector<1x128xf32>
    %sub3A_491 = arith.subf %mul3A_489, %mul3A_490 : vector<1x128xf32>
    %mul3A_492 = arith.mulf %mul3A_470, %sub3A_408 : vector<1x128xf32>
    %mul3A_493 = arith.mulf %div3A_469, %broadcast_in_dim3A_102 : vector<1x128xf32>
    %add3A_494 = arith.addf %mul3A_492, %mul3A_493 : vector<1x128xf32>
    %mul3A_495 = arith.mulf %div3A_469, %add3A_340 : vector<1x128xf32>
    %mul3A_496 = arith.mulf %mul3A_470, %add3A_423 : vector<1x128xf32>
    %sub3A_497 = arith.subf %mul3A_495, %mul3A_496 : vector<1x128xf32>
    %mul3A_498 = arith.mulf %div3A_469, %add3A_343 : vector<1x128xf32>
    %mul3A_499 = arith.mulf %mul3A_470, %add3A_426 : vector<1x128xf32>
    %sub3A_500 = arith.subf %mul3A_498, %mul3A_499 : vector<1x128xf32>
    %mul3A_501 = arith.mulf %div3A_469, %add3A_346 : vector<1x128xf32>
    %mul3A_502 = arith.mulf %mul3A_470, %add3A_429 : vector<1x128xf32>
    %sub3A_503 = arith.subf %mul3A_501, %mul3A_502 : vector<1x128xf32>
    %mul3A_504 = arith.mulf %mul3A_470, %add3A_340 : vector<1x128xf32>
    %mul3A_505 = arith.mulf %div3A_469, %add3A_423 : vector<1x128xf32>
    %add3A_506 = arith.addf %mul3A_504, %mul3A_505 : vector<1x128xf32>
    %mul3A_507 = arith.mulf %mul3A_470, %add3A_343 : vector<1x128xf32>
    %mul3A_508 = arith.mulf %div3A_469, %add3A_426 : vector<1x128xf32>
    %add3A_509 = arith.addf %mul3A_507, %mul3A_508 : vector<1x128xf32>
    %mul3A_510 = arith.mulf %mul3A_470, %add3A_346 : vector<1x128xf32>
    %mul3A_511 = arith.mulf %div3A_469, %add3A_429 : vector<1x128xf32>
    %add3A_512 = arith.addf %mul3A_510, %mul3A_511 : vector<1x128xf32>
    %sub3A_513 = arith.subf %sub3A_479, %sub3A_396 : vector<1x128xf32>
    %mul3A_514 = arith.constant 2.000000e+00 : f32
    %mul3A_515 = vector.broadcast %mul3A_514 : f32 to vector<1x128xf32>
    %mul3A_516 = arith.mulf %mul3A_515, %sub3A_491 : vector<1x128xf32>
    %div3A_517 = arith.divf %sub3A_513, %mul3A_516 : vector<1x128xf32>
    %sign3A_518 = tpu.bitcast %div3A_517 : vector<1x128xf32> -> vector<1x128xi32>
    %sign3A_519 = arith.constant -2147483648 : i32
    %sign3A_520 = vector.broadcast %sign3A_519 : i32 to vector<1x128xi32>
    %sign3A_521 = arith.andi %sign3A_518, %sign3A_520 : vector<1x128xi32>
    %sign3A_522 = arith.constant 1065353216 : i32
    %sign3A_523 = vector.broadcast %sign3A_522 : i32 to vector<1x128xi32>
    %sign3A_524 = arith.ori %sign3A_523, %sign3A_521 : vector<1x128xi32>
    %sign3A_525 = tpu.bitcast %sign3A_524 : vector<1x128xi32> -> vector<1x128xf32>
    %sign3A_526 = math.absf %div3A_517 : vector<1x128xf32>
    %sign3A_527 = arith.constant 0.000000e+00 : f32
    %sign3A_528 = vector.broadcast %sign3A_527 : f32 to vector<1x128xf32>
    %sign3A_529 = arith.cmpf ogt, %sign3A_526, %sign3A_528 : vector<1x128xf32>
    %sign3A_530 = arith.select %sign3A_529, %sign3A_525, %div3A_517 : vector<1x128xi1>, vector<1x128xf32>
    %abs3A_531 = math.absf %div3A_517 : vector<1x128xf32>
    %mul3A_532 = arith.mulf %div3A_517, %div3A_517 : vector<1x128xf32>
    %add3A_533 = arith.constant 1.000000e+00 : f32
    %add3A_534 = vector.broadcast %add3A_533 : f32 to vector<1x128xf32>
    %add3A_535 = arith.addf %add3A_534, %mul3A_532 : vector<1x128xf32>
    %sqrt3A_536 = math.sqrt %add3A_535 : vector<1x128xf32>
    %add3A_537 = arith.addf %abs3A_531, %sqrt3A_536 : vector<1x128xf32>
    %div3A_538 = arith.divf %sign3A_530, %add3A_537 : vector<1x128xf32>
    %eq3A_539 = arith.constant 0.000000e+00 : f32
    %eq3A_540 = vector.broadcast %eq3A_539 : f32 to vector<1x128xf32>
    %eq3A_541 = arith.cmpf oeq, %sub3A_491, %eq3A_540 : vector<1x128xf32>
    %jit3A_542 = arith.constant 0.000000e+00 : f32
    %broadcast_in_dim3A_543 = vector.broadcast %jit3A_542 : f32 to vector<1x128xf32>
    %select_n3A_544 = arith.select %eq3A_541, %broadcast_in_dim3A_543, %div3A_538 : vector<1x128xi1>, vector<1x128xf32>
    %mul3A_545 = arith.mulf %select_n3A_544, %select_n3A_544 : vector<1x128xf32>
    %add3A_546 = arith.constant 1.000000e+00 : f32
    %add3A_547 = vector.broadcast %add3A_546 : f32 to vector<1x128xf32>
    %add3A_548 = arith.addf %add3A_547, %mul3A_545 : vector<1x128xf32>
    %sqrt3A_549 = math.sqrt %add3A_548 : vector<1x128xf32>
    %div3A_550 = arith.constant 1.000000e+00 : f32
    %div3A_551 = vector.broadcast %div3A_550 : f32 to vector<1x128xf32>
    %div3A_552 = arith.divf %div3A_551, %sqrt3A_549 : vector<1x128xf32>
    %mul3A_553 = arith.mulf %select_n3A_544, %div3A_552 : vector<1x128xf32>
    %mul3A_554 = arith.mulf %div3A_552, %sub3A_396 : vector<1x128xf32>
    %mul3A_555 = arith.mulf %mul3A_553, %sub3A_491 : vector<1x128xf32>
    %sub3A_556 = arith.subf %mul3A_554, %mul3A_555 : vector<1x128xf32>
    %mul3A_557 = arith.mulf %div3A_552, %sub3A_556 : vector<1x128xf32>
    %mul3A_558 = arith.mulf %div3A_552, %sub3A_491 : vector<1x128xf32>
    %mul3A_559 = arith.mulf %mul3A_553, %sub3A_479 : vector<1x128xf32>
    %sub3A_560 = arith.subf %mul3A_558, %mul3A_559 : vector<1x128xf32>
    %mul3A_561 = arith.mulf %mul3A_553, %sub3A_560 : vector<1x128xf32>
    %sub3A_562 = arith.subf %mul3A_557, %mul3A_561 : vector<1x128xf32>
    %mul3A_563 = arith.mulf %mul3A_553, %sub3A_396 : vector<1x128xf32>
    %mul3A_564 = arith.mulf %div3A_552, %sub3A_491 : vector<1x128xf32>
    %add3A_565 = arith.addf %mul3A_563, %mul3A_564 : vector<1x128xf32>
    %mul3A_566 = arith.mulf %mul3A_553, %add3A_565 : vector<1x128xf32>
    %mul3A_567 = arith.mulf %mul3A_553, %sub3A_491 : vector<1x128xf32>
    %mul3A_568 = arith.mulf %div3A_552, %sub3A_479 : vector<1x128xf32>
    %add3A_569 = arith.addf %mul3A_567, %mul3A_568 : vector<1x128xf32>
    %mul3A_570 = arith.mulf %div3A_552, %add3A_569 : vector<1x128xf32>
    %add3A_571 = arith.addf %mul3A_566, %mul3A_570 : vector<1x128xf32>
    %mul3A_572 = arith.mulf %div3A_552, %add3A_494 : vector<1x128xf32>
    %mul3A_573 = arith.mulf %mul3A_553, %broadcast_in_dim3A_102 : vector<1x128xf32>
    %sub3A_574 = arith.subf %mul3A_572, %mul3A_573 : vector<1x128xf32>
    %mul3A_575 = arith.mulf %mul3A_553, %add3A_494 : vector<1x128xf32>
    %mul3A_576 = arith.mulf %div3A_552, %broadcast_in_dim3A_102 : vector<1x128xf32>
    %add3A_577 = arith.addf %mul3A_575, %mul3A_576 : vector<1x128xf32>
    %mul3A_578 = arith.mulf %div3A_552, %sub3A_414 : vector<1x128xf32>
    %mul3A_579 = arith.mulf %mul3A_553, %sub3A_497 : vector<1x128xf32>
    %sub3A_580 = arith.subf %mul3A_578, %mul3A_579 : vector<1x128xf32>
    %mul3A_581 = arith.mulf %div3A_552, %sub3A_417 : vector<1x128xf32>
    %mul3A_582 = arith.mulf %mul3A_553, %sub3A_500 : vector<1x128xf32>
    %sub3A_583 = arith.subf %mul3A_581, %mul3A_582 : vector<1x128xf32>
    %mul3A_584 = arith.mulf %div3A_552, %sub3A_420 : vector<1x128xf32>
    %mul3A_585 = arith.mulf %mul3A_553, %sub3A_503 : vector<1x128xf32>
    %sub3A_586 = arith.subf %mul3A_584, %mul3A_585 : vector<1x128xf32>
    %mul3A_587 = arith.mulf %mul3A_553, %sub3A_414 : vector<1x128xf32>
    %mul3A_588 = arith.mulf %div3A_552, %sub3A_497 : vector<1x128xf32>
    %add3A_589 = arith.addf %mul3A_587, %mul3A_588 : vector<1x128xf32>
    %mul3A_590 = arith.mulf %mul3A_553, %sub3A_417 : vector<1x128xf32>
    %mul3A_591 = arith.mulf %div3A_552, %sub3A_500 : vector<1x128xf32>
    %add3A_592 = arith.addf %mul3A_590, %mul3A_591 : vector<1x128xf32>
    %mul3A_593 = arith.mulf %mul3A_553, %sub3A_420 : vector<1x128xf32>
    %mul3A_594 = arith.mulf %div3A_552, %sub3A_503 : vector<1x128xf32>
    %add3A_595 = arith.addf %mul3A_593, %mul3A_594 : vector<1x128xf32>
    %sub3A_596 = arith.subf %add3A_488, %sub3A_562 : vector<1x128xf32>
    %mul3A_597 = arith.constant 2.000000e+00 : f32
    %mul3A_598 = vector.broadcast %mul3A_597 : f32 to vector<1x128xf32>
    %mul3A_599 = arith.mulf %mul3A_598, %sub3A_574 : vector<1x128xf32>
    %div3A_600 = arith.divf %sub3A_596, %mul3A_599 : vector<1x128xf32>
    %sign3A_601 = tpu.bitcast %div3A_600 : vector<1x128xf32> -> vector<1x128xi32>
    %sign3A_602 = arith.constant -2147483648 : i32
    %sign3A_603 = vector.broadcast %sign3A_602 : i32 to vector<1x128xi32>
    %sign3A_604 = arith.andi %sign3A_601, %sign3A_603 : vector<1x128xi32>
    %sign3A_605 = arith.constant 1065353216 : i32
    %sign3A_606 = vector.broadcast %sign3A_605 : i32 to vector<1x128xi32>
    %sign3A_607 = arith.ori %sign3A_606, %sign3A_604 : vector<1x128xi32>
    %sign3A_608 = tpu.bitcast %sign3A_607 : vector<1x128xi32> -> vector<1x128xf32>
    %sign3A_609 = math.absf %div3A_600 : vector<1x128xf32>
    %sign3A_610 = arith.constant 0.000000e+00 : f32
    %sign3A_611 = vector.broadcast %sign3A_610 : f32 to vector<1x128xf32>
    %sign3A_612 = arith.cmpf ogt, %sign3A_609, %sign3A_611 : vector<1x128xf32>
    %sign3A_613 = arith.select %sign3A_612, %sign3A_608, %div3A_600 : vector<1x128xi1>, vector<1x128xf32>
    %abs3A_614 = math.absf %div3A_600 : vector<1x128xf32>
    %mul3A_615 = arith.mulf %div3A_600, %div3A_600 : vector<1x128xf32>
    %add3A_616 = arith.constant 1.000000e+00 : f32
    %add3A_617 = vector.broadcast %add3A_616 : f32 to vector<1x128xf32>
    %add3A_618 = arith.addf %add3A_617, %mul3A_615 : vector<1x128xf32>
    %sqrt3A_619 = math.sqrt %add3A_618 : vector<1x128xf32>
    %add3A_620 = arith.addf %abs3A_614, %sqrt3A_619 : vector<1x128xf32>
    %div3A_621 = arith.divf %sign3A_613, %add3A_620 : vector<1x128xf32>
    %eq3A_622 = arith.constant 0.000000e+00 : f32
    %eq3A_623 = vector.broadcast %eq3A_622 : f32 to vector<1x128xf32>
    %eq3A_624 = arith.cmpf oeq, %sub3A_574, %eq3A_623 : vector<1x128xf32>
    %jit3A_625 = arith.constant 0.000000e+00 : f32
    %broadcast_in_dim3A_626 = vector.broadcast %jit3A_625 : f32 to vector<1x128xf32>
    %select_n3A_627 = arith.select %eq3A_624, %broadcast_in_dim3A_626, %div3A_621 : vector<1x128xi1>, vector<1x128xf32>
    %mul3A_628 = arith.mulf %select_n3A_627, %select_n3A_627 : vector<1x128xf32>
    %add3A_629 = arith.constant 1.000000e+00 : f32
    %add3A_630 = vector.broadcast %add3A_629 : f32 to vector<1x128xf32>
    %add3A_631 = arith.addf %add3A_630, %mul3A_628 : vector<1x128xf32>
    %sqrt3A_632 = math.sqrt %add3A_631 : vector<1x128xf32>
    %div3A_633 = arith.constant 1.000000e+00 : f32
    %div3A_634 = vector.broadcast %div3A_633 : f32 to vector<1x128xf32>
    %div3A_635 = arith.divf %div3A_634, %sqrt3A_632 : vector<1x128xf32>
    %mul3A_636 = arith.mulf %select_n3A_627, %div3A_635 : vector<1x128xf32>
    %mul3A_637 = arith.mulf %div3A_635, %sub3A_562 : vector<1x128xf32>
    %mul3A_638 = arith.mulf %mul3A_636, %sub3A_574 : vector<1x128xf32>
    %sub3A_639 = arith.subf %mul3A_637, %mul3A_638 : vector<1x128xf32>
    %mul3A_640 = arith.mulf %div3A_635, %sub3A_639 : vector<1x128xf32>
    %mul3A_641 = arith.mulf %div3A_635, %sub3A_574 : vector<1x128xf32>
    %mul3A_642 = arith.mulf %mul3A_636, %add3A_488 : vector<1x128xf32>
    %sub3A_643 = arith.subf %mul3A_641, %mul3A_642 : vector<1x128xf32>
    %mul3A_644 = arith.mulf %mul3A_636, %sub3A_643 : vector<1x128xf32>
    %sub3A_645 = arith.subf %mul3A_640, %mul3A_644 : vector<1x128xf32>
    %mul3A_646 = arith.mulf %mul3A_636, %sub3A_562 : vector<1x128xf32>
    %mul3A_647 = arith.mulf %div3A_635, %sub3A_574 : vector<1x128xf32>
    %add3A_648 = arith.addf %mul3A_646, %mul3A_647 : vector<1x128xf32>
    %mul3A_649 = arith.mulf %mul3A_636, %add3A_648 : vector<1x128xf32>
    %mul3A_650 = arith.mulf %mul3A_636, %sub3A_574 : vector<1x128xf32>
    %mul3A_651 = arith.mulf %div3A_635, %add3A_488 : vector<1x128xf32>
    %add3A_652 = arith.addf %mul3A_650, %mul3A_651 : vector<1x128xf32>
    %mul3A_653 = arith.mulf %div3A_635, %add3A_652 : vector<1x128xf32>
    %add3A_654 = arith.addf %mul3A_649, %mul3A_653 : vector<1x128xf32>
    %mul3A_655 = arith.mulf %div3A_635, %broadcast_in_dim3A_102 : vector<1x128xf32>
    %mul3A_656 = arith.mulf %mul3A_636, %add3A_577 : vector<1x128xf32>
    %sub3A_657 = arith.subf %mul3A_655, %mul3A_656 : vector<1x128xf32>
    %mul3A_658 = arith.mulf %mul3A_636, %broadcast_in_dim3A_102 : vector<1x128xf32>
    %mul3A_659 = arith.mulf %div3A_635, %add3A_577 : vector<1x128xf32>
    %add3A_660 = arith.addf %mul3A_658, %mul3A_659 : vector<1x128xf32>
    %mul3A_661 = arith.mulf %div3A_635, %sub3A_580 : vector<1x128xf32>
    %mul3A_662 = arith.mulf %mul3A_636, %add3A_506 : vector<1x128xf32>
    %sub3A_663 = arith.subf %mul3A_661, %mul3A_662 : vector<1x128xf32>
    %mul3A_664 = arith.mulf %div3A_635, %sub3A_583 : vector<1x128xf32>
    %mul3A_665 = arith.mulf %mul3A_636, %add3A_509 : vector<1x128xf32>
    %sub3A_666 = arith.subf %mul3A_664, %mul3A_665 : vector<1x128xf32>
    %mul3A_667 = arith.mulf %div3A_635, %sub3A_586 : vector<1x128xf32>
    %mul3A_668 = arith.mulf %mul3A_636, %add3A_512 : vector<1x128xf32>
    %sub3A_669 = arith.subf %mul3A_667, %mul3A_668 : vector<1x128xf32>
    %mul3A_670 = arith.mulf %mul3A_636, %sub3A_580 : vector<1x128xf32>
    %mul3A_671 = arith.mulf %div3A_635, %add3A_506 : vector<1x128xf32>
    %add3A_672 = arith.addf %mul3A_670, %mul3A_671 : vector<1x128xf32>
    %mul3A_673 = arith.mulf %mul3A_636, %sub3A_583 : vector<1x128xf32>
    %mul3A_674 = arith.mulf %div3A_635, %add3A_509 : vector<1x128xf32>
    %add3A_675 = arith.addf %mul3A_673, %mul3A_674 : vector<1x128xf32>
    %mul3A_676 = arith.mulf %mul3A_636, %sub3A_586 : vector<1x128xf32>
    %mul3A_677 = arith.mulf %div3A_635, %add3A_512 : vector<1x128xf32>
    %add3A_678 = arith.addf %mul3A_676, %mul3A_677 : vector<1x128xf32>
    %sub3A_679 = arith.subf %add3A_654, %add3A_571 : vector<1x128xf32>
    %mul3A_680 = arith.constant 2.000000e+00 : f32
    %mul3A_681 = vector.broadcast %mul3A_680 : f32 to vector<1x128xf32>
    %mul3A_682 = arith.mulf %mul3A_681, %add3A_660 : vector<1x128xf32>
    %div3A_683 = arith.divf %sub3A_679, %mul3A_682 : vector<1x128xf32>
    %sign3A_684 = tpu.bitcast %div3A_683 : vector<1x128xf32> -> vector<1x128xi32>
    %sign3A_685 = arith.constant -2147483648 : i32
    %sign3A_686 = vector.broadcast %sign3A_685 : i32 to vector<1x128xi32>
    %sign3A_687 = arith.andi %sign3A_684, %sign3A_686 : vector<1x128xi32>
    %sign3A_688 = arith.constant 1065353216 : i32
    %sign3A_689 = vector.broadcast %sign3A_688 : i32 to vector<1x128xi32>
    %sign3A_690 = arith.ori %sign3A_689, %sign3A_687 : vector<1x128xi32>
    %sign3A_691 = tpu.bitcast %sign3A_690 : vector<1x128xi32> -> vector<1x128xf32>
    %sign3A_692 = math.absf %div3A_683 : vector<1x128xf32>
    %sign3A_693 = arith.constant 0.000000e+00 : f32
    %sign3A_694 = vector.broadcast %sign3A_693 : f32 to vector<1x128xf32>
    %sign3A_695 = arith.cmpf ogt, %sign3A_692, %sign3A_694 : vector<1x128xf32>
    %sign3A_696 = arith.select %sign3A_695, %sign3A_691, %div3A_683 : vector<1x128xi1>, vector<1x128xf32>
    %abs3A_697 = math.absf %div3A_683 : vector<1x128xf32>
    %mul3A_698 = arith.mulf %div3A_683, %div3A_683 : vector<1x128xf32>
    %add3A_699 = arith.constant 1.000000e+00 : f32
    %add3A_700 = vector.broadcast %add3A_699 : f32 to vector<1x128xf32>
    %add3A_701 = arith.addf %add3A_700, %mul3A_698 : vector<1x128xf32>
    %sqrt3A_702 = math.sqrt %add3A_701 : vector<1x128xf32>
    %add3A_703 = arith.addf %abs3A_697, %sqrt3A_702 : vector<1x128xf32>
    %div3A_704 = arith.divf %sign3A_696, %add3A_703 : vector<1x128xf32>
    %eq3A_705 = arith.constant 0.000000e+00 : f32
    %eq3A_706 = vector.broadcast %eq3A_705 : f32 to vector<1x128xf32>
    %eq3A_707 = arith.cmpf oeq, %add3A_660, %eq3A_706 : vector<1x128xf32>
    %jit3A_708 = arith.constant 0.000000e+00 : f32
    %broadcast_in_dim3A_709 = vector.broadcast %jit3A_708 : f32 to vector<1x128xf32>
    %select_n3A_710 = arith.select %eq3A_707, %broadcast_in_dim3A_709, %div3A_704 : vector<1x128xi1>, vector<1x128xf32>
    %mul3A_711 = arith.mulf %select_n3A_710, %select_n3A_710 : vector<1x128xf32>
    %add3A_712 = arith.constant 1.000000e+00 : f32
    %add3A_713 = vector.broadcast %add3A_712 : f32 to vector<1x128xf32>
    %add3A_714 = arith.addf %add3A_713, %mul3A_711 : vector<1x128xf32>
    %sqrt3A_715 = math.sqrt %add3A_714 : vector<1x128xf32>
    %div3A_716 = arith.constant 1.000000e+00 : f32
    %div3A_717 = vector.broadcast %div3A_716 : f32 to vector<1x128xf32>
    %div3A_718 = arith.divf %div3A_717, %sqrt3A_715 : vector<1x128xf32>
    %mul3A_719 = arith.mulf %select_n3A_710, %div3A_718 : vector<1x128xf32>
    %mul3A_720 = arith.mulf %div3A_718, %add3A_571 : vector<1x128xf32>
    %mul3A_721 = arith.mulf %mul3A_719, %add3A_660 : vector<1x128xf32>
    %sub3A_722 = arith.subf %mul3A_720, %mul3A_721 : vector<1x128xf32>
    %mul3A_723 = arith.mulf %div3A_718, %sub3A_722 : vector<1x128xf32>
    %mul3A_724 = arith.mulf %div3A_718, %add3A_660 : vector<1x128xf32>
    %mul3A_725 = arith.mulf %mul3A_719, %add3A_654 : vector<1x128xf32>
    %sub3A_726 = arith.subf %mul3A_724, %mul3A_725 : vector<1x128xf32>
    %mul3A_727 = arith.mulf %mul3A_719, %sub3A_726 : vector<1x128xf32>
    %sub3A_728 = arith.subf %mul3A_723, %mul3A_727 : vector<1x128xf32>
    %mul3A_729 = arith.mulf %mul3A_719, %add3A_571 : vector<1x128xf32>
    %mul3A_730 = arith.mulf %div3A_718, %add3A_660 : vector<1x128xf32>
    %add3A_731 = arith.addf %mul3A_729, %mul3A_730 : vector<1x128xf32>
    %mul3A_732 = arith.mulf %mul3A_719, %add3A_731 : vector<1x128xf32>
    %mul3A_733 = arith.mulf %mul3A_719, %add3A_660 : vector<1x128xf32>
    %mul3A_734 = arith.mulf %div3A_718, %add3A_654 : vector<1x128xf32>
    %add3A_735 = arith.addf %mul3A_733, %mul3A_734 : vector<1x128xf32>
    %mul3A_736 = arith.mulf %div3A_718, %add3A_735 : vector<1x128xf32>
    %add3A_737 = arith.addf %mul3A_732, %mul3A_736 : vector<1x128xf32>
    %mul3A_738 = arith.mulf %div3A_718, %sub3A_657 : vector<1x128xf32>
    %mul3A_739 = arith.mulf %mul3A_719, %broadcast_in_dim3A_102 : vector<1x128xf32>
    %sub3A_740 = arith.subf %mul3A_738, %mul3A_739 : vector<1x128xf32>
    %mul3A_741 = arith.mulf %mul3A_719, %sub3A_657 : vector<1x128xf32>
    %mul3A_742 = arith.mulf %div3A_718, %broadcast_in_dim3A_102 : vector<1x128xf32>
    %add3A_743 = arith.addf %mul3A_741, %mul3A_742 : vector<1x128xf32>
    %mul3A_744 = arith.mulf %div3A_718, %add3A_589 : vector<1x128xf32>
    %mul3A_745 = arith.mulf %mul3A_719, %add3A_672 : vector<1x128xf32>
    %sub3A_746 = arith.subf %mul3A_744, %mul3A_745 : vector<1x128xf32>
    %mul3A_747 = arith.mulf %div3A_718, %add3A_592 : vector<1x128xf32>
    %mul3A_748 = arith.mulf %mul3A_719, %add3A_675 : vector<1x128xf32>
    %sub3A_749 = arith.subf %mul3A_747, %mul3A_748 : vector<1x128xf32>
    %mul3A_750 = arith.mulf %div3A_718, %add3A_595 : vector<1x128xf32>
    %mul3A_751 = arith.mulf %mul3A_719, %add3A_678 : vector<1x128xf32>
    %sub3A_752 = arith.subf %mul3A_750, %mul3A_751 : vector<1x128xf32>
    %mul3A_753 = arith.mulf %mul3A_719, %add3A_589 : vector<1x128xf32>
    %mul3A_754 = arith.mulf %div3A_718, %add3A_672 : vector<1x128xf32>
    %add3A_755 = arith.addf %mul3A_753, %mul3A_754 : vector<1x128xf32>
    %mul3A_756 = arith.mulf %mul3A_719, %add3A_592 : vector<1x128xf32>
    %mul3A_757 = arith.mulf %div3A_718, %add3A_675 : vector<1x128xf32>
    %add3A_758 = arith.addf %mul3A_756, %mul3A_757 : vector<1x128xf32>
    %mul3A_759 = arith.mulf %mul3A_719, %add3A_595 : vector<1x128xf32>
    %mul3A_760 = arith.mulf %div3A_718, %add3A_678 : vector<1x128xf32>
    %add3A_761 = arith.addf %mul3A_759, %mul3A_760 : vector<1x128xf32>
    %sub3A_762 = arith.subf %sub3A_728, %sub3A_645 : vector<1x128xf32>
    %mul3A_763 = arith.constant 2.000000e+00 : f32
    %mul3A_764 = vector.broadcast %mul3A_763 : f32 to vector<1x128xf32>
    %mul3A_765 = arith.mulf %mul3A_764, %sub3A_740 : vector<1x128xf32>
    %div3A_766 = arith.divf %sub3A_762, %mul3A_765 : vector<1x128xf32>
    %sign3A_767 = tpu.bitcast %div3A_766 : vector<1x128xf32> -> vector<1x128xi32>
    %sign3A_768 = arith.constant -2147483648 : i32
    %sign3A_769 = vector.broadcast %sign3A_768 : i32 to vector<1x128xi32>
    %sign3A_770 = arith.andi %sign3A_767, %sign3A_769 : vector<1x128xi32>
    %sign3A_771 = arith.constant 1065353216 : i32
    %sign3A_772 = vector.broadcast %sign3A_771 : i32 to vector<1x128xi32>
    %sign3A_773 = arith.ori %sign3A_772, %sign3A_770 : vector<1x128xi32>
    %sign3A_774 = tpu.bitcast %sign3A_773 : vector<1x128xi32> -> vector<1x128xf32>
    %sign3A_775 = math.absf %div3A_766 : vector<1x128xf32>
    %sign3A_776 = arith.constant 0.000000e+00 : f32
    %sign3A_777 = vector.broadcast %sign3A_776 : f32 to vector<1x128xf32>
    %sign3A_778 = arith.cmpf ogt, %sign3A_775, %sign3A_777 : vector<1x128xf32>
    %sign3A_779 = arith.select %sign3A_778, %sign3A_774, %div3A_766 : vector<1x128xi1>, vector<1x128xf32>
    %abs3A_780 = math.absf %div3A_766 : vector<1x128xf32>
    %mul3A_781 = arith.mulf %div3A_766, %div3A_766 : vector<1x128xf32>
    %add3A_782 = arith.constant 1.000000e+00 : f32
    %add3A_783 = vector.broadcast %add3A_782 : f32 to vector<1x128xf32>
    %add3A_784 = arith.addf %add3A_783, %mul3A_781 : vector<1x128xf32>
    %sqrt3A_785 = math.sqrt %add3A_784 : vector<1x128xf32>
    %add3A_786 = arith.addf %abs3A_780, %sqrt3A_785 : vector<1x128xf32>
    %div3A_787 = arith.divf %sign3A_779, %add3A_786 : vector<1x128xf32>
    %eq3A_788 = arith.constant 0.000000e+00 : f32
    %eq3A_789 = vector.broadcast %eq3A_788 : f32 to vector<1x128xf32>
    %eq3A_790 = arith.cmpf oeq, %sub3A_740, %eq3A_789 : vector<1x128xf32>
    %jit3A_791 = arith.constant 0.000000e+00 : f32
    %broadcast_in_dim3A_792 = vector.broadcast %jit3A_791 : f32 to vector<1x128xf32>
    %select_n3A_793 = arith.select %eq3A_790, %broadcast_in_dim3A_792, %div3A_787 : vector<1x128xi1>, vector<1x128xf32>
    %mul3A_794 = arith.mulf %select_n3A_793, %select_n3A_793 : vector<1x128xf32>
    %add3A_795 = arith.constant 1.000000e+00 : f32
    %add3A_796 = vector.broadcast %add3A_795 : f32 to vector<1x128xf32>
    %add3A_797 = arith.addf %add3A_796, %mul3A_794 : vector<1x128xf32>
    %sqrt3A_798 = math.sqrt %add3A_797 : vector<1x128xf32>
    %div3A_799 = arith.constant 1.000000e+00 : f32
    %div3A_800 = vector.broadcast %div3A_799 : f32 to vector<1x128xf32>
    %div3A_801 = arith.divf %div3A_800, %sqrt3A_798 : vector<1x128xf32>
    %mul3A_802 = arith.mulf %select_n3A_793, %div3A_801 : vector<1x128xf32>
    %mul3A_803 = arith.mulf %div3A_801, %sub3A_645 : vector<1x128xf32>
    %mul3A_804 = arith.mulf %mul3A_802, %sub3A_740 : vector<1x128xf32>
    %sub3A_805 = arith.subf %mul3A_803, %mul3A_804 : vector<1x128xf32>
    %mul3A_806 = arith.mulf %div3A_801, %sub3A_805 : vector<1x128xf32>
    %mul3A_807 = arith.mulf %div3A_801, %sub3A_740 : vector<1x128xf32>
    %mul3A_808 = arith.mulf %mul3A_802, %sub3A_728 : vector<1x128xf32>
    %sub3A_809 = arith.subf %mul3A_807, %mul3A_808 : vector<1x128xf32>
    %mul3A_810 = arith.mulf %mul3A_802, %sub3A_809 : vector<1x128xf32>
    %sub3A_811 = arith.subf %mul3A_806, %mul3A_810 : vector<1x128xf32>
    %mul3A_812 = arith.mulf %mul3A_802, %sub3A_645 : vector<1x128xf32>
    %mul3A_813 = arith.mulf %div3A_801, %sub3A_740 : vector<1x128xf32>
    %add3A_814 = arith.addf %mul3A_812, %mul3A_813 : vector<1x128xf32>
    %mul3A_815 = arith.mulf %mul3A_802, %add3A_814 : vector<1x128xf32>
    %mul3A_816 = arith.mulf %mul3A_802, %sub3A_740 : vector<1x128xf32>
    %mul3A_817 = arith.mulf %div3A_801, %sub3A_728 : vector<1x128xf32>
    %add3A_818 = arith.addf %mul3A_816, %mul3A_817 : vector<1x128xf32>
    %mul3A_819 = arith.mulf %div3A_801, %add3A_818 : vector<1x128xf32>
    %add3A_820 = arith.addf %mul3A_815, %mul3A_819 : vector<1x128xf32>
    %mul3A_821 = arith.mulf %div3A_801, %add3A_743 : vector<1x128xf32>
    %mul3A_822 = arith.mulf %mul3A_802, %broadcast_in_dim3A_102 : vector<1x128xf32>
    %sub3A_823 = arith.subf %mul3A_821, %mul3A_822 : vector<1x128xf32>
    %mul3A_824 = arith.mulf %mul3A_802, %add3A_743 : vector<1x128xf32>
    %mul3A_825 = arith.mulf %div3A_801, %broadcast_in_dim3A_102 : vector<1x128xf32>
    %add3A_826 = arith.addf %mul3A_824, %mul3A_825 : vector<1x128xf32>
    %mul3A_827 = arith.mulf %div3A_801, %sub3A_663 : vector<1x128xf32>
    %mul3A_828 = arith.mulf %mul3A_802, %sub3A_746 : vector<1x128xf32>
    %sub3A_829 = arith.subf %mul3A_827, %mul3A_828 : vector<1x128xf32>
    %mul3A_830 = arith.mulf %div3A_801, %sub3A_666 : vector<1x128xf32>
    %mul3A_831 = arith.mulf %mul3A_802, %sub3A_749 : vector<1x128xf32>
    %sub3A_832 = arith.subf %mul3A_830, %mul3A_831 : vector<1x128xf32>
    %mul3A_833 = arith.mulf %div3A_801, %sub3A_669 : vector<1x128xf32>
    %mul3A_834 = arith.mulf %mul3A_802, %sub3A_752 : vector<1x128xf32>
    %sub3A_835 = arith.subf %mul3A_833, %mul3A_834 : vector<1x128xf32>
    %mul3A_836 = arith.mulf %mul3A_802, %sub3A_663 : vector<1x128xf32>
    %mul3A_837 = arith.mulf %div3A_801, %sub3A_746 : vector<1x128xf32>
    %add3A_838 = arith.addf %mul3A_836, %mul3A_837 : vector<1x128xf32>
    %mul3A_839 = arith.mulf %mul3A_802, %sub3A_666 : vector<1x128xf32>
    %mul3A_840 = arith.mulf %div3A_801, %sub3A_749 : vector<1x128xf32>
    %add3A_841 = arith.addf %mul3A_839, %mul3A_840 : vector<1x128xf32>
    %mul3A_842 = arith.mulf %mul3A_802, %sub3A_669 : vector<1x128xf32>
    %mul3A_843 = arith.mulf %div3A_801, %sub3A_752 : vector<1x128xf32>
    %add3A_844 = arith.addf %mul3A_842, %mul3A_843 : vector<1x128xf32>
    %sub3A_845 = arith.subf %add3A_737, %sub3A_811 : vector<1x128xf32>
    %mul3A_846 = arith.constant 2.000000e+00 : f32
    %mul3A_847 = vector.broadcast %mul3A_846 : f32 to vector<1x128xf32>
    %mul3A_848 = arith.mulf %mul3A_847, %sub3A_823 : vector<1x128xf32>
    %div3A_849 = arith.divf %sub3A_845, %mul3A_848 : vector<1x128xf32>
    %sign3A_850 = tpu.bitcast %div3A_849 : vector<1x128xf32> -> vector<1x128xi32>
    %sign3A_851 = arith.constant -2147483648 : i32
    %sign3A_852 = vector.broadcast %sign3A_851 : i32 to vector<1x128xi32>
    %sign3A_853 = arith.andi %sign3A_850, %sign3A_852 : vector<1x128xi32>
    %sign3A_854 = arith.constant 1065353216 : i32
    %sign3A_855 = vector.broadcast %sign3A_854 : i32 to vector<1x128xi32>
    %sign3A_856 = arith.ori %sign3A_855, %sign3A_853 : vector<1x128xi32>
    %sign3A_857 = tpu.bitcast %sign3A_856 : vector<1x128xi32> -> vector<1x128xf32>
    %sign3A_858 = math.absf %div3A_849 : vector<1x128xf32>
    %sign3A_859 = arith.constant 0.000000e+00 : f32
    %sign3A_860 = vector.broadcast %sign3A_859 : f32 to vector<1x128xf32>
    %sign3A_861 = arith.cmpf ogt, %sign3A_858, %sign3A_860 : vector<1x128xf32>
    %sign3A_862 = arith.select %sign3A_861, %sign3A_857, %div3A_849 : vector<1x128xi1>, vector<1x128xf32>
    %abs3A_863 = math.absf %div3A_849 : vector<1x128xf32>
    %mul3A_864 = arith.mulf %div3A_849, %div3A_849 : vector<1x128xf32>
    %add3A_865 = arith.constant 1.000000e+00 : f32
    %add3A_866 = vector.broadcast %add3A_865 : f32 to vector<1x128xf32>
    %add3A_867 = arith.addf %add3A_866, %mul3A_864 : vector<1x128xf32>
    %sqrt3A_868 = math.sqrt %add3A_867 : vector<1x128xf32>
    %add3A_869 = arith.addf %abs3A_863, %sqrt3A_868 : vector<1x128xf32>
    %div3A_870 = arith.divf %sign3A_862, %add3A_869 : vector<1x128xf32>
    %eq3A_871 = arith.constant 0.000000e+00 : f32
    %eq3A_872 = vector.broadcast %eq3A_871 : f32 to vector<1x128xf32>
    %eq3A_873 = arith.cmpf oeq, %sub3A_823, %eq3A_872 : vector<1x128xf32>
    %jit3A_874 = arith.constant 0.000000e+00 : f32
    %broadcast_in_dim3A_875 = vector.broadcast %jit3A_874 : f32 to vector<1x128xf32>
    %select_n3A_876 = arith.select %eq3A_873, %broadcast_in_dim3A_875, %div3A_870 : vector<1x128xi1>, vector<1x128xf32>
    %mul3A_877 = arith.mulf %select_n3A_876, %select_n3A_876 : vector<1x128xf32>
    %add3A_878 = arith.constant 1.000000e+00 : f32
    %add3A_879 = vector.broadcast %add3A_878 : f32 to vector<1x128xf32>
    %add3A_880 = arith.addf %add3A_879, %mul3A_877 : vector<1x128xf32>
    %sqrt3A_881 = math.sqrt %add3A_880 : vector<1x128xf32>
    %div3A_882 = arith.constant 1.000000e+00 : f32
    %div3A_883 = vector.broadcast %div3A_882 : f32 to vector<1x128xf32>
    %div3A_884 = arith.divf %div3A_883, %sqrt3A_881 : vector<1x128xf32>
    %mul3A_885 = arith.mulf %select_n3A_876, %div3A_884 : vector<1x128xf32>
    %mul3A_886 = arith.mulf %div3A_884, %sub3A_811 : vector<1x128xf32>
    %mul3A_887 = arith.mulf %mul3A_885, %sub3A_823 : vector<1x128xf32>
    %sub3A_888 = arith.subf %mul3A_886, %mul3A_887 : vector<1x128xf32>
    %mul3A_889 = arith.mulf %div3A_884, %sub3A_888 : vector<1x128xf32>
    %mul3A_890 = arith.mulf %div3A_884, %sub3A_823 : vector<1x128xf32>
    %mul3A_891 = arith.mulf %mul3A_885, %add3A_737 : vector<1x128xf32>
    %sub3A_892 = arith.subf %mul3A_890, %mul3A_891 : vector<1x128xf32>
    %mul3A_893 = arith.mulf %mul3A_885, %sub3A_892 : vector<1x128xf32>
    %sub3A_894 = arith.subf %mul3A_889, %mul3A_893 : vector<1x128xf32>
    %mul3A_895 = arith.mulf %mul3A_885, %sub3A_811 : vector<1x128xf32>
    %mul3A_896 = arith.mulf %div3A_884, %sub3A_823 : vector<1x128xf32>
    %add3A_897 = arith.addf %mul3A_895, %mul3A_896 : vector<1x128xf32>
    %mul3A_898 = arith.mulf %mul3A_885, %add3A_897 : vector<1x128xf32>
    %mul3A_899 = arith.mulf %mul3A_885, %sub3A_823 : vector<1x128xf32>
    %mul3A_900 = arith.mulf %div3A_884, %add3A_737 : vector<1x128xf32>
    %add3A_901 = arith.addf %mul3A_899, %mul3A_900 : vector<1x128xf32>
    %mul3A_902 = arith.mulf %div3A_884, %add3A_901 : vector<1x128xf32>
    %add3A_903 = arith.addf %mul3A_898, %mul3A_902 : vector<1x128xf32>
    %mul3A_904 = arith.mulf %div3A_884, %broadcast_in_dim3A_102 : vector<1x128xf32>
    %mul3A_905 = arith.mulf %mul3A_885, %add3A_826 : vector<1x128xf32>
    %sub3A_906 = arith.subf %mul3A_904, %mul3A_905 : vector<1x128xf32>
    %mul3A_907 = arith.mulf %mul3A_885, %broadcast_in_dim3A_102 : vector<1x128xf32>
    %mul3A_908 = arith.mulf %div3A_884, %add3A_826 : vector<1x128xf32>
    %add3A_909 = arith.addf %mul3A_907, %mul3A_908 : vector<1x128xf32>
    %mul3A_910 = arith.mulf %div3A_884, %sub3A_829 : vector<1x128xf32>
    %mul3A_911 = arith.mulf %mul3A_885, %add3A_755 : vector<1x128xf32>
    %sub3A_912 = arith.subf %mul3A_910, %mul3A_911 : vector<1x128xf32>
    %mul3A_913 = arith.mulf %div3A_884, %sub3A_832 : vector<1x128xf32>
    %mul3A_914 = arith.mulf %mul3A_885, %add3A_758 : vector<1x128xf32>
    %sub3A_915 = arith.subf %mul3A_913, %mul3A_914 : vector<1x128xf32>
    %mul3A_916 = arith.mulf %div3A_884, %sub3A_835 : vector<1x128xf32>
    %mul3A_917 = arith.mulf %mul3A_885, %add3A_761 : vector<1x128xf32>
    %sub3A_918 = arith.subf %mul3A_916, %mul3A_917 : vector<1x128xf32>
    %mul3A_919 = arith.mulf %mul3A_885, %sub3A_829 : vector<1x128xf32>
    %mul3A_920 = arith.mulf %div3A_884, %add3A_755 : vector<1x128xf32>
    %add3A_921 = arith.addf %mul3A_919, %mul3A_920 : vector<1x128xf32>
    %mul3A_922 = arith.mulf %mul3A_885, %sub3A_832 : vector<1x128xf32>
    %mul3A_923 = arith.mulf %div3A_884, %add3A_758 : vector<1x128xf32>
    %add3A_924 = arith.addf %mul3A_922, %mul3A_923 : vector<1x128xf32>
    %mul3A_925 = arith.mulf %mul3A_885, %sub3A_835 : vector<1x128xf32>
    %mul3A_926 = arith.mulf %div3A_884, %add3A_761 : vector<1x128xf32>
    %add3A_927 = arith.addf %mul3A_925, %mul3A_926 : vector<1x128xf32>
    %sub3A_928 = arith.subf %add3A_903, %add3A_820 : vector<1x128xf32>
    %mul3A_929 = arith.constant 2.000000e+00 : f32
    %mul3A_930 = vector.broadcast %mul3A_929 : f32 to vector<1x128xf32>
    %mul3A_931 = arith.mulf %mul3A_930, %add3A_909 : vector<1x128xf32>
    %div3A_932 = arith.divf %sub3A_928, %mul3A_931 : vector<1x128xf32>
    %sign3A_933 = tpu.bitcast %div3A_932 : vector<1x128xf32> -> vector<1x128xi32>
    %sign3A_934 = arith.constant -2147483648 : i32
    %sign3A_935 = vector.broadcast %sign3A_934 : i32 to vector<1x128xi32>
    %sign3A_936 = arith.andi %sign3A_933, %sign3A_935 : vector<1x128xi32>
    %sign3A_937 = arith.constant 1065353216 : i32
    %sign3A_938 = vector.broadcast %sign3A_937 : i32 to vector<1x128xi32>
    %sign3A_939 = arith.ori %sign3A_938, %sign3A_936 : vector<1x128xi32>
    %sign3A_940 = tpu.bitcast %sign3A_939 : vector<1x128xi32> -> vector<1x128xf32>
    %sign3A_941 = math.absf %div3A_932 : vector<1x128xf32>
    %sign3A_942 = arith.constant 0.000000e+00 : f32
    %sign3A_943 = vector.broadcast %sign3A_942 : f32 to vector<1x128xf32>
    %sign3A_944 = arith.cmpf ogt, %sign3A_941, %sign3A_943 : vector<1x128xf32>
    %sign3A_945 = arith.select %sign3A_944, %sign3A_940, %div3A_932 : vector<1x128xi1>, vector<1x128xf32>
    %abs3A_946 = math.absf %div3A_932 : vector<1x128xf32>
    %mul3A_947 = arith.mulf %div3A_932, %div3A_932 : vector<1x128xf32>
    %add3A_948 = arith.constant 1.000000e+00 : f32
    %add3A_949 = vector.broadcast %add3A_948 : f32 to vector<1x128xf32>
    %add3A_950 = arith.addf %add3A_949, %mul3A_947 : vector<1x128xf32>
    %sqrt3A_951 = math.sqrt %add3A_950 : vector<1x128xf32>
    %add3A_952 = arith.addf %abs3A_946, %sqrt3A_951 : vector<1x128xf32>
    %div3A_953 = arith.divf %sign3A_945, %add3A_952 : vector<1x128xf32>
    %eq3A_954 = arith.constant 0.000000e+00 : f32
    %eq3A_955 = vector.broadcast %eq3A_954 : f32 to vector<1x128xf32>
    %eq3A_956 = arith.cmpf oeq, %add3A_909, %eq3A_955 : vector<1x128xf32>
    %jit3A_957 = arith.constant 0.000000e+00 : f32
    %broadcast_in_dim3A_958 = vector.broadcast %jit3A_957 : f32 to vector<1x128xf32>
    %select_n3A_959 = arith.select %eq3A_956, %broadcast_in_dim3A_958, %div3A_953 : vector<1x128xi1>, vector<1x128xf32>
    %mul3A_960 = arith.mulf %select_n3A_959, %select_n3A_959 : vector<1x128xf32>
    %add3A_961 = arith.constant 1.000000e+00 : f32
    %add3A_962 = vector.broadcast %add3A_961 : f32 to vector<1x128xf32>
    %add3A_963 = arith.addf %add3A_962, %mul3A_960 : vector<1x128xf32>
    %sqrt3A_964 = math.sqrt %add3A_963 : vector<1x128xf32>
    %div3A_965 = arith.constant 1.000000e+00 : f32
    %div3A_966 = vector.broadcast %div3A_965 : f32 to vector<1x128xf32>
    %div3A_967 = arith.divf %div3A_966, %sqrt3A_964 : vector<1x128xf32>
    %mul3A_968 = arith.mulf %select_n3A_959, %div3A_967 : vector<1x128xf32>
    %mul3A_969 = arith.mulf %div3A_967, %add3A_820 : vector<1x128xf32>
    %mul3A_970 = arith.mulf %mul3A_968, %add3A_909 : vector<1x128xf32>
    %sub3A_971 = arith.subf %mul3A_969, %mul3A_970 : vector<1x128xf32>
    %mul3A_972 = arith.mulf %div3A_967, %sub3A_971 : vector<1x128xf32>
    %mul3A_973 = arith.mulf %div3A_967, %add3A_909 : vector<1x128xf32>
    %mul3A_974 = arith.mulf %mul3A_968, %add3A_903 : vector<1x128xf32>
    %sub3A_975 = arith.subf %mul3A_973, %mul3A_974 : vector<1x128xf32>
    %mul3A_976 = arith.mulf %mul3A_968, %sub3A_975 : vector<1x128xf32>
    %sub3A_977 = arith.subf %mul3A_972, %mul3A_976 : vector<1x128xf32>
    %mul3A_978 = arith.mulf %mul3A_968, %add3A_820 : vector<1x128xf32>
    %mul3A_979 = arith.mulf %div3A_967, %add3A_909 : vector<1x128xf32>
    %add3A_980 = arith.addf %mul3A_978, %mul3A_979 : vector<1x128xf32>
    %mul3A_981 = arith.mulf %mul3A_968, %add3A_980 : vector<1x128xf32>
    %mul3A_982 = arith.mulf %mul3A_968, %add3A_909 : vector<1x128xf32>
    %mul3A_983 = arith.mulf %div3A_967, %add3A_903 : vector<1x128xf32>
    %add3A_984 = arith.addf %mul3A_982, %mul3A_983 : vector<1x128xf32>
    %mul3A_985 = arith.mulf %div3A_967, %add3A_984 : vector<1x128xf32>
    %add3A_986 = arith.addf %mul3A_981, %mul3A_985 : vector<1x128xf32>
    %mul3A_987 = arith.mulf %div3A_967, %sub3A_906 : vector<1x128xf32>
    %mul3A_988 = arith.mulf %mul3A_968, %broadcast_in_dim3A_102 : vector<1x128xf32>
    %sub3A_989 = arith.subf %mul3A_987, %mul3A_988 : vector<1x128xf32>
    %mul3A_990 = arith.mulf %mul3A_968, %sub3A_906 : vector<1x128xf32>
    %mul3A_991 = arith.mulf %div3A_967, %broadcast_in_dim3A_102 : vector<1x128xf32>
    %add3A_992 = arith.addf %mul3A_990, %mul3A_991 : vector<1x128xf32>
    %mul3A_993 = arith.mulf %div3A_967, %add3A_838 : vector<1x128xf32>
    %mul3A_994 = arith.mulf %mul3A_968, %add3A_921 : vector<1x128xf32>
    %sub3A_995 = arith.subf %mul3A_993, %mul3A_994 : vector<1x128xf32>
    %mul3A_996 = arith.mulf %div3A_967, %add3A_841 : vector<1x128xf32>
    %mul3A_997 = arith.mulf %mul3A_968, %add3A_924 : vector<1x128xf32>
    %sub3A_998 = arith.subf %mul3A_996, %mul3A_997 : vector<1x128xf32>
    %mul3A_999 = arith.mulf %div3A_967, %add3A_844 : vector<1x128xf32>
    %mul3A_1000 = arith.mulf %mul3A_968, %add3A_927 : vector<1x128xf32>
    %sub3A_1001 = arith.subf %mul3A_999, %mul3A_1000 : vector<1x128xf32>
    %mul3A_1002 = arith.mulf %mul3A_968, %add3A_838 : vector<1x128xf32>
    %mul3A_1003 = arith.mulf %div3A_967, %add3A_921 : vector<1x128xf32>
    %add3A_1004 = arith.addf %mul3A_1002, %mul3A_1003 : vector<1x128xf32>
    %mul3A_1005 = arith.mulf %mul3A_968, %add3A_841 : vector<1x128xf32>
    %mul3A_1006 = arith.mulf %div3A_967, %add3A_924 : vector<1x128xf32>
    %add3A_1007 = arith.addf %mul3A_1005, %mul3A_1006 : vector<1x128xf32>
    %mul3A_1008 = arith.mulf %mul3A_968, %add3A_844 : vector<1x128xf32>
    %mul3A_1009 = arith.mulf %div3A_967, %add3A_927 : vector<1x128xf32>
    %add3A_1010 = arith.addf %mul3A_1008, %mul3A_1009 : vector<1x128xf32>
    %sub3A_1011 = arith.subf %sub3A_977, %sub3A_894 : vector<1x128xf32>
    %mul3A_1012 = arith.constant 2.000000e+00 : f32
    %mul3A_1013 = vector.broadcast %mul3A_1012 : f32 to vector<1x128xf32>
    %mul3A_1014 = arith.mulf %mul3A_1013, %sub3A_989 : vector<1x128xf32>
    %div3A_1015 = arith.divf %sub3A_1011, %mul3A_1014 : vector<1x128xf32>
    %sign3A_1016 = tpu.bitcast %div3A_1015 : vector<1x128xf32> -> vector<1x128xi32>
    %sign3A_1017 = arith.constant -2147483648 : i32
    %sign3A_1018 = vector.broadcast %sign3A_1017 : i32 to vector<1x128xi32>
    %sign3A_1019 = arith.andi %sign3A_1016, %sign3A_1018 : vector<1x128xi32>
    %sign3A_1020 = arith.constant 1065353216 : i32
    %sign3A_1021 = vector.broadcast %sign3A_1020 : i32 to vector<1x128xi32>
    %sign3A_1022 = arith.ori %sign3A_1021, %sign3A_1019 : vector<1x128xi32>
    %sign3A_1023 = tpu.bitcast %sign3A_1022 : vector<1x128xi32> -> vector<1x128xf32>
    %sign3A_1024 = math.absf %div3A_1015 : vector<1x128xf32>
    %sign3A_1025 = arith.constant 0.000000e+00 : f32
    %sign3A_1026 = vector.broadcast %sign3A_1025 : f32 to vector<1x128xf32>
    %sign3A_1027 = arith.cmpf ogt, %sign3A_1024, %sign3A_1026 : vector<1x128xf32>
    %sign3A_1028 = arith.select %sign3A_1027, %sign3A_1023, %div3A_1015 : vector<1x128xi1>, vector<1x128xf32>
    %abs3A_1029 = math.absf %div3A_1015 : vector<1x128xf32>
    %mul3A_1030 = arith.mulf %div3A_1015, %div3A_1015 : vector<1x128xf32>
    %add3A_1031 = arith.constant 1.000000e+00 : f32
    %add3A_1032 = vector.broadcast %add3A_1031 : f32 to vector<1x128xf32>
    %add3A_1033 = arith.addf %add3A_1032, %mul3A_1030 : vector<1x128xf32>
    %sqrt3A_1034 = math.sqrt %add3A_1033 : vector<1x128xf32>
    %add3A_1035 = arith.addf %abs3A_1029, %sqrt3A_1034 : vector<1x128xf32>
    %div3A_1036 = arith.divf %sign3A_1028, %add3A_1035 : vector<1x128xf32>
    %eq3A_1037 = arith.constant 0.000000e+00 : f32
    %eq3A_1038 = vector.broadcast %eq3A_1037 : f32 to vector<1x128xf32>
    %eq3A_1039 = arith.cmpf oeq, %sub3A_989, %eq3A_1038 : vector<1x128xf32>
    %jit3A_1040 = arith.constant 0.000000e+00 : f32
    %broadcast_in_dim3A_1041 = vector.broadcast %jit3A_1040 : f32 to vector<1x128xf32>
    %select_n3A_1042 = arith.select %eq3A_1039, %broadcast_in_dim3A_1041, %div3A_1036 : vector<1x128xi1>, vector<1x128xf32>
    %mul3A_1043 = arith.mulf %select_n3A_1042, %select_n3A_1042 : vector<1x128xf32>
    %add3A_1044 = arith.constant 1.000000e+00 : f32
    %add3A_1045 = vector.broadcast %add3A_1044 : f32 to vector<1x128xf32>
    %add3A_1046 = arith.addf %add3A_1045, %mul3A_1043 : vector<1x128xf32>
    %sqrt3A_1047 = math.sqrt %add3A_1046 : vector<1x128xf32>
    %div3A_1048 = arith.constant 1.000000e+00 : f32
    %div3A_1049 = vector.broadcast %div3A_1048 : f32 to vector<1x128xf32>
    %div3A_1050 = arith.divf %div3A_1049, %sqrt3A_1047 : vector<1x128xf32>
    %mul3A_1051 = arith.mulf %select_n3A_1042, %div3A_1050 : vector<1x128xf32>
    %mul3A_1052 = arith.mulf %div3A_1050, %sub3A_894 : vector<1x128xf32>
    %mul3A_1053 = arith.mulf %mul3A_1051, %sub3A_989 : vector<1x128xf32>
    %sub3A_1054 = arith.subf %mul3A_1052, %mul3A_1053 : vector<1x128xf32>
    %mul3A_1055 = arith.mulf %div3A_1050, %sub3A_1054 : vector<1x128xf32>
    %mul3A_1056 = arith.mulf %div3A_1050, %sub3A_989 : vector<1x128xf32>
    %mul3A_1057 = arith.mulf %mul3A_1051, %sub3A_977 : vector<1x128xf32>
    %sub3A_1058 = arith.subf %mul3A_1056, %mul3A_1057 : vector<1x128xf32>
    %mul3A_1059 = arith.mulf %mul3A_1051, %sub3A_1058 : vector<1x128xf32>
    %sub3A_1060 = arith.subf %mul3A_1055, %mul3A_1059 : vector<1x128xf32>
    %mul3A_1061 = arith.mulf %mul3A_1051, %sub3A_894 : vector<1x128xf32>
    %mul3A_1062 = arith.mulf %div3A_1050, %sub3A_989 : vector<1x128xf32>
    %add3A_1063 = arith.addf %mul3A_1061, %mul3A_1062 : vector<1x128xf32>
    %mul3A_1064 = arith.mulf %mul3A_1051, %add3A_1063 : vector<1x128xf32>
    %mul3A_1065 = arith.mulf %mul3A_1051, %sub3A_989 : vector<1x128xf32>
    %mul3A_1066 = arith.mulf %div3A_1050, %sub3A_977 : vector<1x128xf32>
    %add3A_1067 = arith.addf %mul3A_1065, %mul3A_1066 : vector<1x128xf32>
    %mul3A_1068 = arith.mulf %div3A_1050, %add3A_1067 : vector<1x128xf32>
    %add3A_1069 = arith.addf %mul3A_1064, %mul3A_1068 : vector<1x128xf32>
    %mul3A_1070 = arith.mulf %div3A_1050, %add3A_992 : vector<1x128xf32>
    %mul3A_1071 = arith.mulf %mul3A_1051, %broadcast_in_dim3A_102 : vector<1x128xf32>
    %sub3A_1072 = arith.subf %mul3A_1070, %mul3A_1071 : vector<1x128xf32>
    %mul3A_1073 = arith.mulf %mul3A_1051, %add3A_992 : vector<1x128xf32>
    %mul3A_1074 = arith.mulf %div3A_1050, %broadcast_in_dim3A_102 : vector<1x128xf32>
    %add3A_1075 = arith.addf %mul3A_1073, %mul3A_1074 : vector<1x128xf32>
    %mul3A_1076 = arith.mulf %div3A_1050, %sub3A_912 : vector<1x128xf32>
    %mul3A_1077 = arith.mulf %mul3A_1051, %sub3A_995 : vector<1x128xf32>
    %sub3A_1078 = arith.subf %mul3A_1076, %mul3A_1077 : vector<1x128xf32>
    %mul3A_1079 = arith.mulf %div3A_1050, %sub3A_915 : vector<1x128xf32>
    %mul3A_1080 = arith.mulf %mul3A_1051, %sub3A_998 : vector<1x128xf32>
    %sub3A_1081 = arith.subf %mul3A_1079, %mul3A_1080 : vector<1x128xf32>
    %mul3A_1082 = arith.mulf %div3A_1050, %sub3A_918 : vector<1x128xf32>
    %mul3A_1083 = arith.mulf %mul3A_1051, %sub3A_1001 : vector<1x128xf32>
    %sub3A_1084 = arith.subf %mul3A_1082, %mul3A_1083 : vector<1x128xf32>
    %mul3A_1085 = arith.mulf %mul3A_1051, %sub3A_912 : vector<1x128xf32>
    %mul3A_1086 = arith.mulf %div3A_1050, %sub3A_995 : vector<1x128xf32>
    %add3A_1087 = arith.addf %mul3A_1085, %mul3A_1086 : vector<1x128xf32>
    %mul3A_1088 = arith.mulf %mul3A_1051, %sub3A_915 : vector<1x128xf32>
    %mul3A_1089 = arith.mulf %div3A_1050, %sub3A_998 : vector<1x128xf32>
    %add3A_1090 = arith.addf %mul3A_1088, %mul3A_1089 : vector<1x128xf32>
    %mul3A_1091 = arith.mulf %mul3A_1051, %sub3A_918 : vector<1x128xf32>
    %mul3A_1092 = arith.mulf %div3A_1050, %sub3A_1001 : vector<1x128xf32>
    %add3A_1093 = arith.addf %mul3A_1091, %mul3A_1092 : vector<1x128xf32>
    %sub3A_1094 = arith.subf %add3A_986, %sub3A_1060 : vector<1x128xf32>
    %mul3A_1095 = arith.constant 2.000000e+00 : f32
    %mul3A_1096 = vector.broadcast %mul3A_1095 : f32 to vector<1x128xf32>
    %mul3A_1097 = arith.mulf %mul3A_1096, %sub3A_1072 : vector<1x128xf32>
    %div3A_1098 = arith.divf %sub3A_1094, %mul3A_1097 : vector<1x128xf32>
    %sign3A_1099 = tpu.bitcast %div3A_1098 : vector<1x128xf32> -> vector<1x128xi32>
    %sign3A_1100 = arith.constant -2147483648 : i32
    %sign3A_1101 = vector.broadcast %sign3A_1100 : i32 to vector<1x128xi32>
    %sign3A_1102 = arith.andi %sign3A_1099, %sign3A_1101 : vector<1x128xi32>
    %sign3A_1103 = arith.constant 1065353216 : i32
    %sign3A_1104 = vector.broadcast %sign3A_1103 : i32 to vector<1x128xi32>
    %sign3A_1105 = arith.ori %sign3A_1104, %sign3A_1102 : vector<1x128xi32>
    %sign3A_1106 = tpu.bitcast %sign3A_1105 : vector<1x128xi32> -> vector<1x128xf32>
    %sign3A_1107 = math.absf %div3A_1098 : vector<1x128xf32>
    %sign3A_1108 = arith.constant 0.000000e+00 : f32
    %sign3A_1109 = vector.broadcast %sign3A_1108 : f32 to vector<1x128xf32>
    %sign3A_1110 = arith.cmpf ogt, %sign3A_1107, %sign3A_1109 : vector<1x128xf32>
    %sign3A_1111 = arith.select %sign3A_1110, %sign3A_1106, %div3A_1098 : vector<1x128xi1>, vector<1x128xf32>
    %abs3A_1112 = math.absf %div3A_1098 : vector<1x128xf32>
    %mul3A_1113 = arith.mulf %div3A_1098, %div3A_1098 : vector<1x128xf32>
    %add3A_1114 = arith.constant 1.000000e+00 : f32
    %add3A_1115 = vector.broadcast %add3A_1114 : f32 to vector<1x128xf32>
    %add3A_1116 = arith.addf %add3A_1115, %mul3A_1113 : vector<1x128xf32>
    %sqrt3A_1117 = math.sqrt %add3A_1116 : vector<1x128xf32>
    %add3A_1118 = arith.addf %abs3A_1112, %sqrt3A_1117 : vector<1x128xf32>
    %div3A_1119 = arith.divf %sign3A_1111, %add3A_1118 : vector<1x128xf32>
    %eq3A_1120 = arith.constant 0.000000e+00 : f32
    %eq3A_1121 = vector.broadcast %eq3A_1120 : f32 to vector<1x128xf32>
    %eq3A_1122 = arith.cmpf oeq, %sub3A_1072, %eq3A_1121 : vector<1x128xf32>
    %jit3A_1123 = arith.constant 0.000000e+00 : f32
    %broadcast_in_dim3A_1124 = vector.broadcast %jit3A_1123 : f32 to vector<1x128xf32>
    %select_n3A_1125 = arith.select %eq3A_1122, %broadcast_in_dim3A_1124, %div3A_1119 : vector<1x128xi1>, vector<1x128xf32>
    %mul3A_1126 = arith.mulf %select_n3A_1125, %select_n3A_1125 : vector<1x128xf32>
    %add3A_1127 = arith.constant 1.000000e+00 : f32
    %add3A_1128 = vector.broadcast %add3A_1127 : f32 to vector<1x128xf32>
    %add3A_1129 = arith.addf %add3A_1128, %mul3A_1126 : vector<1x128xf32>
    %sqrt3A_1130 = math.sqrt %add3A_1129 : vector<1x128xf32>
    %div3A_1131 = arith.constant 1.000000e+00 : f32
    %div3A_1132 = vector.broadcast %div3A_1131 : f32 to vector<1x128xf32>
    %div3A_1133 = arith.divf %div3A_1132, %sqrt3A_1130 : vector<1x128xf32>
    %mul3A_1134 = arith.mulf %select_n3A_1125, %div3A_1133 : vector<1x128xf32>
    %mul3A_1135 = arith.mulf %div3A_1133, %sub3A_1060 : vector<1x128xf32>
    %mul3A_1136 = arith.mulf %mul3A_1134, %sub3A_1072 : vector<1x128xf32>
    %sub3A_1137 = arith.subf %mul3A_1135, %mul3A_1136 : vector<1x128xf32>
    %mul3A_1138 = arith.mulf %div3A_1133, %sub3A_1137 : vector<1x128xf32>
    %mul3A_1139 = arith.mulf %div3A_1133, %sub3A_1072 : vector<1x128xf32>
    %mul3A_1140 = arith.mulf %mul3A_1134, %add3A_986 : vector<1x128xf32>
    %sub3A_1141 = arith.subf %mul3A_1139, %mul3A_1140 : vector<1x128xf32>
    %mul3A_1142 = arith.mulf %mul3A_1134, %sub3A_1141 : vector<1x128xf32>
    %sub3A_1143 = arith.subf %mul3A_1138, %mul3A_1142 : vector<1x128xf32>
    %mul3A_1144 = arith.mulf %mul3A_1134, %sub3A_1060 : vector<1x128xf32>
    %mul3A_1145 = arith.mulf %div3A_1133, %sub3A_1072 : vector<1x128xf32>
    %add3A_1146 = arith.addf %mul3A_1144, %mul3A_1145 : vector<1x128xf32>
    %mul3A_1147 = arith.mulf %mul3A_1134, %add3A_1146 : vector<1x128xf32>
    %mul3A_1148 = arith.mulf %mul3A_1134, %sub3A_1072 : vector<1x128xf32>
    %mul3A_1149 = arith.mulf %div3A_1133, %add3A_986 : vector<1x128xf32>
    %add3A_1150 = arith.addf %mul3A_1148, %mul3A_1149 : vector<1x128xf32>
    %mul3A_1151 = arith.mulf %div3A_1133, %add3A_1150 : vector<1x128xf32>
    %add3A_1152 = arith.addf %mul3A_1147, %mul3A_1151 : vector<1x128xf32>
    %mul3A_1153 = arith.mulf %div3A_1133, %broadcast_in_dim3A_102 : vector<1x128xf32>
    %mul3A_1154 = arith.mulf %mul3A_1134, %add3A_1075 : vector<1x128xf32>
    %sub3A_1155 = arith.subf %mul3A_1153, %mul3A_1154 : vector<1x128xf32>
    %mul3A_1156 = arith.mulf %mul3A_1134, %broadcast_in_dim3A_102 : vector<1x128xf32>
    %mul3A_1157 = arith.mulf %div3A_1133, %add3A_1075 : vector<1x128xf32>
    %add3A_1158 = arith.addf %mul3A_1156, %mul3A_1157 : vector<1x128xf32>
    %mul3A_1159 = arith.mulf %div3A_1133, %sub3A_1078 : vector<1x128xf32>
    %mul3A_1160 = arith.mulf %mul3A_1134, %add3A_1004 : vector<1x128xf32>
    %sub3A_1161 = arith.subf %mul3A_1159, %mul3A_1160 : vector<1x128xf32>
    %mul3A_1162 = arith.mulf %div3A_1133, %sub3A_1081 : vector<1x128xf32>
    %mul3A_1163 = arith.mulf %mul3A_1134, %add3A_1007 : vector<1x128xf32>
    %sub3A_1164 = arith.subf %mul3A_1162, %mul3A_1163 : vector<1x128xf32>
    %mul3A_1165 = arith.mulf %div3A_1133, %sub3A_1084 : vector<1x128xf32>
    %mul3A_1166 = arith.mulf %mul3A_1134, %add3A_1010 : vector<1x128xf32>
    %sub3A_1167 = arith.subf %mul3A_1165, %mul3A_1166 : vector<1x128xf32>
    %mul3A_1168 = arith.mulf %mul3A_1134, %sub3A_1078 : vector<1x128xf32>
    %mul3A_1169 = arith.mulf %div3A_1133, %add3A_1004 : vector<1x128xf32>
    %add3A_1170 = arith.addf %mul3A_1168, %mul3A_1169 : vector<1x128xf32>
    %mul3A_1171 = arith.mulf %mul3A_1134, %sub3A_1081 : vector<1x128xf32>
    %mul3A_1172 = arith.mulf %div3A_1133, %add3A_1007 : vector<1x128xf32>
    %add3A_1173 = arith.addf %mul3A_1171, %mul3A_1172 : vector<1x128xf32>
    %mul3A_1174 = arith.mulf %mul3A_1134, %sub3A_1084 : vector<1x128xf32>
    %mul3A_1175 = arith.mulf %div3A_1133, %add3A_1010 : vector<1x128xf32>
    %add3A_1176 = arith.addf %mul3A_1174, %mul3A_1175 : vector<1x128xf32>
    %sub3A_1177 = arith.subf %add3A_1152, %add3A_1069 : vector<1x128xf32>
    %mul3A_1178 = arith.constant 2.000000e+00 : f32
    %mul3A_1179 = vector.broadcast %mul3A_1178 : f32 to vector<1x128xf32>
    %mul3A_1180 = arith.mulf %mul3A_1179, %add3A_1158 : vector<1x128xf32>
    %div3A_1181 = arith.divf %sub3A_1177, %mul3A_1180 : vector<1x128xf32>
    %sign3A_1182 = tpu.bitcast %div3A_1181 : vector<1x128xf32> -> vector<1x128xi32>
    %sign3A_1183 = arith.constant -2147483648 : i32
    %sign3A_1184 = vector.broadcast %sign3A_1183 : i32 to vector<1x128xi32>
    %sign3A_1185 = arith.andi %sign3A_1182, %sign3A_1184 : vector<1x128xi32>
    %sign3A_1186 = arith.constant 1065353216 : i32
    %sign3A_1187 = vector.broadcast %sign3A_1186 : i32 to vector<1x128xi32>
    %sign3A_1188 = arith.ori %sign3A_1187, %sign3A_1185 : vector<1x128xi32>
    %sign3A_1189 = tpu.bitcast %sign3A_1188 : vector<1x128xi32> -> vector<1x128xf32>
    %sign3A_1190 = math.absf %div3A_1181 : vector<1x128xf32>
    %sign3A_1191 = arith.constant 0.000000e+00 : f32
    %sign3A_1192 = vector.broadcast %sign3A_1191 : f32 to vector<1x128xf32>
    %sign3A_1193 = arith.cmpf ogt, %sign3A_1190, %sign3A_1192 : vector<1x128xf32>
    %sign3A_1194 = arith.select %sign3A_1193, %sign3A_1189, %div3A_1181 : vector<1x128xi1>, vector<1x128xf32>
    %abs3A_1195 = math.absf %div3A_1181 : vector<1x128xf32>
    %mul3A_1196 = arith.mulf %div3A_1181, %div3A_1181 : vector<1x128xf32>
    %add3A_1197 = arith.constant 1.000000e+00 : f32
    %add3A_1198 = vector.broadcast %add3A_1197 : f32 to vector<1x128xf32>
    %add3A_1199 = arith.addf %add3A_1198, %mul3A_1196 : vector<1x128xf32>
    %sqrt3A_1200 = math.sqrt %add3A_1199 : vector<1x128xf32>
    %add3A_1201 = arith.addf %abs3A_1195, %sqrt3A_1200 : vector<1x128xf32>
    %div3A_1202 = arith.divf %sign3A_1194, %add3A_1201 : vector<1x128xf32>
    %eq3A_1203 = arith.constant 0.000000e+00 : f32
    %eq3A_1204 = vector.broadcast %eq3A_1203 : f32 to vector<1x128xf32>
    %eq3A_1205 = arith.cmpf oeq, %add3A_1158, %eq3A_1204 : vector<1x128xf32>
    %jit3A_1206 = arith.constant 0.000000e+00 : f32
    %broadcast_in_dim3A_1207 = vector.broadcast %jit3A_1206 : f32 to vector<1x128xf32>
    %select_n3A_1208 = arith.select %eq3A_1205, %broadcast_in_dim3A_1207, %div3A_1202 : vector<1x128xi1>, vector<1x128xf32>
    %mul3A_1209 = arith.mulf %select_n3A_1208, %select_n3A_1208 : vector<1x128xf32>
    %add3A_1210 = arith.constant 1.000000e+00 : f32
    %add3A_1211 = vector.broadcast %add3A_1210 : f32 to vector<1x128xf32>
    %add3A_1212 = arith.addf %add3A_1211, %mul3A_1209 : vector<1x128xf32>
    %sqrt3A_1213 = math.sqrt %add3A_1212 : vector<1x128xf32>
    %div3A_1214 = arith.constant 1.000000e+00 : f32
    %div3A_1215 = vector.broadcast %div3A_1214 : f32 to vector<1x128xf32>
    %div3A_1216 = arith.divf %div3A_1215, %sqrt3A_1213 : vector<1x128xf32>
    %mul3A_1217 = arith.mulf %select_n3A_1208, %div3A_1216 : vector<1x128xf32>
    %mul3A_1218 = arith.mulf %div3A_1216, %add3A_1069 : vector<1x128xf32>
    %mul3A_1219 = arith.mulf %mul3A_1217, %add3A_1158 : vector<1x128xf32>
    %sub3A_1220 = arith.subf %mul3A_1218, %mul3A_1219 : vector<1x128xf32>
    %mul3A_1221 = arith.mulf %div3A_1216, %sub3A_1220 : vector<1x128xf32>
    %mul3A_1222 = arith.mulf %div3A_1216, %add3A_1158 : vector<1x128xf32>
    %mul3A_1223 = arith.mulf %mul3A_1217, %add3A_1152 : vector<1x128xf32>
    %sub3A_1224 = arith.subf %mul3A_1222, %mul3A_1223 : vector<1x128xf32>
    %mul3A_1225 = arith.mulf %mul3A_1217, %sub3A_1224 : vector<1x128xf32>
    %sub3A_1226 = arith.subf %mul3A_1221, %mul3A_1225 : vector<1x128xf32>
    %mul3A_1227 = arith.mulf %mul3A_1217, %add3A_1069 : vector<1x128xf32>
    %mul3A_1228 = arith.mulf %div3A_1216, %add3A_1158 : vector<1x128xf32>
    %add3A_1229 = arith.addf %mul3A_1227, %mul3A_1228 : vector<1x128xf32>
    %mul3A_1230 = arith.mulf %mul3A_1217, %add3A_1229 : vector<1x128xf32>
    %mul3A_1231 = arith.mulf %mul3A_1217, %add3A_1158 : vector<1x128xf32>
    %mul3A_1232 = arith.mulf %div3A_1216, %add3A_1152 : vector<1x128xf32>
    %add3A_1233 = arith.addf %mul3A_1231, %mul3A_1232 : vector<1x128xf32>
    %mul3A_1234 = arith.mulf %div3A_1216, %add3A_1233 : vector<1x128xf32>
    %add3A_1235 = arith.addf %mul3A_1230, %mul3A_1234 : vector<1x128xf32>
    %mul3A_1236 = arith.mulf %div3A_1216, %sub3A_1155 : vector<1x128xf32>
    %mul3A_1237 = arith.mulf %mul3A_1217, %broadcast_in_dim3A_102 : vector<1x128xf32>
    %sub3A_1238 = arith.subf %mul3A_1236, %mul3A_1237 : vector<1x128xf32>
    %mul3A_1239 = arith.mulf %mul3A_1217, %sub3A_1155 : vector<1x128xf32>
    %mul3A_1240 = arith.mulf %div3A_1216, %broadcast_in_dim3A_102 : vector<1x128xf32>
    %add3A_1241 = arith.addf %mul3A_1239, %mul3A_1240 : vector<1x128xf32>
    %mul3A_1242 = arith.mulf %div3A_1216, %add3A_1087 : vector<1x128xf32>
    %mul3A_1243 = arith.mulf %mul3A_1217, %add3A_1170 : vector<1x128xf32>
    %sub3A_1244 = arith.subf %mul3A_1242, %mul3A_1243 : vector<1x128xf32>
    %mul3A_1245 = arith.mulf %div3A_1216, %add3A_1090 : vector<1x128xf32>
    %mul3A_1246 = arith.mulf %mul3A_1217, %add3A_1173 : vector<1x128xf32>
    %sub3A_1247 = arith.subf %mul3A_1245, %mul3A_1246 : vector<1x128xf32>
    %mul3A_1248 = arith.mulf %div3A_1216, %add3A_1093 : vector<1x128xf32>
    %mul3A_1249 = arith.mulf %mul3A_1217, %add3A_1176 : vector<1x128xf32>
    %sub3A_1250 = arith.subf %mul3A_1248, %mul3A_1249 : vector<1x128xf32>
    %mul3A_1251 = arith.mulf %mul3A_1217, %add3A_1087 : vector<1x128xf32>
    %mul3A_1252 = arith.mulf %div3A_1216, %add3A_1170 : vector<1x128xf32>
    %add3A_1253 = arith.addf %mul3A_1251, %mul3A_1252 : vector<1x128xf32>
    %mul3A_1254 = arith.mulf %mul3A_1217, %add3A_1090 : vector<1x128xf32>
    %mul3A_1255 = arith.mulf %div3A_1216, %add3A_1173 : vector<1x128xf32>
    %add3A_1256 = arith.addf %mul3A_1254, %mul3A_1255 : vector<1x128xf32>
    %mul3A_1257 = arith.mulf %mul3A_1217, %add3A_1093 : vector<1x128xf32>
    %mul3A_1258 = arith.mulf %div3A_1216, %add3A_1176 : vector<1x128xf32>
    %add3A_1259 = arith.addf %mul3A_1257, %mul3A_1258 : vector<1x128xf32>
    %sub3A_1260 = arith.subf %sub3A_1226, %sub3A_1143 : vector<1x128xf32>
    %mul3A_1261 = arith.constant 2.000000e+00 : f32
    %mul3A_1262 = vector.broadcast %mul3A_1261 : f32 to vector<1x128xf32>
    %mul3A_1263 = arith.mulf %mul3A_1262, %sub3A_1238 : vector<1x128xf32>
    %div3A_1264 = arith.divf %sub3A_1260, %mul3A_1263 : vector<1x128xf32>
    %sign3A_1265 = tpu.bitcast %div3A_1264 : vector<1x128xf32> -> vector<1x128xi32>
    %sign3A_1266 = arith.constant -2147483648 : i32
    %sign3A_1267 = vector.broadcast %sign3A_1266 : i32 to vector<1x128xi32>
    %sign3A_1268 = arith.andi %sign3A_1265, %sign3A_1267 : vector<1x128xi32>
    %sign3A_1269 = arith.constant 1065353216 : i32
    %sign3A_1270 = vector.broadcast %sign3A_1269 : i32 to vector<1x128xi32>
    %sign3A_1271 = arith.ori %sign3A_1270, %sign3A_1268 : vector<1x128xi32>
    %sign3A_1272 = tpu.bitcast %sign3A_1271 : vector<1x128xi32> -> vector<1x128xf32>
    %sign3A_1273 = math.absf %div3A_1264 : vector<1x128xf32>
    %sign3A_1274 = arith.constant 0.000000e+00 : f32
    %sign3A_1275 = vector.broadcast %sign3A_1274 : f32 to vector<1x128xf32>
    %sign3A_1276 = arith.cmpf ogt, %sign3A_1273, %sign3A_1275 : vector<1x128xf32>
    %sign3A_1277 = arith.select %sign3A_1276, %sign3A_1272, %div3A_1264 : vector<1x128xi1>, vector<1x128xf32>
    %abs3A_1278 = math.absf %div3A_1264 : vector<1x128xf32>
    %mul3A_1279 = arith.mulf %div3A_1264, %div3A_1264 : vector<1x128xf32>
    %add3A_1280 = arith.constant 1.000000e+00 : f32
    %add3A_1281 = vector.broadcast %add3A_1280 : f32 to vector<1x128xf32>
    %add3A_1282 = arith.addf %add3A_1281, %mul3A_1279 : vector<1x128xf32>
    %sqrt3A_1283 = math.sqrt %add3A_1282 : vector<1x128xf32>
    %add3A_1284 = arith.addf %abs3A_1278, %sqrt3A_1283 : vector<1x128xf32>
    %div3A_1285 = arith.divf %sign3A_1277, %add3A_1284 : vector<1x128xf32>
    %eq3A_1286 = arith.constant 0.000000e+00 : f32
    %eq3A_1287 = vector.broadcast %eq3A_1286 : f32 to vector<1x128xf32>
    %eq3A_1288 = arith.cmpf oeq, %sub3A_1238, %eq3A_1287 : vector<1x128xf32>
    %jit3A_1289 = arith.constant 0.000000e+00 : f32
    %broadcast_in_dim3A_1290 = vector.broadcast %jit3A_1289 : f32 to vector<1x128xf32>
    %select_n3A_1291 = arith.select %eq3A_1288, %broadcast_in_dim3A_1290, %div3A_1285 : vector<1x128xi1>, vector<1x128xf32>
    %mul3A_1292 = arith.mulf %select_n3A_1291, %select_n3A_1291 : vector<1x128xf32>
    %add3A_1293 = arith.constant 1.000000e+00 : f32
    %add3A_1294 = vector.broadcast %add3A_1293 : f32 to vector<1x128xf32>
    %add3A_1295 = arith.addf %add3A_1294, %mul3A_1292 : vector<1x128xf32>
    %sqrt3A_1296 = math.sqrt %add3A_1295 : vector<1x128xf32>
    %div3A_1297 = arith.constant 1.000000e+00 : f32
    %div3A_1298 = vector.broadcast %div3A_1297 : f32 to vector<1x128xf32>
    %div3A_1299 = arith.divf %div3A_1298, %sqrt3A_1296 : vector<1x128xf32>
    %mul3A_1300 = arith.mulf %select_n3A_1291, %div3A_1299 : vector<1x128xf32>
    %mul3A_1301 = arith.mulf %div3A_1299, %sub3A_1143 : vector<1x128xf32>
    %mul3A_1302 = arith.mulf %mul3A_1300, %sub3A_1238 : vector<1x128xf32>
    %sub3A_1303 = arith.subf %mul3A_1301, %mul3A_1302 : vector<1x128xf32>
    %mul3A_1304 = arith.mulf %div3A_1299, %sub3A_1303 : vector<1x128xf32>
    %mul3A_1305 = arith.mulf %div3A_1299, %sub3A_1238 : vector<1x128xf32>
    %mul3A_1306 = arith.mulf %mul3A_1300, %sub3A_1226 : vector<1x128xf32>
    %sub3A_1307 = arith.subf %mul3A_1305, %mul3A_1306 : vector<1x128xf32>
    %mul3A_1308 = arith.mulf %mul3A_1300, %sub3A_1307 : vector<1x128xf32>
    %sub3A_1309 = arith.subf %mul3A_1304, %mul3A_1308 : vector<1x128xf32>
    %mul3A_1310 = arith.mulf %mul3A_1300, %sub3A_1143 : vector<1x128xf32>
    %mul3A_1311 = arith.mulf %div3A_1299, %sub3A_1238 : vector<1x128xf32>
    %add3A_1312 = arith.addf %mul3A_1310, %mul3A_1311 : vector<1x128xf32>
    %mul3A_1313 = arith.mulf %mul3A_1300, %add3A_1312 : vector<1x128xf32>
    %mul3A_1314 = arith.mulf %mul3A_1300, %sub3A_1238 : vector<1x128xf32>
    %mul3A_1315 = arith.mulf %div3A_1299, %sub3A_1226 : vector<1x128xf32>
    %add3A_1316 = arith.addf %mul3A_1314, %mul3A_1315 : vector<1x128xf32>
    %mul3A_1317 = arith.mulf %div3A_1299, %add3A_1316 : vector<1x128xf32>
    %add3A_1318 = arith.addf %mul3A_1313, %mul3A_1317 : vector<1x128xf32>
    %mul3A_1319 = arith.mulf %div3A_1299, %add3A_1241 : vector<1x128xf32>
    %mul3A_1320 = arith.mulf %mul3A_1300, %broadcast_in_dim3A_102 : vector<1x128xf32>
    %sub3A_1321 = arith.subf %mul3A_1319, %mul3A_1320 : vector<1x128xf32>
    %mul3A_1322 = arith.mulf %mul3A_1300, %add3A_1241 : vector<1x128xf32>
    %mul3A_1323 = arith.mulf %div3A_1299, %broadcast_in_dim3A_102 : vector<1x128xf32>
    %add3A_1324 = arith.addf %mul3A_1322, %mul3A_1323 : vector<1x128xf32>
    %mul3A_1325 = arith.mulf %div3A_1299, %sub3A_1161 : vector<1x128xf32>
    %mul3A_1326 = arith.mulf %mul3A_1300, %sub3A_1244 : vector<1x128xf32>
    %sub3A_1327 = arith.subf %mul3A_1325, %mul3A_1326 : vector<1x128xf32>
    %mul3A_1328 = arith.mulf %div3A_1299, %sub3A_1164 : vector<1x128xf32>
    %mul3A_1329 = arith.mulf %mul3A_1300, %sub3A_1247 : vector<1x128xf32>
    %sub3A_1330 = arith.subf %mul3A_1328, %mul3A_1329 : vector<1x128xf32>
    %mul3A_1331 = arith.mulf %div3A_1299, %sub3A_1167 : vector<1x128xf32>
    %mul3A_1332 = arith.mulf %mul3A_1300, %sub3A_1250 : vector<1x128xf32>
    %sub3A_1333 = arith.subf %mul3A_1331, %mul3A_1332 : vector<1x128xf32>
    %mul3A_1334 = arith.mulf %mul3A_1300, %sub3A_1161 : vector<1x128xf32>
    %mul3A_1335 = arith.mulf %div3A_1299, %sub3A_1244 : vector<1x128xf32>
    %add3A_1336 = arith.addf %mul3A_1334, %mul3A_1335 : vector<1x128xf32>
    %mul3A_1337 = arith.mulf %mul3A_1300, %sub3A_1164 : vector<1x128xf32>
    %mul3A_1338 = arith.mulf %div3A_1299, %sub3A_1247 : vector<1x128xf32>
    %add3A_1339 = arith.addf %mul3A_1337, %mul3A_1338 : vector<1x128xf32>
    %mul3A_1340 = arith.mulf %mul3A_1300, %sub3A_1167 : vector<1x128xf32>
    %mul3A_1341 = arith.mulf %div3A_1299, %sub3A_1250 : vector<1x128xf32>
    %add3A_1342 = arith.addf %mul3A_1340, %mul3A_1341 : vector<1x128xf32>
    %sub3A_1343 = arith.subf %add3A_1235, %sub3A_1309 : vector<1x128xf32>
    %mul3A_1344 = arith.constant 2.000000e+00 : f32
    %mul3A_1345 = vector.broadcast %mul3A_1344 : f32 to vector<1x128xf32>
    %mul3A_1346 = arith.mulf %mul3A_1345, %sub3A_1321 : vector<1x128xf32>
    %div3A_1347 = arith.divf %sub3A_1343, %mul3A_1346 : vector<1x128xf32>
    %sign3A_1348 = tpu.bitcast %div3A_1347 : vector<1x128xf32> -> vector<1x128xi32>
    %sign3A_1349 = arith.constant -2147483648 : i32
    %sign3A_1350 = vector.broadcast %sign3A_1349 : i32 to vector<1x128xi32>
    %sign3A_1351 = arith.andi %sign3A_1348, %sign3A_1350 : vector<1x128xi32>
    %sign3A_1352 = arith.constant 1065353216 : i32
    %sign3A_1353 = vector.broadcast %sign3A_1352 : i32 to vector<1x128xi32>
    %sign3A_1354 = arith.ori %sign3A_1353, %sign3A_1351 : vector<1x128xi32>
    %sign3A_1355 = tpu.bitcast %sign3A_1354 : vector<1x128xi32> -> vector<1x128xf32>
    %sign3A_1356 = math.absf %div3A_1347 : vector<1x128xf32>
    %sign3A_1357 = arith.constant 0.000000e+00 : f32
    %sign3A_1358 = vector.broadcast %sign3A_1357 : f32 to vector<1x128xf32>
    %sign3A_1359 = arith.cmpf ogt, %sign3A_1356, %sign3A_1358 : vector<1x128xf32>
    %sign3A_1360 = arith.select %sign3A_1359, %sign3A_1355, %div3A_1347 : vector<1x128xi1>, vector<1x128xf32>
    %abs3A_1361 = math.absf %div3A_1347 : vector<1x128xf32>
    %mul3A_1362 = arith.mulf %div3A_1347, %div3A_1347 : vector<1x128xf32>
    %add3A_1363 = arith.constant 1.000000e+00 : f32
    %add3A_1364 = vector.broadcast %add3A_1363 : f32 to vector<1x128xf32>
    %add3A_1365 = arith.addf %add3A_1364, %mul3A_1362 : vector<1x128xf32>
    %sqrt3A_1366 = math.sqrt %add3A_1365 : vector<1x128xf32>
    %add3A_1367 = arith.addf %abs3A_1361, %sqrt3A_1366 : vector<1x128xf32>
    %div3A_1368 = arith.divf %sign3A_1360, %add3A_1367 : vector<1x128xf32>
    %eq3A_1369 = arith.constant 0.000000e+00 : f32
    %eq3A_1370 = vector.broadcast %eq3A_1369 : f32 to vector<1x128xf32>
    %eq3A_1371 = arith.cmpf oeq, %sub3A_1321, %eq3A_1370 : vector<1x128xf32>
    %jit3A_1372 = arith.constant 0.000000e+00 : f32
    %broadcast_in_dim3A_1373 = vector.broadcast %jit3A_1372 : f32 to vector<1x128xf32>
    %select_n3A_1374 = arith.select %eq3A_1371, %broadcast_in_dim3A_1373, %div3A_1368 : vector<1x128xi1>, vector<1x128xf32>
    %mul3A_1375 = arith.mulf %select_n3A_1374, %select_n3A_1374 : vector<1x128xf32>
    %add3A_1376 = arith.constant 1.000000e+00 : f32
    %add3A_1377 = vector.broadcast %add3A_1376 : f32 to vector<1x128xf32>
    %add3A_1378 = arith.addf %add3A_1377, %mul3A_1375 : vector<1x128xf32>
    %sqrt3A_1379 = math.sqrt %add3A_1378 : vector<1x128xf32>
    %div3A_1380 = arith.constant 1.000000e+00 : f32
    %div3A_1381 = vector.broadcast %div3A_1380 : f32 to vector<1x128xf32>
    %div3A_1382 = arith.divf %div3A_1381, %sqrt3A_1379 : vector<1x128xf32>
    %mul3A_1383 = arith.mulf %select_n3A_1374, %div3A_1382 : vector<1x128xf32>
    %mul3A_1384 = arith.mulf %div3A_1382, %sub3A_1309 : vector<1x128xf32>
    %mul3A_1385 = arith.mulf %mul3A_1383, %sub3A_1321 : vector<1x128xf32>
    %sub3A_1386 = arith.subf %mul3A_1384, %mul3A_1385 : vector<1x128xf32>
    %mul3A_1387 = arith.mulf %div3A_1382, %sub3A_1386 : vector<1x128xf32>
    %mul3A_1388 = arith.mulf %div3A_1382, %sub3A_1321 : vector<1x128xf32>
    %mul3A_1389 = arith.mulf %mul3A_1383, %add3A_1235 : vector<1x128xf32>
    %sub3A_1390 = arith.subf %mul3A_1388, %mul3A_1389 : vector<1x128xf32>
    %mul3A_1391 = arith.mulf %mul3A_1383, %sub3A_1390 : vector<1x128xf32>
    %sub3A_1392 = arith.subf %mul3A_1387, %mul3A_1391 : vector<1x128xf32>
    %mul3A_1393 = arith.mulf %mul3A_1383, %sub3A_1309 : vector<1x128xf32>
    %mul3A_1394 = arith.mulf %div3A_1382, %sub3A_1321 : vector<1x128xf32>
    %add3A_1395 = arith.addf %mul3A_1393, %mul3A_1394 : vector<1x128xf32>
    %mul3A_1396 = arith.mulf %mul3A_1383, %add3A_1395 : vector<1x128xf32>
    %mul3A_1397 = arith.mulf %mul3A_1383, %sub3A_1321 : vector<1x128xf32>
    %mul3A_1398 = arith.mulf %div3A_1382, %add3A_1235 : vector<1x128xf32>
    %add3A_1399 = arith.addf %mul3A_1397, %mul3A_1398 : vector<1x128xf32>
    %mul3A_1400 = arith.mulf %div3A_1382, %add3A_1399 : vector<1x128xf32>
    %add3A_1401 = arith.addf %mul3A_1396, %mul3A_1400 : vector<1x128xf32>
    %mul3A_1402 = arith.mulf %div3A_1382, %broadcast_in_dim3A_102 : vector<1x128xf32>
    %mul3A_1403 = arith.mulf %mul3A_1383, %add3A_1324 : vector<1x128xf32>
    %sub3A_1404 = arith.subf %mul3A_1402, %mul3A_1403 : vector<1x128xf32>
    %mul3A_1405 = arith.mulf %mul3A_1383, %broadcast_in_dim3A_102 : vector<1x128xf32>
    %mul3A_1406 = arith.mulf %div3A_1382, %add3A_1324 : vector<1x128xf32>
    %add3A_1407 = arith.addf %mul3A_1405, %mul3A_1406 : vector<1x128xf32>
    %mul3A_1408 = arith.mulf %div3A_1382, %sub3A_1327 : vector<1x128xf32>
    %mul3A_1409 = arith.mulf %mul3A_1383, %add3A_1253 : vector<1x128xf32>
    %sub3A_1410 = arith.subf %mul3A_1408, %mul3A_1409 : vector<1x128xf32>
    %mul3A_1411 = arith.mulf %div3A_1382, %sub3A_1330 : vector<1x128xf32>
    %mul3A_1412 = arith.mulf %mul3A_1383, %add3A_1256 : vector<1x128xf32>
    %sub3A_1413 = arith.subf %mul3A_1411, %mul3A_1412 : vector<1x128xf32>
    %mul3A_1414 = arith.mulf %div3A_1382, %sub3A_1333 : vector<1x128xf32>
    %mul3A_1415 = arith.mulf %mul3A_1383, %add3A_1259 : vector<1x128xf32>
    %sub3A_1416 = arith.subf %mul3A_1414, %mul3A_1415 : vector<1x128xf32>
    %mul3A_1417 = arith.mulf %mul3A_1383, %sub3A_1327 : vector<1x128xf32>
    %mul3A_1418 = arith.mulf %div3A_1382, %add3A_1253 : vector<1x128xf32>
    %add3A_1419 = arith.addf %mul3A_1417, %mul3A_1418 : vector<1x128xf32>
    %mul3A_1420 = arith.mulf %mul3A_1383, %sub3A_1330 : vector<1x128xf32>
    %mul3A_1421 = arith.mulf %div3A_1382, %add3A_1256 : vector<1x128xf32>
    %add3A_1422 = arith.addf %mul3A_1420, %mul3A_1421 : vector<1x128xf32>
    %mul3A_1423 = arith.mulf %mul3A_1383, %sub3A_1333 : vector<1x128xf32>
    %mul3A_1424 = arith.mulf %div3A_1382, %add3A_1259 : vector<1x128xf32>
    %add3A_1425 = arith.addf %mul3A_1423, %mul3A_1424 : vector<1x128xf32>
    %sub3A_1426 = arith.subf %add3A_1401, %add3A_1318 : vector<1x128xf32>
    %mul3A_1427 = arith.constant 2.000000e+00 : f32
    %mul3A_1428 = vector.broadcast %mul3A_1427 : f32 to vector<1x128xf32>
    %mul3A_1429 = arith.mulf %mul3A_1428, %add3A_1407 : vector<1x128xf32>
    %div3A_1430 = arith.divf %sub3A_1426, %mul3A_1429 : vector<1x128xf32>
    %sign3A_1431 = tpu.bitcast %div3A_1430 : vector<1x128xf32> -> vector<1x128xi32>
    %sign3A_1432 = arith.constant -2147483648 : i32
    %sign3A_1433 = vector.broadcast %sign3A_1432 : i32 to vector<1x128xi32>
    %sign3A_1434 = arith.andi %sign3A_1431, %sign3A_1433 : vector<1x128xi32>
    %sign3A_1435 = arith.constant 1065353216 : i32
    %sign3A_1436 = vector.broadcast %sign3A_1435 : i32 to vector<1x128xi32>
    %sign3A_1437 = arith.ori %sign3A_1436, %sign3A_1434 : vector<1x128xi32>
    %sign3A_1438 = tpu.bitcast %sign3A_1437 : vector<1x128xi32> -> vector<1x128xf32>
    %sign3A_1439 = math.absf %div3A_1430 : vector<1x128xf32>
    %sign3A_1440 = arith.constant 0.000000e+00 : f32
    %sign3A_1441 = vector.broadcast %sign3A_1440 : f32 to vector<1x128xf32>
    %sign3A_1442 = arith.cmpf ogt, %sign3A_1439, %sign3A_1441 : vector<1x128xf32>
    %sign3A_1443 = arith.select %sign3A_1442, %sign3A_1438, %div3A_1430 : vector<1x128xi1>, vector<1x128xf32>
    %abs3A_1444 = math.absf %div3A_1430 : vector<1x128xf32>
    %mul3A_1445 = arith.mulf %div3A_1430, %div3A_1430 : vector<1x128xf32>
    %add3A_1446 = arith.constant 1.000000e+00 : f32
    %add3A_1447 = vector.broadcast %add3A_1446 : f32 to vector<1x128xf32>
    %add3A_1448 = arith.addf %add3A_1447, %mul3A_1445 : vector<1x128xf32>
    %sqrt3A_1449 = math.sqrt %add3A_1448 : vector<1x128xf32>
    %add3A_1450 = arith.addf %abs3A_1444, %sqrt3A_1449 : vector<1x128xf32>
    %div3A_1451 = arith.divf %sign3A_1443, %add3A_1450 : vector<1x128xf32>
    %eq3A_1452 = arith.constant 0.000000e+00 : f32
    %eq3A_1453 = vector.broadcast %eq3A_1452 : f32 to vector<1x128xf32>
    %eq3A_1454 = arith.cmpf oeq, %add3A_1407, %eq3A_1453 : vector<1x128xf32>
    %jit3A_1455 = arith.constant 0.000000e+00 : f32
    %broadcast_in_dim3A_1456 = vector.broadcast %jit3A_1455 : f32 to vector<1x128xf32>
    %select_n3A_1457 = arith.select %eq3A_1454, %broadcast_in_dim3A_1456, %div3A_1451 : vector<1x128xi1>, vector<1x128xf32>
    %mul3A_1458 = arith.mulf %select_n3A_1457, %select_n3A_1457 : vector<1x128xf32>
    %add3A_1459 = arith.constant 1.000000e+00 : f32
    %add3A_1460 = vector.broadcast %add3A_1459 : f32 to vector<1x128xf32>
    %add3A_1461 = arith.addf %add3A_1460, %mul3A_1458 : vector<1x128xf32>
    %sqrt3A_1462 = math.sqrt %add3A_1461 : vector<1x128xf32>
    %div3A_1463 = arith.constant 1.000000e+00 : f32
    %div3A_1464 = vector.broadcast %div3A_1463 : f32 to vector<1x128xf32>
    %div3A_1465 = arith.divf %div3A_1464, %sqrt3A_1462 : vector<1x128xf32>
    %mul3A_1466 = arith.mulf %select_n3A_1457, %div3A_1465 : vector<1x128xf32>
    %mul3A_1467 = arith.mulf %div3A_1465, %add3A_1318 : vector<1x128xf32>
    %mul3A_1468 = arith.mulf %mul3A_1466, %add3A_1407 : vector<1x128xf32>
    %sub3A_1469 = arith.subf %mul3A_1467, %mul3A_1468 : vector<1x128xf32>
    %mul3A_1470 = arith.mulf %div3A_1465, %sub3A_1469 : vector<1x128xf32>
    %mul3A_1471 = arith.mulf %div3A_1465, %add3A_1407 : vector<1x128xf32>
    %mul3A_1472 = arith.mulf %mul3A_1466, %add3A_1401 : vector<1x128xf32>
    %sub3A_1473 = arith.subf %mul3A_1471, %mul3A_1472 : vector<1x128xf32>
    %mul3A_1474 = arith.mulf %mul3A_1466, %sub3A_1473 : vector<1x128xf32>
    %sub3A_1475 = arith.subf %mul3A_1470, %mul3A_1474 : vector<1x128xf32>
    %mul3A_1476 = arith.mulf %mul3A_1466, %add3A_1318 : vector<1x128xf32>
    %mul3A_1477 = arith.mulf %div3A_1465, %add3A_1407 : vector<1x128xf32>
    %add3A_1478 = arith.addf %mul3A_1476, %mul3A_1477 : vector<1x128xf32>
    %mul3A_1479 = arith.mulf %mul3A_1466, %add3A_1478 : vector<1x128xf32>
    %mul3A_1480 = arith.mulf %mul3A_1466, %add3A_1407 : vector<1x128xf32>
    %mul3A_1481 = arith.mulf %div3A_1465, %add3A_1401 : vector<1x128xf32>
    %add3A_1482 = arith.addf %mul3A_1480, %mul3A_1481 : vector<1x128xf32>
    %mul3A_1483 = arith.mulf %div3A_1465, %add3A_1482 : vector<1x128xf32>
    %add3A_1484 = arith.addf %mul3A_1479, %mul3A_1483 : vector<1x128xf32>
    %mul3A_1485 = arith.mulf %div3A_1465, %sub3A_1404 : vector<1x128xf32>
    %mul3A_1486 = arith.mulf %mul3A_1466, %broadcast_in_dim3A_102 : vector<1x128xf32>
    %sub3A_1487 = arith.subf %mul3A_1485, %mul3A_1486 : vector<1x128xf32>
    %mul3A_1488 = arith.mulf %mul3A_1466, %sub3A_1404 : vector<1x128xf32>
    %mul3A_1489 = arith.mulf %div3A_1465, %broadcast_in_dim3A_102 : vector<1x128xf32>
    %add3A_1490 = arith.addf %mul3A_1488, %mul3A_1489 : vector<1x128xf32>
    %mul3A_1491 = arith.mulf %div3A_1465, %add3A_1336 : vector<1x128xf32>
    %mul3A_1492 = arith.mulf %mul3A_1466, %add3A_1419 : vector<1x128xf32>
    %sub3A_1493 = arith.subf %mul3A_1491, %mul3A_1492 : vector<1x128xf32>
    %mul3A_1494 = arith.mulf %div3A_1465, %add3A_1339 : vector<1x128xf32>
    %mul3A_1495 = arith.mulf %mul3A_1466, %add3A_1422 : vector<1x128xf32>
    %sub3A_1496 = arith.subf %mul3A_1494, %mul3A_1495 : vector<1x128xf32>
    %mul3A_1497 = arith.mulf %div3A_1465, %add3A_1342 : vector<1x128xf32>
    %mul3A_1498 = arith.mulf %mul3A_1466, %add3A_1425 : vector<1x128xf32>
    %sub3A_1499 = arith.subf %mul3A_1497, %mul3A_1498 : vector<1x128xf32>
    %mul3A_1500 = arith.mulf %mul3A_1466, %add3A_1336 : vector<1x128xf32>
    %mul3A_1501 = arith.mulf %div3A_1465, %add3A_1419 : vector<1x128xf32>
    %add3A_1502 = arith.addf %mul3A_1500, %mul3A_1501 : vector<1x128xf32>
    %mul3A_1503 = arith.mulf %mul3A_1466, %add3A_1339 : vector<1x128xf32>
    %mul3A_1504 = arith.mulf %div3A_1465, %add3A_1422 : vector<1x128xf32>
    %add3A_1505 = arith.addf %mul3A_1503, %mul3A_1504 : vector<1x128xf32>
    %mul3A_1506 = arith.mulf %mul3A_1466, %add3A_1342 : vector<1x128xf32>
    %mul3A_1507 = arith.mulf %div3A_1465, %add3A_1425 : vector<1x128xf32>
    %add3A_1508 = arith.addf %mul3A_1506, %mul3A_1507 : vector<1x128xf32>
    %sub3A_1509 = arith.subf %sub3A_1475, %sub3A_1392 : vector<1x128xf32>
    %mul3A_1510 = arith.constant 2.000000e+00 : f32
    %mul3A_1511 = vector.broadcast %mul3A_1510 : f32 to vector<1x128xf32>
    %mul3A_1512 = arith.mulf %mul3A_1511, %sub3A_1487 : vector<1x128xf32>
    %div3A_1513 = arith.divf %sub3A_1509, %mul3A_1512 : vector<1x128xf32>
    %sign3A_1514 = tpu.bitcast %div3A_1513 : vector<1x128xf32> -> vector<1x128xi32>
    %sign3A_1515 = arith.constant -2147483648 : i32
    %sign3A_1516 = vector.broadcast %sign3A_1515 : i32 to vector<1x128xi32>
    %sign3A_1517 = arith.andi %sign3A_1514, %sign3A_1516 : vector<1x128xi32>
    %sign3A_1518 = arith.constant 1065353216 : i32
    %sign3A_1519 = vector.broadcast %sign3A_1518 : i32 to vector<1x128xi32>
    %sign3A_1520 = arith.ori %sign3A_1519, %sign3A_1517 : vector<1x128xi32>
    %sign3A_1521 = tpu.bitcast %sign3A_1520 : vector<1x128xi32> -> vector<1x128xf32>
    %sign3A_1522 = math.absf %div3A_1513 : vector<1x128xf32>
    %sign3A_1523 = arith.constant 0.000000e+00 : f32
    %sign3A_1524 = vector.broadcast %sign3A_1523 : f32 to vector<1x128xf32>
    %sign3A_1525 = arith.cmpf ogt, %sign3A_1522, %sign3A_1524 : vector<1x128xf32>
    %sign3A_1526 = arith.select %sign3A_1525, %sign3A_1521, %div3A_1513 : vector<1x128xi1>, vector<1x128xf32>
    %abs3A_1527 = math.absf %div3A_1513 : vector<1x128xf32>
    %mul3A_1528 = arith.mulf %div3A_1513, %div3A_1513 : vector<1x128xf32>
    %add3A_1529 = arith.constant 1.000000e+00 : f32
    %add3A_1530 = vector.broadcast %add3A_1529 : f32 to vector<1x128xf32>
    %add3A_1531 = arith.addf %add3A_1530, %mul3A_1528 : vector<1x128xf32>
    %sqrt3A_1532 = math.sqrt %add3A_1531 : vector<1x128xf32>
    %add3A_1533 = arith.addf %abs3A_1527, %sqrt3A_1532 : vector<1x128xf32>
    %div3A_1534 = arith.divf %sign3A_1526, %add3A_1533 : vector<1x128xf32>
    %eq3A_1535 = arith.constant 0.000000e+00 : f32
    %eq3A_1536 = vector.broadcast %eq3A_1535 : f32 to vector<1x128xf32>
    %eq3A_1537 = arith.cmpf oeq, %sub3A_1487, %eq3A_1536 : vector<1x128xf32>
    %jit3A_1538 = arith.constant 0.000000e+00 : f32
    %broadcast_in_dim3A_1539 = vector.broadcast %jit3A_1538 : f32 to vector<1x128xf32>
    %select_n3A_1540 = arith.select %eq3A_1537, %broadcast_in_dim3A_1539, %div3A_1534 : vector<1x128xi1>, vector<1x128xf32>
    %mul3A_1541 = arith.mulf %select_n3A_1540, %select_n3A_1540 : vector<1x128xf32>
    %add3A_1542 = arith.constant 1.000000e+00 : f32
    %add3A_1543 = vector.broadcast %add3A_1542 : f32 to vector<1x128xf32>
    %add3A_1544 = arith.addf %add3A_1543, %mul3A_1541 : vector<1x128xf32>
    %sqrt3A_1545 = math.sqrt %add3A_1544 : vector<1x128xf32>
    %div3A_1546 = arith.constant 1.000000e+00 : f32
    %div3A_1547 = vector.broadcast %div3A_1546 : f32 to vector<1x128xf32>
    %div3A_1548 = arith.divf %div3A_1547, %sqrt3A_1545 : vector<1x128xf32>
    %mul3A_1549 = arith.mulf %select_n3A_1540, %div3A_1548 : vector<1x128xf32>
    %mul3A_1550 = arith.mulf %div3A_1548, %sub3A_1392 : vector<1x128xf32>
    %mul3A_1551 = arith.mulf %mul3A_1549, %sub3A_1487 : vector<1x128xf32>
    %sub3A_1552 = arith.subf %mul3A_1550, %mul3A_1551 : vector<1x128xf32>
    %mul3A_1553 = arith.mulf %div3A_1548, %sub3A_1552 : vector<1x128xf32>
    %mul3A_1554 = arith.mulf %div3A_1548, %sub3A_1487 : vector<1x128xf32>
    %mul3A_1555 = arith.mulf %mul3A_1549, %sub3A_1475 : vector<1x128xf32>
    %sub3A_1556 = arith.subf %mul3A_1554, %mul3A_1555 : vector<1x128xf32>
    %mul3A_1557 = arith.mulf %mul3A_1549, %sub3A_1556 : vector<1x128xf32>
    %sub3A_1558 = arith.subf %mul3A_1553, %mul3A_1557 : vector<1x128xf32>
    %mul3A_1559 = arith.mulf %mul3A_1549, %sub3A_1392 : vector<1x128xf32>
    %mul3A_1560 = arith.mulf %div3A_1548, %sub3A_1487 : vector<1x128xf32>
    %add3A_1561 = arith.addf %mul3A_1559, %mul3A_1560 : vector<1x128xf32>
    %mul3A_1562 = arith.mulf %mul3A_1549, %add3A_1561 : vector<1x128xf32>
    %mul3A_1563 = arith.mulf %mul3A_1549, %sub3A_1487 : vector<1x128xf32>
    %mul3A_1564 = arith.mulf %div3A_1548, %sub3A_1475 : vector<1x128xf32>
    %add3A_1565 = arith.addf %mul3A_1563, %mul3A_1564 : vector<1x128xf32>
    %mul3A_1566 = arith.mulf %div3A_1548, %add3A_1565 : vector<1x128xf32>
    %add3A_1567 = arith.addf %mul3A_1562, %mul3A_1566 : vector<1x128xf32>
    %mul3A_1568 = arith.mulf %div3A_1548, %add3A_1490 : vector<1x128xf32>
    %mul3A_1569 = arith.mulf %mul3A_1549, %broadcast_in_dim3A_102 : vector<1x128xf32>
    %sub3A_1570 = arith.subf %mul3A_1568, %mul3A_1569 : vector<1x128xf32>
    %mul3A_1571 = arith.mulf %mul3A_1549, %add3A_1490 : vector<1x128xf32>
    %mul3A_1572 = arith.mulf %div3A_1548, %broadcast_in_dim3A_102 : vector<1x128xf32>
    %add3A_1573 = arith.addf %mul3A_1571, %mul3A_1572 : vector<1x128xf32>
    %mul3A_1574 = arith.mulf %div3A_1548, %sub3A_1410 : vector<1x128xf32>
    %mul3A_1575 = arith.mulf %mul3A_1549, %sub3A_1493 : vector<1x128xf32>
    %sub3A_1576 = arith.subf %mul3A_1574, %mul3A_1575 : vector<1x128xf32>
    %mul3A_1577 = arith.mulf %div3A_1548, %sub3A_1413 : vector<1x128xf32>
    %mul3A_1578 = arith.mulf %mul3A_1549, %sub3A_1496 : vector<1x128xf32>
    %sub3A_1579 = arith.subf %mul3A_1577, %mul3A_1578 : vector<1x128xf32>
    %mul3A_1580 = arith.mulf %div3A_1548, %sub3A_1416 : vector<1x128xf32>
    %mul3A_1581 = arith.mulf %mul3A_1549, %sub3A_1499 : vector<1x128xf32>
    %sub3A_1582 = arith.subf %mul3A_1580, %mul3A_1581 : vector<1x128xf32>
    %mul3A_1583 = arith.mulf %mul3A_1549, %sub3A_1410 : vector<1x128xf32>
    %mul3A_1584 = arith.mulf %div3A_1548, %sub3A_1493 : vector<1x128xf32>
    %add3A_1585 = arith.addf %mul3A_1583, %mul3A_1584 : vector<1x128xf32>
    %mul3A_1586 = arith.mulf %mul3A_1549, %sub3A_1413 : vector<1x128xf32>
    %mul3A_1587 = arith.mulf %div3A_1548, %sub3A_1496 : vector<1x128xf32>
    %add3A_1588 = arith.addf %mul3A_1586, %mul3A_1587 : vector<1x128xf32>
    %mul3A_1589 = arith.mulf %mul3A_1549, %sub3A_1416 : vector<1x128xf32>
    %mul3A_1590 = arith.mulf %div3A_1548, %sub3A_1499 : vector<1x128xf32>
    %add3A_1591 = arith.addf %mul3A_1589, %mul3A_1590 : vector<1x128xf32>
    %sub3A_1592 = arith.subf %add3A_1484, %sub3A_1558 : vector<1x128xf32>
    %mul3A_1593 = arith.constant 2.000000e+00 : f32
    %mul3A_1594 = vector.broadcast %mul3A_1593 : f32 to vector<1x128xf32>
    %mul3A_1595 = arith.mulf %mul3A_1594, %sub3A_1570 : vector<1x128xf32>
    %div3A_1596 = arith.divf %sub3A_1592, %mul3A_1595 : vector<1x128xf32>
    %sign3A_1597 = tpu.bitcast %div3A_1596 : vector<1x128xf32> -> vector<1x128xi32>
    %sign3A_1598 = arith.constant -2147483648 : i32
    %sign3A_1599 = vector.broadcast %sign3A_1598 : i32 to vector<1x128xi32>
    %sign3A_1600 = arith.andi %sign3A_1597, %sign3A_1599 : vector<1x128xi32>
    %sign3A_1601 = arith.constant 1065353216 : i32
    %sign3A_1602 = vector.broadcast %sign3A_1601 : i32 to vector<1x128xi32>
    %sign3A_1603 = arith.ori %sign3A_1602, %sign3A_1600 : vector<1x128xi32>
    %sign3A_1604 = tpu.bitcast %sign3A_1603 : vector<1x128xi32> -> vector<1x128xf32>
    %sign3A_1605 = math.absf %div3A_1596 : vector<1x128xf32>
    %sign3A_1606 = arith.constant 0.000000e+00 : f32
    %sign3A_1607 = vector.broadcast %sign3A_1606 : f32 to vector<1x128xf32>
    %sign3A_1608 = arith.cmpf ogt, %sign3A_1605, %sign3A_1607 : vector<1x128xf32>
    %sign3A_1609 = arith.select %sign3A_1608, %sign3A_1604, %div3A_1596 : vector<1x128xi1>, vector<1x128xf32>
    %abs3A_1610 = math.absf %div3A_1596 : vector<1x128xf32>
    %mul3A_1611 = arith.mulf %div3A_1596, %div3A_1596 : vector<1x128xf32>
    %add3A_1612 = arith.constant 1.000000e+00 : f32
    %add3A_1613 = vector.broadcast %add3A_1612 : f32 to vector<1x128xf32>
    %add3A_1614 = arith.addf %add3A_1613, %mul3A_1611 : vector<1x128xf32>
    %sqrt3A_1615 = math.sqrt %add3A_1614 : vector<1x128xf32>
    %add3A_1616 = arith.addf %abs3A_1610, %sqrt3A_1615 : vector<1x128xf32>
    %div3A_1617 = arith.divf %sign3A_1609, %add3A_1616 : vector<1x128xf32>
    %eq3A_1618 = arith.constant 0.000000e+00 : f32
    %eq3A_1619 = vector.broadcast %eq3A_1618 : f32 to vector<1x128xf32>
    %eq3A_1620 = arith.cmpf oeq, %sub3A_1570, %eq3A_1619 : vector<1x128xf32>
    %jit3A_1621 = arith.constant 0.000000e+00 : f32
    %broadcast_in_dim3A_1622 = vector.broadcast %jit3A_1621 : f32 to vector<1x128xf32>
    %select_n3A_1623 = arith.select %eq3A_1620, %broadcast_in_dim3A_1622, %div3A_1617 : vector<1x128xi1>, vector<1x128xf32>
    %mul3A_1624 = arith.mulf %select_n3A_1623, %select_n3A_1623 : vector<1x128xf32>
    %add3A_1625 = arith.constant 1.000000e+00 : f32
    %add3A_1626 = vector.broadcast %add3A_1625 : f32 to vector<1x128xf32>
    %add3A_1627 = arith.addf %add3A_1626, %mul3A_1624 : vector<1x128xf32>
    %sqrt3A_1628 = math.sqrt %add3A_1627 : vector<1x128xf32>
    %div3A_1629 = arith.constant 1.000000e+00 : f32
    %div3A_1630 = vector.broadcast %div3A_1629 : f32 to vector<1x128xf32>
    %div3A_1631 = arith.divf %div3A_1630, %sqrt3A_1628 : vector<1x128xf32>
    %mul3A_1632 = arith.mulf %select_n3A_1623, %div3A_1631 : vector<1x128xf32>
    %mul3A_1633 = arith.mulf %div3A_1631, %sub3A_1558 : vector<1x128xf32>
    %mul3A_1634 = arith.mulf %mul3A_1632, %sub3A_1570 : vector<1x128xf32>
    %sub3A_1635 = arith.subf %mul3A_1633, %mul3A_1634 : vector<1x128xf32>
    %mul3A_1636 = arith.mulf %div3A_1631, %sub3A_1635 : vector<1x128xf32>
    %mul3A_1637 = arith.mulf %div3A_1631, %sub3A_1570 : vector<1x128xf32>
    %mul3A_1638 = arith.mulf %mul3A_1632, %add3A_1484 : vector<1x128xf32>
    %sub3A_1639 = arith.subf %mul3A_1637, %mul3A_1638 : vector<1x128xf32>
    %mul3A_1640 = arith.mulf %mul3A_1632, %sub3A_1639 : vector<1x128xf32>
    %sub3A_1641 = arith.subf %mul3A_1636, %mul3A_1640 : vector<1x128xf32>
    %mul3A_1642 = arith.mulf %mul3A_1632, %sub3A_1558 : vector<1x128xf32>
    %mul3A_1643 = arith.mulf %div3A_1631, %sub3A_1570 : vector<1x128xf32>
    %add3A_1644 = arith.addf %mul3A_1642, %mul3A_1643 : vector<1x128xf32>
    %mul3A_1645 = arith.mulf %mul3A_1632, %add3A_1644 : vector<1x128xf32>
    %mul3A_1646 = arith.mulf %mul3A_1632, %sub3A_1570 : vector<1x128xf32>
    %mul3A_1647 = arith.mulf %div3A_1631, %add3A_1484 : vector<1x128xf32>
    %add3A_1648 = arith.addf %mul3A_1646, %mul3A_1647 : vector<1x128xf32>
    %mul3A_1649 = arith.mulf %div3A_1631, %add3A_1648 : vector<1x128xf32>
    %add3A_1650 = arith.addf %mul3A_1645, %mul3A_1649 : vector<1x128xf32>
    %mul3A_1651 = arith.mulf %div3A_1631, %broadcast_in_dim3A_102 : vector<1x128xf32>
    %mul3A_1652 = arith.mulf %mul3A_1632, %add3A_1573 : vector<1x128xf32>
    %sub3A_1653 = arith.subf %mul3A_1651, %mul3A_1652 : vector<1x128xf32>
    %mul3A_1654 = arith.mulf %mul3A_1632, %broadcast_in_dim3A_102 : vector<1x128xf32>
    %mul3A_1655 = arith.mulf %div3A_1631, %add3A_1573 : vector<1x128xf32>
    %add3A_1656 = arith.addf %mul3A_1654, %mul3A_1655 : vector<1x128xf32>
    %mul3A_1657 = arith.mulf %div3A_1631, %sub3A_1576 : vector<1x128xf32>
    %mul3A_1658 = arith.mulf %mul3A_1632, %add3A_1502 : vector<1x128xf32>
    %sub3A_1659 = arith.subf %mul3A_1657, %mul3A_1658 : vector<1x128xf32>
    %mul3A_1660 = arith.mulf %div3A_1631, %sub3A_1579 : vector<1x128xf32>
    %mul3A_1661 = arith.mulf %mul3A_1632, %add3A_1505 : vector<1x128xf32>
    %sub3A_1662 = arith.subf %mul3A_1660, %mul3A_1661 : vector<1x128xf32>
    %mul3A_1663 = arith.mulf %div3A_1631, %sub3A_1582 : vector<1x128xf32>
    %mul3A_1664 = arith.mulf %mul3A_1632, %add3A_1508 : vector<1x128xf32>
    %sub3A_1665 = arith.subf %mul3A_1663, %mul3A_1664 : vector<1x128xf32>
    %mul3A_1666 = arith.mulf %mul3A_1632, %sub3A_1576 : vector<1x128xf32>
    %mul3A_1667 = arith.mulf %div3A_1631, %add3A_1502 : vector<1x128xf32>
    %add3A_1668 = arith.addf %mul3A_1666, %mul3A_1667 : vector<1x128xf32>
    %mul3A_1669 = arith.mulf %mul3A_1632, %sub3A_1579 : vector<1x128xf32>
    %mul3A_1670 = arith.mulf %div3A_1631, %add3A_1505 : vector<1x128xf32>
    %add3A_1671 = arith.addf %mul3A_1669, %mul3A_1670 : vector<1x128xf32>
    %mul3A_1672 = arith.mulf %mul3A_1632, %sub3A_1582 : vector<1x128xf32>
    %mul3A_1673 = arith.mulf %div3A_1631, %add3A_1508 : vector<1x128xf32>
    %add3A_1674 = arith.addf %mul3A_1672, %mul3A_1673 : vector<1x128xf32>
    %sub3A_1675 = arith.subf %add3A_1650, %add3A_1567 : vector<1x128xf32>
    %mul3A_1676 = arith.constant 2.000000e+00 : f32
    %mul3A_1677 = vector.broadcast %mul3A_1676 : f32 to vector<1x128xf32>
    %mul3A_1678 = arith.mulf %mul3A_1677, %add3A_1656 : vector<1x128xf32>
    %div3A_1679 = arith.divf %sub3A_1675, %mul3A_1678 : vector<1x128xf32>
    %sign3A_1680 = tpu.bitcast %div3A_1679 : vector<1x128xf32> -> vector<1x128xi32>
    %sign3A_1681 = arith.constant -2147483648 : i32
    %sign3A_1682 = vector.broadcast %sign3A_1681 : i32 to vector<1x128xi32>
    %sign3A_1683 = arith.andi %sign3A_1680, %sign3A_1682 : vector<1x128xi32>
    %sign3A_1684 = arith.constant 1065353216 : i32
    %sign3A_1685 = vector.broadcast %sign3A_1684 : i32 to vector<1x128xi32>
    %sign3A_1686 = arith.ori %sign3A_1685, %sign3A_1683 : vector<1x128xi32>
    %sign3A_1687 = tpu.bitcast %sign3A_1686 : vector<1x128xi32> -> vector<1x128xf32>
    %sign3A_1688 = math.absf %div3A_1679 : vector<1x128xf32>
    %sign3A_1689 = arith.constant 0.000000e+00 : f32
    %sign3A_1690 = vector.broadcast %sign3A_1689 : f32 to vector<1x128xf32>
    %sign3A_1691 = arith.cmpf ogt, %sign3A_1688, %sign3A_1690 : vector<1x128xf32>
    %sign3A_1692 = arith.select %sign3A_1691, %sign3A_1687, %div3A_1679 : vector<1x128xi1>, vector<1x128xf32>
    %abs3A_1693 = math.absf %div3A_1679 : vector<1x128xf32>
    %mul3A_1694 = arith.mulf %div3A_1679, %div3A_1679 : vector<1x128xf32>
    %add3A_1695 = arith.constant 1.000000e+00 : f32
    %add3A_1696 = vector.broadcast %add3A_1695 : f32 to vector<1x128xf32>
    %add3A_1697 = arith.addf %add3A_1696, %mul3A_1694 : vector<1x128xf32>
    %sqrt3A_1698 = math.sqrt %add3A_1697 : vector<1x128xf32>
    %add3A_1699 = arith.addf %abs3A_1693, %sqrt3A_1698 : vector<1x128xf32>
    %div3A_1700 = arith.divf %sign3A_1692, %add3A_1699 : vector<1x128xf32>
    %eq3A_1701 = arith.constant 0.000000e+00 : f32
    %eq3A_1702 = vector.broadcast %eq3A_1701 : f32 to vector<1x128xf32>
    %eq3A_1703 = arith.cmpf oeq, %add3A_1656, %eq3A_1702 : vector<1x128xf32>
    %jit3A_1704 = arith.constant 0.000000e+00 : f32
    %broadcast_in_dim3A_1705 = vector.broadcast %jit3A_1704 : f32 to vector<1x128xf32>
    %select_n3A_1706 = arith.select %eq3A_1703, %broadcast_in_dim3A_1705, %div3A_1700 : vector<1x128xi1>, vector<1x128xf32>
    %mul3A_1707 = arith.mulf %select_n3A_1706, %select_n3A_1706 : vector<1x128xf32>
    %add3A_1708 = arith.constant 1.000000e+00 : f32
    %add3A_1709 = vector.broadcast %add3A_1708 : f32 to vector<1x128xf32>
    %add3A_1710 = arith.addf %add3A_1709, %mul3A_1707 : vector<1x128xf32>
    %sqrt3A_1711 = math.sqrt %add3A_1710 : vector<1x128xf32>
    %div3A_1712 = arith.constant 1.000000e+00 : f32
    %div3A_1713 = vector.broadcast %div3A_1712 : f32 to vector<1x128xf32>
    %div3A_1714 = arith.divf %div3A_1713, %sqrt3A_1711 : vector<1x128xf32>
    %mul3A_1715 = arith.mulf %select_n3A_1706, %div3A_1714 : vector<1x128xf32>
    %mul3A_1716 = arith.mulf %div3A_1714, %add3A_1567 : vector<1x128xf32>
    %mul3A_1717 = arith.mulf %mul3A_1715, %add3A_1656 : vector<1x128xf32>
    %sub3A_1718 = arith.subf %mul3A_1716, %mul3A_1717 : vector<1x128xf32>
    %mul3A_1719 = arith.mulf %div3A_1714, %sub3A_1718 : vector<1x128xf32>
    %mul3A_1720 = arith.mulf %div3A_1714, %add3A_1656 : vector<1x128xf32>
    %mul3A_1721 = arith.mulf %mul3A_1715, %add3A_1650 : vector<1x128xf32>
    %sub3A_1722 = arith.subf %mul3A_1720, %mul3A_1721 : vector<1x128xf32>
    %mul3A_1723 = arith.mulf %mul3A_1715, %sub3A_1722 : vector<1x128xf32>
    %sub3A_1724 = arith.subf %mul3A_1719, %mul3A_1723 : vector<1x128xf32>
    %mul3A_1725 = arith.mulf %mul3A_1715, %add3A_1567 : vector<1x128xf32>
    %mul3A_1726 = arith.mulf %div3A_1714, %add3A_1656 : vector<1x128xf32>
    %add3A_1727 = arith.addf %mul3A_1725, %mul3A_1726 : vector<1x128xf32>
    %mul3A_1728 = arith.mulf %mul3A_1715, %add3A_1727 : vector<1x128xf32>
    %mul3A_1729 = arith.mulf %mul3A_1715, %add3A_1656 : vector<1x128xf32>
    %mul3A_1730 = arith.mulf %div3A_1714, %add3A_1650 : vector<1x128xf32>
    %add3A_1731 = arith.addf %mul3A_1729, %mul3A_1730 : vector<1x128xf32>
    %mul3A_1732 = arith.mulf %div3A_1714, %add3A_1731 : vector<1x128xf32>
    %add3A_1733 = arith.addf %mul3A_1728, %mul3A_1732 : vector<1x128xf32>
    %mul3A_1734 = arith.mulf %div3A_1714, %sub3A_1653 : vector<1x128xf32>
    %mul3A_1735 = arith.mulf %mul3A_1715, %broadcast_in_dim3A_102 : vector<1x128xf32>
    %sub3A_1736 = arith.subf %mul3A_1734, %mul3A_1735 : vector<1x128xf32>
    %mul3A_1737 = arith.mulf %mul3A_1715, %sub3A_1653 : vector<1x128xf32>
    %mul3A_1738 = arith.mulf %div3A_1714, %broadcast_in_dim3A_102 : vector<1x128xf32>
    %add3A_1739 = arith.addf %mul3A_1737, %mul3A_1738 : vector<1x128xf32>
    %mul3A_1740 = arith.mulf %div3A_1714, %add3A_1585 : vector<1x128xf32>
    %mul3A_1741 = arith.mulf %mul3A_1715, %add3A_1668 : vector<1x128xf32>
    %sub3A_1742 = arith.subf %mul3A_1740, %mul3A_1741 : vector<1x128xf32>
    %mul3A_1743 = arith.mulf %div3A_1714, %add3A_1588 : vector<1x128xf32>
    %mul3A_1744 = arith.mulf %mul3A_1715, %add3A_1671 : vector<1x128xf32>
    %sub3A_1745 = arith.subf %mul3A_1743, %mul3A_1744 : vector<1x128xf32>
    %mul3A_1746 = arith.mulf %div3A_1714, %add3A_1591 : vector<1x128xf32>
    %mul3A_1747 = arith.mulf %mul3A_1715, %add3A_1674 : vector<1x128xf32>
    %sub3A_1748 = arith.subf %mul3A_1746, %mul3A_1747 : vector<1x128xf32>
    %mul3A_1749 = arith.mulf %mul3A_1715, %add3A_1585 : vector<1x128xf32>
    %mul3A_1750 = arith.mulf %div3A_1714, %add3A_1668 : vector<1x128xf32>
    %add3A_1751 = arith.addf %mul3A_1749, %mul3A_1750 : vector<1x128xf32>
    %mul3A_1752 = arith.mulf %mul3A_1715, %add3A_1588 : vector<1x128xf32>
    %mul3A_1753 = arith.mulf %div3A_1714, %add3A_1671 : vector<1x128xf32>
    %add3A_1754 = arith.addf %mul3A_1752, %mul3A_1753 : vector<1x128xf32>
    %mul3A_1755 = arith.mulf %mul3A_1715, %add3A_1591 : vector<1x128xf32>
    %mul3A_1756 = arith.mulf %div3A_1714, %add3A_1674 : vector<1x128xf32>
    %add3A_1757 = arith.addf %mul3A_1755, %mul3A_1756 : vector<1x128xf32>
    %sub3A_1758 = arith.subf %sub3A_1724, %sub3A_1641 : vector<1x128xf32>
    %mul3A_1759 = arith.constant 2.000000e+00 : f32
    %mul3A_1760 = vector.broadcast %mul3A_1759 : f32 to vector<1x128xf32>
    %mul3A_1761 = arith.mulf %mul3A_1760, %sub3A_1736 : vector<1x128xf32>
    %div3A_1762 = arith.divf %sub3A_1758, %mul3A_1761 : vector<1x128xf32>
    %sign3A_1763 = tpu.bitcast %div3A_1762 : vector<1x128xf32> -> vector<1x128xi32>
    %sign3A_1764 = arith.constant -2147483648 : i32
    %sign3A_1765 = vector.broadcast %sign3A_1764 : i32 to vector<1x128xi32>
    %sign3A_1766 = arith.andi %sign3A_1763, %sign3A_1765 : vector<1x128xi32>
    %sign3A_1767 = arith.constant 1065353216 : i32
    %sign3A_1768 = vector.broadcast %sign3A_1767 : i32 to vector<1x128xi32>
    %sign3A_1769 = arith.ori %sign3A_1768, %sign3A_1766 : vector<1x128xi32>
    %sign3A_1770 = tpu.bitcast %sign3A_1769 : vector<1x128xi32> -> vector<1x128xf32>
    %sign3A_1771 = math.absf %div3A_1762 : vector<1x128xf32>
    %sign3A_1772 = arith.constant 0.000000e+00 : f32
    %sign3A_1773 = vector.broadcast %sign3A_1772 : f32 to vector<1x128xf32>
    %sign3A_1774 = arith.cmpf ogt, %sign3A_1771, %sign3A_1773 : vector<1x128xf32>
    %sign3A_1775 = arith.select %sign3A_1774, %sign3A_1770, %div3A_1762 : vector<1x128xi1>, vector<1x128xf32>
    %abs3A_1776 = math.absf %div3A_1762 : vector<1x128xf32>
    %mul3A_1777 = arith.mulf %div3A_1762, %div3A_1762 : vector<1x128xf32>
    %add3A_1778 = arith.constant 1.000000e+00 : f32
    %add3A_1779 = vector.broadcast %add3A_1778 : f32 to vector<1x128xf32>
    %add3A_1780 = arith.addf %add3A_1779, %mul3A_1777 : vector<1x128xf32>
    %sqrt3A_1781 = math.sqrt %add3A_1780 : vector<1x128xf32>
    %add3A_1782 = arith.addf %abs3A_1776, %sqrt3A_1781 : vector<1x128xf32>
    %div3A_1783 = arith.divf %sign3A_1775, %add3A_1782 : vector<1x128xf32>
    %eq3A_1784 = arith.constant 0.000000e+00 : f32
    %eq3A_1785 = vector.broadcast %eq3A_1784 : f32 to vector<1x128xf32>
    %eq3A_1786 = arith.cmpf oeq, %sub3A_1736, %eq3A_1785 : vector<1x128xf32>
    %jit3A_1787 = arith.constant 0.000000e+00 : f32
    %broadcast_in_dim3A_1788 = vector.broadcast %jit3A_1787 : f32 to vector<1x128xf32>
    %select_n3A_1789 = arith.select %eq3A_1786, %broadcast_in_dim3A_1788, %div3A_1783 : vector<1x128xi1>, vector<1x128xf32>
    %mul3A_1790 = arith.mulf %select_n3A_1789, %select_n3A_1789 : vector<1x128xf32>
    %add3A_1791 = arith.constant 1.000000e+00 : f32
    %add3A_1792 = vector.broadcast %add3A_1791 : f32 to vector<1x128xf32>
    %add3A_1793 = arith.addf %add3A_1792, %mul3A_1790 : vector<1x128xf32>
    %sqrt3A_1794 = math.sqrt %add3A_1793 : vector<1x128xf32>
    %div3A_1795 = arith.constant 1.000000e+00 : f32
    %div3A_1796 = vector.broadcast %div3A_1795 : f32 to vector<1x128xf32>
    %div3A_1797 = arith.divf %div3A_1796, %sqrt3A_1794 : vector<1x128xf32>
    %mul3A_1798 = arith.mulf %select_n3A_1789, %div3A_1797 : vector<1x128xf32>
    %mul3A_1799 = arith.mulf %div3A_1797, %sub3A_1641 : vector<1x128xf32>
    %mul3A_1800 = arith.mulf %mul3A_1798, %sub3A_1736 : vector<1x128xf32>
    %sub3A_1801 = arith.subf %mul3A_1799, %mul3A_1800 : vector<1x128xf32>
    %mul3A_1802 = arith.mulf %div3A_1797, %sub3A_1801 : vector<1x128xf32>
    %mul3A_1803 = arith.mulf %div3A_1797, %sub3A_1736 : vector<1x128xf32>
    %mul3A_1804 = arith.mulf %mul3A_1798, %sub3A_1724 : vector<1x128xf32>
    %sub3A_1805 = arith.subf %mul3A_1803, %mul3A_1804 : vector<1x128xf32>
    %mul3A_1806 = arith.mulf %mul3A_1798, %sub3A_1805 : vector<1x128xf32>
    %sub3A_1807 = arith.subf %mul3A_1802, %mul3A_1806 : vector<1x128xf32>
    %mul3A_1808 = arith.mulf %mul3A_1798, %sub3A_1641 : vector<1x128xf32>
    %mul3A_1809 = arith.mulf %div3A_1797, %sub3A_1736 : vector<1x128xf32>
    %add3A_1810 = arith.addf %mul3A_1808, %mul3A_1809 : vector<1x128xf32>
    %mul3A_1811 = arith.mulf %mul3A_1798, %add3A_1810 : vector<1x128xf32>
    %mul3A_1812 = arith.mulf %mul3A_1798, %sub3A_1736 : vector<1x128xf32>
    %mul3A_1813 = arith.mulf %div3A_1797, %sub3A_1724 : vector<1x128xf32>
    %add3A_1814 = arith.addf %mul3A_1812, %mul3A_1813 : vector<1x128xf32>
    %mul3A_1815 = arith.mulf %div3A_1797, %add3A_1814 : vector<1x128xf32>
    %add3A_1816 = arith.addf %mul3A_1811, %mul3A_1815 : vector<1x128xf32>
    %mul3A_1817 = arith.mulf %div3A_1797, %add3A_1739 : vector<1x128xf32>
    %mul3A_1818 = arith.mulf %mul3A_1798, %broadcast_in_dim3A_102 : vector<1x128xf32>
    %sub3A_1819 = arith.subf %mul3A_1817, %mul3A_1818 : vector<1x128xf32>
    %mul3A_1820 = arith.mulf %mul3A_1798, %add3A_1739 : vector<1x128xf32>
    %mul3A_1821 = arith.mulf %div3A_1797, %broadcast_in_dim3A_102 : vector<1x128xf32>
    %add3A_1822 = arith.addf %mul3A_1820, %mul3A_1821 : vector<1x128xf32>
    %mul3A_1823 = arith.mulf %div3A_1797, %sub3A_1659 : vector<1x128xf32>
    %mul3A_1824 = arith.mulf %mul3A_1798, %sub3A_1742 : vector<1x128xf32>
    %sub3A_1825 = arith.subf %mul3A_1823, %mul3A_1824 : vector<1x128xf32>
    %mul3A_1826 = arith.mulf %div3A_1797, %sub3A_1662 : vector<1x128xf32>
    %mul3A_1827 = arith.mulf %mul3A_1798, %sub3A_1745 : vector<1x128xf32>
    %sub3A_1828 = arith.subf %mul3A_1826, %mul3A_1827 : vector<1x128xf32>
    %mul3A_1829 = arith.mulf %div3A_1797, %sub3A_1665 : vector<1x128xf32>
    %mul3A_1830 = arith.mulf %mul3A_1798, %sub3A_1748 : vector<1x128xf32>
    %sub3A_1831 = arith.subf %mul3A_1829, %mul3A_1830 : vector<1x128xf32>
    %mul3A_1832 = arith.mulf %mul3A_1798, %sub3A_1659 : vector<1x128xf32>
    %mul3A_1833 = arith.mulf %div3A_1797, %sub3A_1742 : vector<1x128xf32>
    %add3A_1834 = arith.addf %mul3A_1832, %mul3A_1833 : vector<1x128xf32>
    %mul3A_1835 = arith.mulf %mul3A_1798, %sub3A_1662 : vector<1x128xf32>
    %mul3A_1836 = arith.mulf %div3A_1797, %sub3A_1745 : vector<1x128xf32>
    %add3A_1837 = arith.addf %mul3A_1835, %mul3A_1836 : vector<1x128xf32>
    %mul3A_1838 = arith.mulf %mul3A_1798, %sub3A_1665 : vector<1x128xf32>
    %mul3A_1839 = arith.mulf %div3A_1797, %sub3A_1748 : vector<1x128xf32>
    %add3A_1840 = arith.addf %mul3A_1838, %mul3A_1839 : vector<1x128xf32>
    %sub3A_1841 = arith.subf %add3A_1733, %sub3A_1807 : vector<1x128xf32>
    %mul3A_1842 = arith.constant 2.000000e+00 : f32
    %mul3A_1843 = vector.broadcast %mul3A_1842 : f32 to vector<1x128xf32>
    %mul3A_1844 = arith.mulf %mul3A_1843, %sub3A_1819 : vector<1x128xf32>
    %div3A_1845 = arith.divf %sub3A_1841, %mul3A_1844 : vector<1x128xf32>
    %sign3A_1846 = tpu.bitcast %div3A_1845 : vector<1x128xf32> -> vector<1x128xi32>
    %sign3A_1847 = arith.constant -2147483648 : i32
    %sign3A_1848 = vector.broadcast %sign3A_1847 : i32 to vector<1x128xi32>
    %sign3A_1849 = arith.andi %sign3A_1846, %sign3A_1848 : vector<1x128xi32>
    %sign3A_1850 = arith.constant 1065353216 : i32
    %sign3A_1851 = vector.broadcast %sign3A_1850 : i32 to vector<1x128xi32>
    %sign3A_1852 = arith.ori %sign3A_1851, %sign3A_1849 : vector<1x128xi32>
    %sign3A_1853 = tpu.bitcast %sign3A_1852 : vector<1x128xi32> -> vector<1x128xf32>
    %sign3A_1854 = math.absf %div3A_1845 : vector<1x128xf32>
    %sign3A_1855 = arith.constant 0.000000e+00 : f32
    %sign3A_1856 = vector.broadcast %sign3A_1855 : f32 to vector<1x128xf32>
    %sign3A_1857 = arith.cmpf ogt, %sign3A_1854, %sign3A_1856 : vector<1x128xf32>
    %sign3A_1858 = arith.select %sign3A_1857, %sign3A_1853, %div3A_1845 : vector<1x128xi1>, vector<1x128xf32>
    %abs3A_1859 = math.absf %div3A_1845 : vector<1x128xf32>
    %mul3A_1860 = arith.mulf %div3A_1845, %div3A_1845 : vector<1x128xf32>
    %add3A_1861 = arith.constant 1.000000e+00 : f32
    %add3A_1862 = vector.broadcast %add3A_1861 : f32 to vector<1x128xf32>
    %add3A_1863 = arith.addf %add3A_1862, %mul3A_1860 : vector<1x128xf32>
    %sqrt3A_1864 = math.sqrt %add3A_1863 : vector<1x128xf32>
    %add3A_1865 = arith.addf %abs3A_1859, %sqrt3A_1864 : vector<1x128xf32>
    %div3A_1866 = arith.divf %sign3A_1858, %add3A_1865 : vector<1x128xf32>
    %eq3A_1867 = arith.constant 0.000000e+00 : f32
    %eq3A_1868 = vector.broadcast %eq3A_1867 : f32 to vector<1x128xf32>
    %eq3A_1869 = arith.cmpf oeq, %sub3A_1819, %eq3A_1868 : vector<1x128xf32>
    %jit3A_1870 = arith.constant 0.000000e+00 : f32
    %broadcast_in_dim3A_1871 = vector.broadcast %jit3A_1870 : f32 to vector<1x128xf32>
    %select_n3A_1872 = arith.select %eq3A_1869, %broadcast_in_dim3A_1871, %div3A_1866 : vector<1x128xi1>, vector<1x128xf32>
    %mul3A_1873 = arith.mulf %select_n3A_1872, %select_n3A_1872 : vector<1x128xf32>
    %add3A_1874 = arith.constant 1.000000e+00 : f32
    %add3A_1875 = vector.broadcast %add3A_1874 : f32 to vector<1x128xf32>
    %add3A_1876 = arith.addf %add3A_1875, %mul3A_1873 : vector<1x128xf32>
    %sqrt3A_1877 = math.sqrt %add3A_1876 : vector<1x128xf32>
    %div3A_1878 = arith.constant 1.000000e+00 : f32
    %div3A_1879 = vector.broadcast %div3A_1878 : f32 to vector<1x128xf32>
    %div3A_1880 = arith.divf %div3A_1879, %sqrt3A_1877 : vector<1x128xf32>
    %mul3A_1881 = arith.mulf %select_n3A_1872, %div3A_1880 : vector<1x128xf32>
    %mul3A_1882 = arith.mulf %div3A_1880, %sub3A_1807 : vector<1x128xf32>
    %mul3A_1883 = arith.mulf %mul3A_1881, %sub3A_1819 : vector<1x128xf32>
    %sub3A_1884 = arith.subf %mul3A_1882, %mul3A_1883 : vector<1x128xf32>
    %mul3A_1885 = arith.mulf %div3A_1880, %sub3A_1884 : vector<1x128xf32>
    %mul3A_1886 = arith.mulf %div3A_1880, %sub3A_1819 : vector<1x128xf32>
    %mul3A_1887 = arith.mulf %mul3A_1881, %add3A_1733 : vector<1x128xf32>
    %sub3A_1888 = arith.subf %mul3A_1886, %mul3A_1887 : vector<1x128xf32>
    %mul3A_1889 = arith.mulf %mul3A_1881, %sub3A_1888 : vector<1x128xf32>
    %sub3A_1890 = arith.subf %mul3A_1885, %mul3A_1889 : vector<1x128xf32>
    %mul3A_1891 = arith.mulf %mul3A_1881, %sub3A_1807 : vector<1x128xf32>
    %mul3A_1892 = arith.mulf %div3A_1880, %sub3A_1819 : vector<1x128xf32>
    %add3A_1893 = arith.addf %mul3A_1891, %mul3A_1892 : vector<1x128xf32>
    %mul3A_1894 = arith.mulf %mul3A_1881, %add3A_1893 : vector<1x128xf32>
    %mul3A_1895 = arith.mulf %mul3A_1881, %sub3A_1819 : vector<1x128xf32>
    %mul3A_1896 = arith.mulf %div3A_1880, %add3A_1733 : vector<1x128xf32>
    %add3A_1897 = arith.addf %mul3A_1895, %mul3A_1896 : vector<1x128xf32>
    %mul3A_1898 = arith.mulf %div3A_1880, %add3A_1897 : vector<1x128xf32>
    %add3A_1899 = arith.addf %mul3A_1894, %mul3A_1898 : vector<1x128xf32>
    %mul3A_1900 = arith.mulf %div3A_1880, %broadcast_in_dim3A_102 : vector<1x128xf32>
    %mul3A_1901 = arith.mulf %mul3A_1881, %add3A_1822 : vector<1x128xf32>
    %sub3A_1902 = arith.subf %mul3A_1900, %mul3A_1901 : vector<1x128xf32>
    %mul3A_1903 = arith.mulf %mul3A_1881, %broadcast_in_dim3A_102 : vector<1x128xf32>
    %mul3A_1904 = arith.mulf %div3A_1880, %add3A_1822 : vector<1x128xf32>
    %add3A_1905 = arith.addf %mul3A_1903, %mul3A_1904 : vector<1x128xf32>
    %mul3A_1906 = arith.mulf %div3A_1880, %sub3A_1825 : vector<1x128xf32>
    %mul3A_1907 = arith.mulf %mul3A_1881, %add3A_1751 : vector<1x128xf32>
    %sub3A_1908 = arith.subf %mul3A_1906, %mul3A_1907 : vector<1x128xf32>
    %mul3A_1909 = arith.mulf %div3A_1880, %sub3A_1828 : vector<1x128xf32>
    %mul3A_1910 = arith.mulf %mul3A_1881, %add3A_1754 : vector<1x128xf32>
    %sub3A_1911 = arith.subf %mul3A_1909, %mul3A_1910 : vector<1x128xf32>
    %mul3A_1912 = arith.mulf %div3A_1880, %sub3A_1831 : vector<1x128xf32>
    %mul3A_1913 = arith.mulf %mul3A_1881, %add3A_1757 : vector<1x128xf32>
    %sub3A_1914 = arith.subf %mul3A_1912, %mul3A_1913 : vector<1x128xf32>
    %mul3A_1915 = arith.mulf %mul3A_1881, %sub3A_1825 : vector<1x128xf32>
    %mul3A_1916 = arith.mulf %div3A_1880, %add3A_1751 : vector<1x128xf32>
    %add3A_1917 = arith.addf %mul3A_1915, %mul3A_1916 : vector<1x128xf32>
    %mul3A_1918 = arith.mulf %mul3A_1881, %sub3A_1828 : vector<1x128xf32>
    %mul3A_1919 = arith.mulf %div3A_1880, %add3A_1754 : vector<1x128xf32>
    %add3A_1920 = arith.addf %mul3A_1918, %mul3A_1919 : vector<1x128xf32>
    %mul3A_1921 = arith.mulf %mul3A_1881, %sub3A_1831 : vector<1x128xf32>
    %mul3A_1922 = arith.mulf %div3A_1880, %add3A_1757 : vector<1x128xf32>
    %add3A_1923 = arith.addf %mul3A_1921, %mul3A_1922 : vector<1x128xf32>
    %sub3A_1924 = arith.subf %add3A_1899, %add3A_1816 : vector<1x128xf32>
    %mul3A_1925 = arith.constant 2.000000e+00 : f32
    %mul3A_1926 = vector.broadcast %mul3A_1925 : f32 to vector<1x128xf32>
    %mul3A_1927 = arith.mulf %mul3A_1926, %add3A_1905 : vector<1x128xf32>
    %div3A_1928 = arith.divf %sub3A_1924, %mul3A_1927 : vector<1x128xf32>
    %sign3A_1929 = tpu.bitcast %div3A_1928 : vector<1x128xf32> -> vector<1x128xi32>
    %sign3A_1930 = arith.constant -2147483648 : i32
    %sign3A_1931 = vector.broadcast %sign3A_1930 : i32 to vector<1x128xi32>
    %sign3A_1932 = arith.andi %sign3A_1929, %sign3A_1931 : vector<1x128xi32>
    %sign3A_1933 = arith.constant 1065353216 : i32
    %sign3A_1934 = vector.broadcast %sign3A_1933 : i32 to vector<1x128xi32>
    %sign3A_1935 = arith.ori %sign3A_1934, %sign3A_1932 : vector<1x128xi32>
    %sign3A_1936 = tpu.bitcast %sign3A_1935 : vector<1x128xi32> -> vector<1x128xf32>
    %sign3A_1937 = math.absf %div3A_1928 : vector<1x128xf32>
    %sign3A_1938 = arith.constant 0.000000e+00 : f32
    %sign3A_1939 = vector.broadcast %sign3A_1938 : f32 to vector<1x128xf32>
    %sign3A_1940 = arith.cmpf ogt, %sign3A_1937, %sign3A_1939 : vector<1x128xf32>
    %sign3A_1941 = arith.select %sign3A_1940, %sign3A_1936, %div3A_1928 : vector<1x128xi1>, vector<1x128xf32>
    %abs3A_1942 = math.absf %div3A_1928 : vector<1x128xf32>
    %mul3A_1943 = arith.mulf %div3A_1928, %div3A_1928 : vector<1x128xf32>
    %add3A_1944 = arith.constant 1.000000e+00 : f32
    %add3A_1945 = vector.broadcast %add3A_1944 : f32 to vector<1x128xf32>
    %add3A_1946 = arith.addf %add3A_1945, %mul3A_1943 : vector<1x128xf32>
    %sqrt3A_1947 = math.sqrt %add3A_1946 : vector<1x128xf32>
    %add3A_1948 = arith.addf %abs3A_1942, %sqrt3A_1947 : vector<1x128xf32>
    %div3A_1949 = arith.divf %sign3A_1941, %add3A_1948 : vector<1x128xf32>
    %eq3A_1950 = arith.constant 0.000000e+00 : f32
    %eq3A_1951 = vector.broadcast %eq3A_1950 : f32 to vector<1x128xf32>
    %eq3A_1952 = arith.cmpf oeq, %add3A_1905, %eq3A_1951 : vector<1x128xf32>
    %jit3A_1953 = arith.constant 0.000000e+00 : f32
    %broadcast_in_dim3A_1954 = vector.broadcast %jit3A_1953 : f32 to vector<1x128xf32>
    %select_n3A_1955 = arith.select %eq3A_1952, %broadcast_in_dim3A_1954, %div3A_1949 : vector<1x128xi1>, vector<1x128xf32>
    %mul3A_1956 = arith.mulf %select_n3A_1955, %select_n3A_1955 : vector<1x128xf32>
    %add3A_1957 = arith.constant 1.000000e+00 : f32
    %add3A_1958 = vector.broadcast %add3A_1957 : f32 to vector<1x128xf32>
    %add3A_1959 = arith.addf %add3A_1958, %mul3A_1956 : vector<1x128xf32>
    %sqrt3A_1960 = math.sqrt %add3A_1959 : vector<1x128xf32>
    %div3A_1961 = arith.constant 1.000000e+00 : f32
    %div3A_1962 = vector.broadcast %div3A_1961 : f32 to vector<1x128xf32>
    %div3A_1963 = arith.divf %div3A_1962, %sqrt3A_1960 : vector<1x128xf32>
    %mul3A_1964 = arith.mulf %select_n3A_1955, %div3A_1963 : vector<1x128xf32>
    %mul3A_1965 = arith.mulf %div3A_1963, %add3A_1816 : vector<1x128xf32>
    %mul3A_1966 = arith.mulf %mul3A_1964, %add3A_1905 : vector<1x128xf32>
    %sub3A_1967 = arith.subf %mul3A_1965, %mul3A_1966 : vector<1x128xf32>
    %mul3A_1968 = arith.mulf %div3A_1963, %sub3A_1967 : vector<1x128xf32>
    %mul3A_1969 = arith.mulf %div3A_1963, %add3A_1905 : vector<1x128xf32>
    %mul3A_1970 = arith.mulf %mul3A_1964, %add3A_1899 : vector<1x128xf32>
    %sub3A_1971 = arith.subf %mul3A_1969, %mul3A_1970 : vector<1x128xf32>
    %mul3A_1972 = arith.mulf %mul3A_1964, %sub3A_1971 : vector<1x128xf32>
    %sub3A_1973 = arith.subf %mul3A_1968, %mul3A_1972 : vector<1x128xf32>
    %mul3A_1974 = arith.mulf %mul3A_1964, %add3A_1816 : vector<1x128xf32>
    %mul3A_1975 = arith.mulf %div3A_1963, %add3A_1905 : vector<1x128xf32>
    %add3A_1976 = arith.addf %mul3A_1974, %mul3A_1975 : vector<1x128xf32>
    %mul3A_1977 = arith.mulf %mul3A_1964, %add3A_1976 : vector<1x128xf32>
    %mul3A_1978 = arith.mulf %mul3A_1964, %add3A_1905 : vector<1x128xf32>
    %mul3A_1979 = arith.mulf %div3A_1963, %add3A_1899 : vector<1x128xf32>
    %add3A_1980 = arith.addf %mul3A_1978, %mul3A_1979 : vector<1x128xf32>
    %mul3A_1981 = arith.mulf %div3A_1963, %add3A_1980 : vector<1x128xf32>
    %add3A_1982 = arith.addf %mul3A_1977, %mul3A_1981 : vector<1x128xf32>
    %mul3A_1983 = arith.mulf %div3A_1963, %sub3A_1902 : vector<1x128xf32>
    %mul3A_1984 = arith.mulf %mul3A_1964, %broadcast_in_dim3A_102 : vector<1x128xf32>
    %sub3A_1985 = arith.subf %mul3A_1983, %mul3A_1984 : vector<1x128xf32>
    %mul3A_1986 = arith.mulf %div3A_1963, %add3A_1834 : vector<1x128xf32>
    %mul3A_1987 = arith.mulf %mul3A_1964, %add3A_1917 : vector<1x128xf32>
    %sub3A_1988 = arith.subf %mul3A_1986, %mul3A_1987 : vector<1x128xf32>
    %mul3A_1989 = arith.mulf %div3A_1963, %add3A_1837 : vector<1x128xf32>
    %mul3A_1990 = arith.mulf %mul3A_1964, %add3A_1920 : vector<1x128xf32>
    %sub3A_1991 = arith.subf %mul3A_1989, %mul3A_1990 : vector<1x128xf32>
    %mul3A_1992 = arith.mulf %div3A_1963, %add3A_1840 : vector<1x128xf32>
    %mul3A_1993 = arith.mulf %mul3A_1964, %add3A_1923 : vector<1x128xf32>
    %sub3A_1994 = arith.subf %mul3A_1992, %mul3A_1993 : vector<1x128xf32>
    %mul3A_1995 = arith.mulf %mul3A_1964, %add3A_1834 : vector<1x128xf32>
    %mul3A_1996 = arith.mulf %div3A_1963, %add3A_1917 : vector<1x128xf32>
    %add3A_1997 = arith.addf %mul3A_1995, %mul3A_1996 : vector<1x128xf32>
    %mul3A_1998 = arith.mulf %mul3A_1964, %add3A_1837 : vector<1x128xf32>
    %mul3A_1999 = arith.mulf %div3A_1963, %add3A_1920 : vector<1x128xf32>
    %add3A_2000 = arith.addf %mul3A_1998, %mul3A_1999 : vector<1x128xf32>
    %mul3A_2001 = arith.mulf %mul3A_1964, %add3A_1840 : vector<1x128xf32>
    %mul3A_2002 = arith.mulf %div3A_1963, %add3A_1923 : vector<1x128xf32>
    %add3A_2003 = arith.addf %mul3A_2001, %mul3A_2002 : vector<1x128xf32>
    %sub3A_2004 = arith.subf %sub3A_1973, %sub3A_1890 : vector<1x128xf32>
    %mul3A_2005 = arith.constant 2.000000e+00 : f32
    %mul3A_2006 = vector.broadcast %mul3A_2005 : f32 to vector<1x128xf32>
    %mul3A_2007 = arith.mulf %mul3A_2006, %sub3A_1985 : vector<1x128xf32>
    %div3A_2008 = arith.divf %sub3A_2004, %mul3A_2007 : vector<1x128xf32>
    %sign3A_2009 = tpu.bitcast %div3A_2008 : vector<1x128xf32> -> vector<1x128xi32>
    %sign3A_2010 = arith.constant -2147483648 : i32
    %sign3A_2011 = vector.broadcast %sign3A_2010 : i32 to vector<1x128xi32>
    %sign3A_2012 = arith.andi %sign3A_2009, %sign3A_2011 : vector<1x128xi32>
    %sign3A_2013 = arith.constant 1065353216 : i32
    %sign3A_2014 = vector.broadcast %sign3A_2013 : i32 to vector<1x128xi32>
    %sign3A_2015 = arith.ori %sign3A_2014, %sign3A_2012 : vector<1x128xi32>
    %sign3A_2016 = tpu.bitcast %sign3A_2015 : vector<1x128xi32> -> vector<1x128xf32>
    %sign3A_2017 = math.absf %div3A_2008 : vector<1x128xf32>
    %sign3A_2018 = arith.constant 0.000000e+00 : f32
    %sign3A_2019 = vector.broadcast %sign3A_2018 : f32 to vector<1x128xf32>
    %sign3A_2020 = arith.cmpf ogt, %sign3A_2017, %sign3A_2019 : vector<1x128xf32>
    %sign3A_2021 = arith.select %sign3A_2020, %sign3A_2016, %div3A_2008 : vector<1x128xi1>, vector<1x128xf32>
    %abs3A_2022 = math.absf %div3A_2008 : vector<1x128xf32>
    %mul3A_2023 = arith.mulf %div3A_2008, %div3A_2008 : vector<1x128xf32>
    %add3A_2024 = arith.constant 1.000000e+00 : f32
    %add3A_2025 = vector.broadcast %add3A_2024 : f32 to vector<1x128xf32>
    %add3A_2026 = arith.addf %add3A_2025, %mul3A_2023 : vector<1x128xf32>
    %sqrt3A_2027 = math.sqrt %add3A_2026 : vector<1x128xf32>
    %add3A_2028 = arith.addf %abs3A_2022, %sqrt3A_2027 : vector<1x128xf32>
    %div3A_2029 = arith.divf %sign3A_2021, %add3A_2028 : vector<1x128xf32>
    %eq3A_2030 = arith.constant 0.000000e+00 : f32
    %eq3A_2031 = vector.broadcast %eq3A_2030 : f32 to vector<1x128xf32>
    %eq3A_2032 = arith.cmpf oeq, %sub3A_1985, %eq3A_2031 : vector<1x128xf32>
    %jit3A_2033 = arith.constant 0.000000e+00 : f32
    %broadcast_in_dim3A_2034 = vector.broadcast %jit3A_2033 : f32 to vector<1x128xf32>
    %select_n3A_2035 = arith.select %eq3A_2032, %broadcast_in_dim3A_2034, %div3A_2029 : vector<1x128xi1>, vector<1x128xf32>
    %mul3A_2036 = arith.mulf %select_n3A_2035, %select_n3A_2035 : vector<1x128xf32>
    %add3A_2037 = arith.constant 1.000000e+00 : f32
    %add3A_2038 = vector.broadcast %add3A_2037 : f32 to vector<1x128xf32>
    %add3A_2039 = arith.addf %add3A_2038, %mul3A_2036 : vector<1x128xf32>
    %sqrt3A_2040 = math.sqrt %add3A_2039 : vector<1x128xf32>
    %div3A_2041 = arith.constant 1.000000e+00 : f32
    %div3A_2042 = vector.broadcast %div3A_2041 : f32 to vector<1x128xf32>
    %div3A_2043 = arith.divf %div3A_2042, %sqrt3A_2040 : vector<1x128xf32>
    %mul3A_2044 = arith.mulf %select_n3A_2035, %div3A_2043 : vector<1x128xf32>
    %mul3A_2045 = arith.mulf %div3A_2043, %sub3A_1890 : vector<1x128xf32>
    %mul3A_2046 = arith.mulf %mul3A_2044, %sub3A_1985 : vector<1x128xf32>
    %sub3A_2047 = arith.subf %mul3A_2045, %mul3A_2046 : vector<1x128xf32>
    %mul3A_2048 = arith.mulf %div3A_2043, %sub3A_2047 : vector<1x128xf32>
    %mul3A_2049 = arith.mulf %div3A_2043, %sub3A_1985 : vector<1x128xf32>
    %mul3A_2050 = arith.mulf %mul3A_2044, %sub3A_1973 : vector<1x128xf32>
    %sub3A_2051 = arith.subf %mul3A_2049, %mul3A_2050 : vector<1x128xf32>
    %mul3A_2052 = arith.mulf %mul3A_2044, %sub3A_2051 : vector<1x128xf32>
    %sub3A_2053 = arith.subf %mul3A_2048, %mul3A_2052 : vector<1x128xf32>
    %mul3A_2054 = arith.mulf %mul3A_2044, %sub3A_1890 : vector<1x128xf32>
    %mul3A_2055 = arith.mulf %div3A_2043, %sub3A_1985 : vector<1x128xf32>
    %add3A_2056 = arith.addf %mul3A_2054, %mul3A_2055 : vector<1x128xf32>
    %mul3A_2057 = arith.mulf %mul3A_2044, %add3A_2056 : vector<1x128xf32>
    %mul3A_2058 = arith.mulf %mul3A_2044, %sub3A_1985 : vector<1x128xf32>
    %mul3A_2059 = arith.mulf %div3A_2043, %sub3A_1973 : vector<1x128xf32>
    %add3A_2060 = arith.addf %mul3A_2058, %mul3A_2059 : vector<1x128xf32>
    %mul3A_2061 = arith.mulf %div3A_2043, %add3A_2060 : vector<1x128xf32>
    %add3A_2062 = arith.addf %mul3A_2057, %mul3A_2061 : vector<1x128xf32>
    %mul3A_2063 = arith.mulf %div3A_2043, %sub3A_1908 : vector<1x128xf32>
    %mul3A_2064 = arith.mulf %mul3A_2044, %sub3A_1988 : vector<1x128xf32>
    %sub3A_2065 = arith.subf %mul3A_2063, %mul3A_2064 : vector<1x128xf32>
    %mul3A_2066 = arith.mulf %div3A_2043, %sub3A_1911 : vector<1x128xf32>
    %mul3A_2067 = arith.mulf %mul3A_2044, %sub3A_1991 : vector<1x128xf32>
    %sub3A_2068 = arith.subf %mul3A_2066, %mul3A_2067 : vector<1x128xf32>
    %mul3A_2069 = arith.mulf %div3A_2043, %sub3A_1914 : vector<1x128xf32>
    %mul3A_2070 = arith.mulf %mul3A_2044, %sub3A_1994 : vector<1x128xf32>
    %sub3A_2071 = arith.subf %mul3A_2069, %mul3A_2070 : vector<1x128xf32>
    %mul3A_2072 = arith.mulf %mul3A_2044, %sub3A_1908 : vector<1x128xf32>
    %mul3A_2073 = arith.mulf %div3A_2043, %sub3A_1988 : vector<1x128xf32>
    %add3A_2074 = arith.addf %mul3A_2072, %mul3A_2073 : vector<1x128xf32>
    %mul3A_2075 = arith.mulf %mul3A_2044, %sub3A_1911 : vector<1x128xf32>
    %mul3A_2076 = arith.mulf %div3A_2043, %sub3A_1991 : vector<1x128xf32>
    %add3A_2077 = arith.addf %mul3A_2075, %mul3A_2076 : vector<1x128xf32>
    %mul3A_2078 = arith.mulf %mul3A_2044, %sub3A_1914 : vector<1x128xf32>
    %mul3A_2079 = arith.mulf %div3A_2043, %sub3A_1994 : vector<1x128xf32>
    %add3A_2080 = arith.addf %mul3A_2078, %mul3A_2079 : vector<1x128xf32>
    %lt3A = arith.cmpf olt, %add3A_2062, %sub3A_2053 : vector<1x128xf32>
    %select_n3A_2081 = arith.select %lt3A, %add3A_2062, %sub3A_2053 : vector<1x128xi1>, vector<1x128xf32>
    %select_n3A_2082 = arith.select %lt3A, %sub3A_2053, %add3A_2062 : vector<1x128xi1>, vector<1x128xf32>
    %select_n3A_2083 = arith.select %lt3A, %add3A_2074, %sub3A_2065 : vector<1x128xi1>, vector<1x128xf32>
    %select_n3A_2084 = arith.select %lt3A, %add3A_2077, %sub3A_2068 : vector<1x128xi1>, vector<1x128xf32>
    %select_n3A_2085 = arith.select %lt3A, %add3A_2080, %sub3A_2071 : vector<1x128xi1>, vector<1x128xf32>
    %select_n3A_2086 = arith.select %lt3A, %sub3A_2065, %add3A_2074 : vector<1x128xi1>, vector<1x128xf32>
    %select_n3A_2087 = arith.select %lt3A, %sub3A_2068, %add3A_2077 : vector<1x128xi1>, vector<1x128xf32>
    %select_n3A_2088 = arith.select %lt3A, %sub3A_2071, %add3A_2080 : vector<1x128xi1>, vector<1x128xf32>
    %lt3A_2089 = arith.cmpf olt, %add3A_1982, %select_n3A_2082 : vector<1x128xf32>
    %select_n3A_2090 = arith.select %lt3A_2089, %add3A_1982, %select_n3A_2082 : vector<1x128xi1>, vector<1x128xf32>
    %select_n3A_2091 = arith.select %lt3A_2089, %add3A_1997, %select_n3A_2086 : vector<1x128xi1>, vector<1x128xf32>
    %select_n3A_2092 = arith.select %lt3A_2089, %add3A_2000, %select_n3A_2087 : vector<1x128xi1>, vector<1x128xf32>
    %select_n3A_2093 = arith.select %lt3A_2089, %add3A_2003, %select_n3A_2088 : vector<1x128xi1>, vector<1x128xf32>
    %select_n3A_2094 = arith.select %lt3A_2089, %select_n3A_2086, %add3A_1997 : vector<1x128xi1>, vector<1x128xf32>
    %select_n3A_2095 = arith.select %lt3A_2089, %select_n3A_2087, %add3A_2000 : vector<1x128xi1>, vector<1x128xf32>
    %select_n3A_2096 = arith.select %lt3A_2089, %select_n3A_2088, %add3A_2003 : vector<1x128xi1>, vector<1x128xf32>
    %lt3A_2097 = arith.cmpf olt, %select_n3A_2090, %select_n3A_2081 : vector<1x128xf32>
    %select_n3A_2098 = arith.select %lt3A_2097, %select_n3A_2091, %select_n3A_2083 : vector<1x128xi1>, vector<1x128xf32>
    %select_n3A_2099 = arith.select %lt3A_2097, %select_n3A_2092, %select_n3A_2084 : vector<1x128xi1>, vector<1x128xf32>
    %select_n3A_2100 = arith.select %lt3A_2097, %select_n3A_2093, %select_n3A_2085 : vector<1x128xi1>, vector<1x128xf32>
    %reshape3A_2101 = vector.shape_cast %select_n3A_2098 : vector<1x128xf32> to vector<128x1xf32>
    %reshape3A_2102 = vector.shape_cast %select_n3A_2099 : vector<1x128xf32> to vector<128x1xf32>
    %reshape3A_2103 = vector.shape_cast %select_n3A_2100 : vector<1x128xf32> to vector<128x1xf32>
    %reshape3A_2104 = vector.shape_cast %select_n3A_2094 : vector<1x128xf32> to vector<128x1xf32>
    %reshape3A_2105 = vector.shape_cast %select_n3A_2095 : vector<1x128xf32> to vector<128x1xf32>
    %reshape3A_2106 = vector.shape_cast %select_n3A_2096 : vector<1x128xf32> to vector<128x1xf32>
    %concatenate3A = tpu.concatenate %reshape3A_2101, %reshape3A_2102, %reshape3A_2103, %reshape3A_2104, %reshape3A_2105, %reshape3A_2106, %div3A_86, %div3A_92, %div3A_98, %div3A_28 in 1 : vector<128x1xf32>, vector<128x1xf32>, vector<128x1xf32>, vector<128x1xf32>, vector<128x1xf32>, vector<128x1xf32>, vector<128x1xf32>, vector<128x1xf32>, vector<128x1xf32>, vector<128x1xf32> -> vector<128x10xf32>
    %get3A_2107 = arith.constant 0 : index
    %get3A_2108 = arith.constant 0 : index
    %get3A_2109 = vector.load %arg5[%get3A_2107, %get3A_2108] : memref<10x64xf32, #tpu.memory_space<vmem>>, vector<10x64xf32>
    %dot_general3A = arith.constant dense<0.000000e+00> : vector<128x64xf32>
    %dot_general3A_2110 = tpu.matmul %concatenate3A, %get3A_2109, %dot_general3A {dimension_numbers = #tpu.dot_dimension_numbers<[1], [0], [0], [1], [0, 0, 1, 1], [], []>, transpose_lhs_hint = false} : vector<128x10xf32>, vector<10x64xf32>, vector<128x64xf32> -> vector<128x64xf32>
    %get3A_2111 = arith.constant 0 : index
    %get3A_2112 = vector.load %arg6[%get3A_2111] : memref<64xf32, #tpu.memory_space<vmem>>, vector<64xf32>
    %broadcast_in_dim3A_2113 = vector.shape_cast %get3A_2112 : vector<64xf32> to vector<1x64xf32>
    %add3A_2114 = vector.broadcast %broadcast_in_dim3A_2113 : vector<1x64xf32> to vector<128x64xf32>
    %add3A_2115 = arith.addf %dot_general3A_2110, %add3A_2114 : vector<128x64xf32>
    %get3A_2116 = arith.constant 0 : index
    %get3A_2117 = vector.load %arg7[%get3A_2116] : memref<64xf32, #tpu.memory_space<vmem>>, vector<64xf32>
    %get3A_2118 = arith.constant 0 : index
    %get3A_2119 = vector.load %arg8[%get3A_2118] : memref<64xf32, #tpu.memory_space<vmem>>, vector<64xf32>
    %reduce_sum3A_2120 = arith.constant dense<0.000000e+00> : vector<128xf32>
    %reduce_sum3A_2121 = vector.multi_reduction <add>, %add3A_2115, %reduce_sum3A_2120 [1] : vector<128x64xf32> to vector<128xf32>
    %broadcast_in_dim3A_2122 = vector.shape_cast %reduce_sum3A_2121 : vector<128xf32> to vector<128x1xf32>
    %div3A_2123 = arith.constant 6.400000e+01 : f32
    %div3A_2124 = vector.broadcast %div3A_2123 : f32 to vector<128x1xf32>
    %div3A_2125 = arith.divf %broadcast_in_dim3A_2122, %div3A_2124 : vector<128x1xf32>
    %sub3A_2126 = vector.broadcast %div3A_2125 : vector<128x1xf32> to vector<128x64xf32>
    %sub3A_2127 = arith.subf %add3A_2115, %sub3A_2126 : vector<128x64xf32>
    %integer_pow3A = arith.mulf %sub3A_2127, %sub3A_2127 : vector<128x64xf32>
    %reduce_sum3A_2128 = arith.constant dense<0.000000e+00> : vector<128xf32>
    %reduce_sum3A_2129 = vector.multi_reduction <add>, %integer_pow3A, %reduce_sum3A_2128 [1] : vector<128x64xf32> to vector<128xf32>
    %broadcast_in_dim3A_2130 = vector.shape_cast %reduce_sum3A_2129 : vector<128xf32> to vector<128x1xf32>
    %div3A_2131 = arith.constant 6.400000e+01 : f32
    %div3A_2132 = vector.broadcast %div3A_2131 : f32 to vector<128x1xf32>
    %div3A_2133 = arith.divf %broadcast_in_dim3A_2130, %div3A_2132 : vector<128x1xf32>
    %sub3A_2134 = vector.broadcast %div3A_2125 : vector<128x1xf32> to vector<128x64xf32>
    %sub3A_2135 = arith.subf %add3A_2115, %sub3A_2134 : vector<128x64xf32>
    %add3A_2136 = arith.constant 9.99999974E-6 : f32
    %add3A_2137 = vector.broadcast %add3A_2136 : f32 to vector<128x1xf32>
    %add3A_2138 = arith.addf %div3A_2133, %add3A_2137 : vector<128x1xf32>
    %sqrt3A_2139 = math.sqrt %add3A_2138 : vector<128x1xf32>
    %div3A_2140 = vector.broadcast %sqrt3A_2139 : vector<128x1xf32> to vector<128x64xf32>
    %div3A_2141 = arith.divf %sub3A_2135, %div3A_2140 : vector<128x64xf32>
    %broadcast_in_dim3A_2142 = vector.shape_cast %get3A_2117 : vector<64xf32> to vector<1x64xf32>
    %mul3A_2143 = vector.broadcast %broadcast_in_dim3A_2142 : vector<1x64xf32> to vector<128x64xf32>
    %mul3A_2144 = arith.mulf %div3A_2141, %mul3A_2143 : vector<128x64xf32>
    %broadcast_in_dim3A_2145 = vector.shape_cast %get3A_2119 : vector<64xf32> to vector<1x64xf32>
    %add3A_2146 = vector.broadcast %broadcast_in_dim3A_2145 : vector<1x64xf32> to vector<128x64xf32>
    %add3A_2147 = arith.addf %mul3A_2144, %add3A_2146 : vector<128x64xf32>
    %max3A = arith.constant 0.000000e+00 : f32
    %max3A_2148 = vector.broadcast %max3A : f32 to vector<128x64xf32>
    %max3A_2149 = arith.maximumf %add3A_2147, %max3A_2148 : vector<128x64xf32>
    %get3A_2150 = arith.constant 0 : index
    %get3A_2151 = arith.constant 0 : index
    %get3A_2152 = vector.load %arg9[%get3A_2150, %get3A_2151] : memref<64x64xf32, #tpu.memory_space<vmem>>, vector<64x64xf32>
    %dot_general3A_2153 = arith.constant dense<0.000000e+00> : vector<128x64xf32>
    %dot_general3A_2154 = tpu.matmul %max3A_2149, %get3A_2152, %dot_general3A_2153 {dimension_numbers = #tpu.dot_dimension_numbers<[1], [0], [0], [1], [0, 0, 1, 1], [], []>, transpose_lhs_hint = false} : vector<128x64xf32>, vector<64x64xf32>, vector<128x64xf32> -> vector<128x64xf32>
    %get3A_2155 = arith.constant 0 : index
    %get3A_2156 = vector.load %arg10[%get3A_2155] : memref<64xf32, #tpu.memory_space<vmem>>, vector<64xf32>
    %broadcast_in_dim3A_2157 = vector.shape_cast %get3A_2156 : vector<64xf32> to vector<1x64xf32>
    %add3A_2158 = vector.broadcast %broadcast_in_dim3A_2157 : vector<1x64xf32> to vector<128x64xf32>
    %add3A_2159 = arith.addf %dot_general3A_2154, %add3A_2158 : vector<128x64xf32>
    %slice3A_2160 = vector.extract_strided_slice %get3A_2 {offsets = [0, 0, 64], sizes = [128, 16, 64], strides = [1, 1, 1]} : vector<128x16x128xf32> to vector<128x16x64xf32>
    %broadcast_in_dim3A_2161 = vector.shape_cast %slice3A : vector<128x64xf32> to vector<128x1x64xf32>
    %sub3A_2162 = vector.broadcast %broadcast_in_dim3A_2161 : vector<128x1x64xf32> to vector<128x16x64xf32>
    %sub3A_2163 = arith.subf %sub3A_2162, %slice3A_2160 : vector<128x16x64xf32>
    %get3A_2164 = arith.constant 0 : index
    %get3A_2165 = vector.load %arg11[%get3A_2164] : memref<64xf32, #tpu.memory_space<vmem>>, vector<64xf32>
    %broadcast_in_dim3A_2166 = vector.shape_cast %get3A_2165 : vector<64xf32> to vector<1x1x64xf32>
    %add3A_2167 = vector.broadcast %broadcast_in_dim3A_2166 : vector<1x1x64xf32> to vector<128x16x64xf32>
    %add3A_2168 = arith.addf %sub3A_2163, %add3A_2167 : vector<128x16x64xf32>
    %get3A_2169 = arith.constant 0 : index
    %get3A_2170 = vector.load %arg12[%get3A_2169] : memref<64xf32, #tpu.memory_space<vmem>>, vector<64xf32>
    %get3A_2171 = arith.constant 0 : index
    %get3A_2172 = vector.load %arg13[%get3A_2171] : memref<64xf32, #tpu.memory_space<vmem>>, vector<64xf32>
    %reduce_sum3A_2173 = arith.constant dense<0.000000e+00> : vector<128x16xf32>
    %reduce_sum3A_2174 = vector.multi_reduction <add>, %add3A_2168, %reduce_sum3A_2173 [2] : vector<128x16x64xf32> to vector<128x16xf32>
    %broadcast_in_dim3A_2175 = vector.shape_cast %reduce_sum3A_2174 : vector<128x16xf32> to vector<128x16x1xf32>
    %div3A_2176 = arith.constant 6.400000e+01 : f32
    %div3A_2177 = vector.broadcast %div3A_2176 : f32 to vector<128x16x1xf32>
    %div3A_2178 = arith.divf %broadcast_in_dim3A_2175, %div3A_2177 : vector<128x16x1xf32>
    %sub3A_2179 = vector.broadcast %div3A_2178 : vector<128x16x1xf32> to vector<128x16x64xf32>
    %sub3A_2180 = arith.subf %add3A_2168, %sub3A_2179 : vector<128x16x64xf32>
    %integer_pow3A_2181 = arith.mulf %sub3A_2180, %sub3A_2180 : vector<128x16x64xf32>
    %reduce_sum3A_2182 = arith.constant dense<0.000000e+00> : vector<128x16xf32>
    %reduce_sum3A_2183 = vector.multi_reduction <add>, %integer_pow3A_2181, %reduce_sum3A_2182 [2] : vector<128x16x64xf32> to vector<128x16xf32>
    %broadcast_in_dim3A_2184 = vector.shape_cast %reduce_sum3A_2183 : vector<128x16xf32> to vector<128x16x1xf32>
    %div3A_2185 = arith.constant 6.400000e+01 : f32
    %div3A_2186 = vector.broadcast %div3A_2185 : f32 to vector<128x16x1xf32>
    %div3A_2187 = arith.divf %broadcast_in_dim3A_2184, %div3A_2186 : vector<128x16x1xf32>
    %sub3A_2188 = vector.broadcast %div3A_2178 : vector<128x16x1xf32> to vector<128x16x64xf32>
    %sub3A_2189 = arith.subf %add3A_2168, %sub3A_2188 : vector<128x16x64xf32>
    %add3A_2190 = arith.constant 9.99999974E-6 : f32
    %add3A_2191 = vector.broadcast %add3A_2190 : f32 to vector<128x16x1xf32>
    %add3A_2192 = arith.addf %div3A_2187, %add3A_2191 : vector<128x16x1xf32>
    %sqrt3A_2193 = math.sqrt %add3A_2192 : vector<128x16x1xf32>
    %div3A_2194 = vector.broadcast %sqrt3A_2193 : vector<128x16x1xf32> to vector<128x16x64xf32>
    %div3A_2195 = arith.divf %sub3A_2189, %div3A_2194 : vector<128x16x64xf32>
    %broadcast_in_dim3A_2196 = vector.shape_cast %get3A_2170 : vector<64xf32> to vector<1x1x64xf32>
    %mul3A_2197 = vector.broadcast %broadcast_in_dim3A_2196 : vector<1x1x64xf32> to vector<128x16x64xf32>
    %mul3A_2198 = arith.mulf %div3A_2195, %mul3A_2197 : vector<128x16x64xf32>
    %broadcast_in_dim3A_2199 = vector.shape_cast %get3A_2172 : vector<64xf32> to vector<1x1x64xf32>
    %add3A_2200 = vector.broadcast %broadcast_in_dim3A_2199 : vector<1x1x64xf32> to vector<128x16x64xf32>
    %add3A_2201 = arith.addf %mul3A_2198, %add3A_2200 : vector<128x16x64xf32>
    %max3A_2202 = arith.constant 0.000000e+00 : f32
    %max3A_2203 = vector.broadcast %max3A_2202 : f32 to vector<128x16x64xf32>
    %max3A_2204 = arith.maximumf %add3A_2201, %max3A_2203 : vector<128x16x64xf32>
    %reshape3A_2205 = vector.shape_cast %max3A_2204 : vector<128x16x64xf32> to vector<2048x64xf32>
    %get3A_2206 = arith.constant 0 : index
    %get3A_2207 = arith.constant 0 : index
    %get3A_2208 = vector.load %arg14[%get3A_2206, %get3A_2207] : memref<64x64xf32, #tpu.memory_space<vmem>>, vector<64x64xf32>
    %dot_general3A_2209 = arith.constant dense<0.000000e+00> : vector<2048x64xf32>
    %dot_general3A_2210 = tpu.matmul %reshape3A_2205, %get3A_2208, %dot_general3A_2209 {dimension_numbers = #tpu.dot_dimension_numbers<[1], [0], [0], [1], [0, 0, 1, 1], [], []>, transpose_lhs_hint = false} : vector<2048x64xf32>, vector<64x64xf32>, vector<2048x64xf32> -> vector<2048x64xf32>
    %get3A_2211 = arith.constant 0 : index
    %get3A_2212 = vector.load %arg15[%get3A_2211] : memref<64xf32, #tpu.memory_space<vmem>>, vector<64xf32>
    %broadcast_in_dim3A_2213 = vector.shape_cast %get3A_2212 : vector<64xf32> to vector<1x64xf32>
    %add3A_2214 = vector.broadcast %broadcast_in_dim3A_2213 : vector<1x64xf32> to vector<2048x64xf32>
    %add3A_2215 = arith.addf %dot_general3A_2210, %add3A_2214 : vector<2048x64xf32>
    %reshape3A_2216 = vector.shape_cast %add3A_2215 : vector<2048x64xf32> to vector<128x16x64xf32>
    %reduce_max3A = arith.constant dense<0xFF800000> : vector<128x64xf32>
    %reduce_max3A_2217 = vector.multi_reduction <maximumf>, %reshape3A_2216, %reduce_max3A [1] : vector<128x16x64xf32> to vector<128x64xf32>
    %concatenate3A_2218 = tpu.concatenate %add3A_2159, %reduce_max3A_2217 in 1 : vector<128x64xf32>, vector<128x64xf32> -> vector<128x128xf32>
    %get3A_2219 = arith.constant 0 : index
    %get3A_2220 = arith.constant 0 : index
    %get3A_2221 = vector.load %arg16[%get3A_2219, %get3A_2220] : memref<128x32xf32, #tpu.memory_space<vmem>>, vector<128x32xf32>
    %dot_general3A_2222 = arith.constant dense<0.000000e+00> : vector<128x32xf32>
    %dot_general3A_2223 = tpu.matmul %concatenate3A_2218, %get3A_2221, %dot_general3A_2222 {dimension_numbers = #tpu.dot_dimension_numbers<[1], [0], [0], [1], [0, 0, 1, 1], [], []>, transpose_lhs_hint = false} : vector<128x128xf32>, vector<128x32xf32>, vector<128x32xf32> -> vector<128x32xf32>
    %get3A_2224 = arith.constant 0 : index
    %get3A_2225 = vector.load %arg17[%get3A_2224] : memref<32xf32, #tpu.memory_space<vmem>>, vector<32xf32>
    %broadcast_in_dim3A_2226 = vector.shape_cast %get3A_2225 : vector<32xf32> to vector<1x32xf32>
    %add3A_2227 = vector.broadcast %broadcast_in_dim3A_2226 : vector<1x32xf32> to vector<128x32xf32>
    %add3A_2228 = arith.addf %dot_general3A_2223, %add3A_2227 : vector<128x32xf32>
    %max3A_2229 = arith.constant 0.000000e+00 : f32
    %max3A_2230 = vector.broadcast %max3A_2229 : f32 to vector<128x32xf32>
    %max3A_2231 = arith.maximumf %add3A_2228, %max3A_2230 : vector<128x32xf32>
    %get3A_2232 = arith.constant 0 : index
    %get3A_2233 = arith.constant 0 : index
    %get3A_2234 = vector.load %arg18[%get3A_2232, %get3A_2233] : memref<1x32xf32, #tpu.memory_space<vmem>>, vector<1x32xf32>
    %mul3A_2235 = vector.broadcast %get3A_2234 : vector<1x32xf32> to vector<128x32xf32>
    %mul3A_2236 = arith.mulf %max3A_2231, %mul3A_2235 : vector<128x32xf32>
    %reduce_sum3A_2237 = arith.constant dense<0.000000e+00> : vector<128xf32>
    %reduce_sum3A_2238 = vector.multi_reduction <add>, %mul3A_2236, %reduce_sum3A_2237 [1] : vector<128x32xf32> to vector<128xf32>
    %broadcast_in_dim3A_2239 = vector.shape_cast %reduce_sum3A_2238 : vector<128xf32> to vector<128x1xf32>
    %get3A_2240 = arith.constant 0 : index
    %get3A_2241 = vector.load %arg19[%get3A_2240] : memref<1xf32, #tpu.memory_space<vmem>>, vector<1xf32>
    %broadcast_in_dim3A_2242 = vector.shape_cast %get3A_2241 : vector<1xf32> to vector<1x1xf32>
    %add3A_2243 = vector.broadcast %broadcast_in_dim3A_2242 : vector<1x1xf32> to vector<128x1xf32>
    %add3A_2244 = arith.addf %broadcast_in_dim3A_2239, %add3A_2243 : vector<128x1xf32>
    %logistic3A = arith.negf %add3A_2244 : vector<128x1xf32>
    %logistic3A_2245 = math.exp %logistic3A : vector<128x1xf32>
    %logistic3A_2246 = arith.constant 1.000000e+00 : f32
    %logistic3A_2247 = vector.broadcast %logistic3A_2246 : f32 to vector<128x1xf32>
    %logistic3A_2248 = arith.addf %logistic3A_2247, %logistic3A_2245 : vector<128x1xf32>
    %logistic3A_2249 = arith.divf %logistic3A_2247, %logistic3A_2248 : vector<128x1xf32>
    %concatenate3A_2250 = tpu.concatenate %get3A_8, %concatenate3A_2218 in 1 : vector<128x128xf32>, vector<128x128xf32> -> vector<128x256xf32>
    %get3A_2251 = arith.constant 0 : index
    %get3A_2252 = arith.constant 0 : index
    %get3A_2253 = vector.load %arg20[%get3A_2251, %get3A_2252] : memref<256x128xf32, #tpu.memory_space<vmem>>, vector<256x128xf32>
    %dot_general3A_2254 = arith.constant dense<0.000000e+00> : vector<128x128xf32>
    %dot_general3A_2255 = tpu.matmul %concatenate3A_2250, %get3A_2253, %dot_general3A_2254 {dimension_numbers = #tpu.dot_dimension_numbers<[1], [0], [0], [1], [0, 0, 1, 1], [], []>, transpose_lhs_hint = false} : vector<128x256xf32>, vector<256x128xf32>, vector<128x128xf32> -> vector<128x128xf32>
    %get3A_2256 = arith.constant 0 : index
    %get3A_2257 = vector.load %arg21[%get3A_2256] : memref<128xf32, #tpu.memory_space<vmem>>, vector<128xf32>
    %broadcast_in_dim3A_2258 = vector.shape_cast %get3A_2257 : vector<128xf32> to vector<1x128xf32>
    %add3A_2259 = vector.broadcast %broadcast_in_dim3A_2258 : vector<1x128xf32> to vector<128x128xf32>
    %add3A_2260 = arith.addf %dot_general3A_2255, %add3A_2259 : vector<128x128xf32>
    %get3A_2261 = arith.constant 0 : index
    %get3A_2262 = vector.load %arg22[%get3A_2261] : memref<128xf32, #tpu.memory_space<vmem>>, vector<128xf32>
    %get3A_2263 = arith.constant 0 : index
    %get3A_2264 = vector.load %arg23[%get3A_2263] : memref<128xf32, #tpu.memory_space<vmem>>, vector<128xf32>
    %reduce_sum3A_2265 = arith.constant dense<0.000000e+00> : vector<128xf32>
    %reduce_sum3A_2266 = vector.multi_reduction <add>, %add3A_2260, %reduce_sum3A_2265 [1] : vector<128x128xf32> to vector<128xf32>
    %broadcast_in_dim3A_2267 = vector.shape_cast %reduce_sum3A_2266 : vector<128xf32> to vector<128x1xf32>
    %div3A_2268 = arith.constant 1.280000e+02 : f32
    %div3A_2269 = vector.broadcast %div3A_2268 : f32 to vector<128x1xf32>
    %div3A_2270 = arith.divf %broadcast_in_dim3A_2267, %div3A_2269 : vector<128x1xf32>
    %sub3A_2271 = vector.broadcast %div3A_2270 : vector<128x1xf32> to vector<128x128xf32>
    %sub3A_2272 = arith.subf %add3A_2260, %sub3A_2271 : vector<128x128xf32>
    %integer_pow3A_2273 = arith.mulf %sub3A_2272, %sub3A_2272 : vector<128x128xf32>
    %reduce_sum3A_2274 = arith.constant dense<0.000000e+00> : vector<128xf32>
    %reduce_sum3A_2275 = vector.multi_reduction <add>, %integer_pow3A_2273, %reduce_sum3A_2274 [1] : vector<128x128xf32> to vector<128xf32>
    %broadcast_in_dim3A_2276 = vector.shape_cast %reduce_sum3A_2275 : vector<128xf32> to vector<128x1xf32>
    %div3A_2277 = arith.constant 1.280000e+02 : f32
    %div3A_2278 = vector.broadcast %div3A_2277 : f32 to vector<128x1xf32>
    %div3A_2279 = arith.divf %broadcast_in_dim3A_2276, %div3A_2278 : vector<128x1xf32>
    %sub3A_2280 = vector.broadcast %div3A_2270 : vector<128x1xf32> to vector<128x128xf32>
    %sub3A_2281 = arith.subf %add3A_2260, %sub3A_2280 : vector<128x128xf32>
    %add3A_2282 = arith.constant 9.99999974E-6 : f32
    %add3A_2283 = vector.broadcast %add3A_2282 : f32 to vector<128x1xf32>
    %add3A_2284 = arith.addf %div3A_2279, %add3A_2283 : vector<128x1xf32>
    %sqrt3A_2285 = math.sqrt %add3A_2284 : vector<128x1xf32>
    %div3A_2286 = vector.broadcast %sqrt3A_2285 : vector<128x1xf32> to vector<128x128xf32>
    %div3A_2287 = arith.divf %sub3A_2281, %div3A_2286 : vector<128x128xf32>
    %broadcast_in_dim3A_2288 = vector.shape_cast %get3A_2262 : vector<128xf32> to vector<1x128xf32>
    %mul3A_2289 = vector.broadcast %broadcast_in_dim3A_2288 : vector<1x128xf32> to vector<128x128xf32>
    %mul3A_2290 = arith.mulf %div3A_2287, %mul3A_2289 : vector<128x128xf32>
    %broadcast_in_dim3A_2291 = vector.shape_cast %get3A_2264 : vector<128xf32> to vector<1x128xf32>
    %add3A_2292 = vector.broadcast %broadcast_in_dim3A_2291 : vector<1x128xf32> to vector<128x128xf32>
    %add3A_2293 = arith.addf %mul3A_2290, %add3A_2292 : vector<128x128xf32>
    %max3A_2294 = arith.constant 0.000000e+00 : f32
    %max3A_2295 = vector.broadcast %max3A_2294 : f32 to vector<128x128xf32>
    %max3A_2296 = arith.maximumf %add3A_2293, %max3A_2295 : vector<128x128xf32>
    %mul3A_2297 = vector.broadcast %logistic3A_2249 : vector<128x1xf32> to vector<128x128xf32>
    %mul3A_2298 = arith.mulf %max3A_2296, %mul3A_2297 : vector<128x128xf32>
    %add3A_2299 = arith.addf %get3A_8, %mul3A_2298 : vector<128x128xf32>
    %swap3A = arith.constant 0 : index
    %swap3A_2300 = arith.constant 0 : index
    %swap3A_2301 = vector.load %arg24[%swap3A, %swap3A_2300] : memref<128x128xf32, #tpu.memory_space<vmem>>, vector<128x128xf32>
    tpu.vector_store %arg24[%swap3A, %swap3A_2300], %add3A_2299 {strides = array<i32>} : memref<128x128xf32, #tpu.memory_space<vmem>>, vector<128x128xf32>,
    %swap3A_2302 = arith.constant 0 : index
    %swap3A_2303 = arith.constant 0 : index
    %swap3A_2304 = vector.load %arg25[%swap3A_2302, %swap3A_2303] : memref<128x1xf32, #tpu.memory_space<vmem>>, vector<128x1xf32>
    tpu.vector_store %arg25[%swap3A_2302, %swap3A_2303], %logistic3A_2249 {strides = array<i32>} : memref<128x1xf32, #tpu.memory_space<vmem>>, vector<128x1xf32>,
    return
  }
  func.func @transform_0(%arg0: i32) -> (i32, i32, i32) {
    %c0_i32 = arith.constant 0 : i32
    %c0_i32_0 = arith.constant 0 : i32
    %c0_i32_1 = arith.constant 0 : i32
    return %arg0, %c0_i32, %c0_i32_0 : i32, i32, i32
  }
  func.func @transform_1(%arg0: i32) -> (i32, i32) {
    %c0_i32 = arith.constant 0 : i32
    %c0_i32_0 = arith.constant 0 : i32
    return %arg0, %c0_i32 : i32, i32
  }
  func.func @transform_2(%arg0: i32) -> (i32, i32) {
    %c0_i32 = arith.constant 0 : i32
    %c0_i32_0 = arith.constant 0 : i32
    return %arg0, %c0_i32 : i32, i32
  }
  func.func @transform_3(%arg0: i32) -> (i32, i32) {
    %c0_i32 = arith.constant 0 : i32
    %c0_i32_0 = arith.constant 0 : i32
    return %arg0, %c0_i32 : i32, i32
  }
  func.func @transform_4(%arg0: i32) -> (i32, i32) {
    %c0_i32 = arith.constant 0 : i32
    %c0_i32_0 = arith.constant 0 : i32
    %c0_i32_1 = arith.constant 0 : i32
    return %c0_i32, %c0_i32_0 : i32, i32
  }
  func.func @transform_5(%arg0: i32) -> i32 {
    %c0_i32 = arith.constant 0 : i32
    %c0_i32_0 = arith.constant 0 : i32
    return %c0_i32 : i32
  }
  func.func @transform_6(%arg0: i32) -> i32 {
    %c0_i32 = arith.constant 0 : i32
    %c0_i32_0 = arith.constant 0 : i32
    return %c0_i32 : i32
  }
  func.func @transform_7(%arg0: i32) -> i32 {
    %c0_i32 = arith.constant 0 : i32
    %c0_i32_0 = arith.constant 0 : i32
    return %c0_i32 : i32
  }
  func.func @transform_8(%arg0: i32) -> (i32, i32) {
    %c0_i32 = arith.constant 0 : i32
    %c0_i32_0 = arith.constant 0 : i32
    %c0_i32_1 = arith.constant 0 : i32
    return %c0_i32, %c0_i32_0 : i32, i32
  }
  func.func @transform_9(%arg0: i32) -> i32 {
    %c0_i32 = arith.constant 0 : i32
    %c0_i32_0 = arith.constant 0 : i32
    return %c0_i32 : i32
  }
  func.func @transform_10(%arg0: i32) -> i32 {
    %c0_i32 = arith.constant 0 : i32
    %c0_i32_0 = arith.constant 0 : i32
    return %c0_i32 : i32
  }
  func.func @transform_11(%arg0: i32) -> i32 {
    %c0_i32 = arith.constant 0 : i32
    %c0_i32_0 = arith.constant 0 : i32
    return %c0_i32 : i32
  }
  func.func @transform_12(%arg0: i32) -> i32 {
    %c0_i32 = arith.constant 0 : i32
    %c0_i32_0 = arith.constant 0 : i32
    return %c0_i32 : i32
  }
  func.func @transform_13(%arg0: i32) -> (i32, i32) {
    %c0_i32 = arith.constant 0 : i32
    %c0_i32_0 = arith.constant 0 : i32
    %c0_i32_1 = arith.constant 0 : i32
    return %c0_i32, %c0_i32_0 : i32, i32
  }
  func.func @transform_14(%arg0: i32) -> i32 {
    %c0_i32 = arith.constant 0 : i32
    %c0_i32_0 = arith.constant 0 : i32
    return %c0_i32 : i32
  }
  func.func @transform_15(%arg0: i32) -> (i32, i32) {
    %c0_i32 = arith.constant 0 : i32
    %c0_i32_0 = arith.constant 0 : i32
    %c0_i32_1 = arith.constant 0 : i32
    return %c0_i32, %c0_i32_0 : i32, i32
  }
  func.func @transform_16(%arg0: i32) -> i32 {
    %c0_i32 = arith.constant 0 : i32
    %c0_i32_0 = arith.constant 0 : i32
    return %c0_i32 : i32
  }
  func.func @transform_17(%arg0: i32) -> (i32, i32) {
    %c0_i32 = arith.constant 0 : i32
    %c0_i32_0 = arith.constant 0 : i32
    %c0_i32_1 = arith.constant 0 : i32
    return %c0_i32, %c0_i32_0 : i32, i32
  }
  func.func @transform_18(%arg0: i32) -> i32 {
    %c0_i32 = arith.constant 0 : i32
    %c0_i32_0 = arith.constant 0 : i32
    return %c0_i32 : i32
  }
  func.func @transform_19(%arg0: i32) -> (i32, i32) {
    %c0_i32 = arith.constant 0 : i32
    %c0_i32_0 = arith.constant 0 : i32
    %c0_i32_1 = arith.constant 0 : i32
    return %c0_i32, %c0_i32_0 : i32, i32
  }
  func.func @transform_20(%arg0: i32) -> i32 {
    %c0_i32 = arith.constant 0 : i32
    %c0_i32_0 = arith.constant 0 : i32
    return %c0_i32 : i32
  }
  func.func @transform_21(%arg0: i32) -> i32 {
    %c0_i32 = arith.constant 0 : i32
    %c0_i32_0 = arith.constant 0 : i32
    return %c0_i32 : i32
  }
  func.func @transform_22(%arg0: i32) -> i32 {
    %c0_i32 = arith.constant 0 : i32
    %c0_i32_0 = arith.constant 0 : i32
    return %c0_i32 : i32
  }
  func.func @transform_23(%arg0: i32) -> (i32, i32) {
    %c0_i32 = arith.constant 0 : i32
    %c0_i32_0 = arith.constant 0 : i32
    return %arg0, %c0_i32 : i32, i32
  }
  func.func @transform_24(%arg0: i32) -> (i32, i32) {
    %c0_i32 = arith.constant 0 : i32
    %c0_i32_0 = arith.constant 0 : i32
    return %arg0, %c0_i32 : i32, i32
  }
}

</mosaic_0001>

<sc_bundles>
// kernel: kernel.5.cloned.1.call-start
scs
__scs_entry_jumppad:
0x0: {  	(pc) =	sbr.rel $0x88, $3  }
0x1: {  	(tag) =	ssettag $0x0;
	lr =	simm.s32 $0x1  }
0x2: {  	[smem:$0x3F8B] =	sst lr;
	_ =	strace $0xD0000000  }
0x3: {  	_ = 	snop  }
0x4: {  	_ = 	snop  }
0x5: {  	_ = 	snop  }
0x6: {  	_ = 	snop  }
0x7: {  	_ = 	snop  }
__scs_overlays_trampoline_lowered:
0x8: {  	[smem:$0x3F9A] =	sst s0  }
0x9: {  	[smem:$0x3F9B] =	sst s1  }
0xa: {  	[smem:$0x3F9C] =	sst s2  }
0xb: {  	[smem:$0x3F9D] =	sst s3  }
0xc: {  	[smem:$0x3F9E] =	sst s4  }
0xd: {  	[smem:$0x3F9F] =	sst s5  }
0xe: {  	[smem:$0x3FA0] =	sst s6  }
0xf: {  	[smem:$0x3FA1] =	sst s7  }
0x10: {  	[smem:$0x3FA2] =	sst s8  }
0x11: {  	[smem:$0x3FA3] =	sst s9;
	s0 =	simm.s32 @!p0 $0x0  }
0x12: {  	s1 =	sld [smem:$0x3F89];
	s0 =	simm.s32 @p0 $0x1  }
0x13: {  	[smem:$0x3FA4] =	sst s0;
	s0 =	simm.s32 @!p1 $0x0  }
0x14: {  	s2 =	sld [smem:$0x3F88];
	s0 =	simm.s32 @p1 $0x1  }
0x15: {  	[smem:$0x3FA5] =	sst s0;
	s0 =	simm.s32 @!p2 $0x0  }
0x16: {  	s3 =	sld [smem:$0x3FDB];
	s0 =	simm.s32 @p2 $0x1  }
0x17: {  	s4 =	simm.s32 $0x1BF5;
	[smem:$0x3FA7] =	sst s0  }
0x18: {  	s0 =	sld [smem:$0x3F8A];
	_ =	swait.ge [sflag:s4], $0x0  }
0x19: {  	s7 =	sld [smem:$0x3F8B]  }
0x1a: {  	s8 =	sadd.s32 $0xFFFFE003, lr  }
0x1b: {  	s9 =	sadd.s32 $0xFFFFFEF7, lr;
	s5 =	simm.s32 $0xFFFFFFFF;
	p2 =	slt.u32 s8, $0xFFFFF086  }
0x1c: {  	p1 =	slt.u32 s9, $0xF7A;
	s5 =	simm.s32 @!p2 $0x0  }
0x1d: {  	s5 =	simm.s32 @p1 $0x1;
	p0 =	seq.s32 s7, s2  }
0x1e: {  	s7 =	smul.u32 @!p0 $0xF7A, s2;
	p2 =	seq.s32 @!p0 s5, $0x0  }
0x1f: {  	s9 =	smul.u32 $0xF7A, s1;
	s8 =	simm.s32 @!p0 $0x1BF5;
	p2 =	por !p2, p0  }
0x20: {  	[sflag:s8] =	ssyncset.s32 @!p0 $0xFFFFF086;
	s6 =	sadd.s32 @!p0 s3, s7;
	s7 =	simm.s32 @!p0 $0x108  }
0x21: {  	s3 =	sadd.s32 s3, s9;
	s6 =	sadd.s32 @!p0 $0x88, s6;
	s7 =	simm.s32 @p2 $0x1082  }
0x22: {  	[simem:s7], [sflag:s8] =	dma.local @!p0 [hbm:s6], $0xF7A  }
0x23: {  	s9 =	sor.u32 $0xD0000000, s2;
	s6 =	simm.s32 $0x108;
	_ =	swait.ge @!p0 [sflag:s8], $0x0  }
0x24: {  	s3 =	sadd.s32 $0x88, s3;
	s6 =	simm.s32 @!p1 $0x1082;
	[sflag:s4] =	ssyncset.s32 $0xFFFFF086  }
0x25: {  	[simem:s6], [sflag:s4] =	dma.local [hbm:s3], $0xF7A  }
0x26: {  	[smem:$0x3F8B] =	sst s1;
	(tag) =	ssettag s2;
	_ =	strace s9  }
0x27: {  	s1 =	sld [smem:$0x3F9B]  }
0x28: {  	s2 =	sld [smem:$0x3F9C]  }
0x29: {  	s4 =	sld [smem:$0x3F9E]  }
0x2a: {  	p0 =	seq.s32 s5, $0x0;
	s5 =	sld [smem:$0x3F9F]  }
0x2b: {  	s6 =	sld [smem:$0x3FA0]  }
0x2c: {  	s7 =	sld [smem:$0x3FA1]  }
0x2d: {  	s3 =	simm.s32 $0x108;
	s8 =	sld [smem:$0x3FA2]  }
0x2e: {  	s3 =	simm.s32 @!p0 $0x1082;
	s9 =	sld [smem:$0x3FA3]  }
0x2f: {  	lr =	sadd.s32 s0, s3;
	s0 =	sld [smem:$0x3F9A]  }
0x30: {  	s3 =	sld [smem:$0x3F9D]  }
0x31: {  	[smem:$0x3FA6] =	sst s10  }
0x32: {  	s10 =	sld [smem:$0x3FA4];
	_ =	sdelay $0x3  }
0x33: {  	p0 =	seq.s32 s10, $0x1;
	s10 =	sld [smem:$0x3FA6];
	_ =	sdelay $0x3  }
0x34: {  	[smem:$0x3FA6] =	sst s10  }
0x35: {  	s10 =	sld [smem:$0x3FA5];
	_ =	sdelay $0x3  }
0x36: {  	p1 =	seq.s32 s10, $0x1;
	s10 =	sld [smem:$0x3FA6];
	_ =	sdelay $0x3  }
0x37: {  	[smem:$0x3FA6] =	sst s10  }
0x38: {  	s10 =	sld [smem:$0x3FA7]  }
0x39: {  	_ = 	snop;
	(pc) =	sbr.ind lr, $3  }
0x3a: {  	_ = 	snop  }
0x3b: {  	_ = 	snop  }
0x3c: {  	p2 =	seq.s32 s10, $0x1;
	s10 =	sld [smem:$0x3FA6]  }
0x3d: {  	_ =	shalt  }
0x3e: {  	_ =	shalt  }
0x3f: {  	_ =	shalt  }
0x40: {  	_ =	shalt  }
0x41: {  	_ =	shalt  }
0x42: {  	_ =	shalt  }
0x43: {  	_ =	shalt  }
0x44: {  	_ =	shalt  }
0x45: {  	_ =	shalt  }
0x46: {  	_ =	shalt  }
0x47: {  	_ =	shalt  }
0x48: {  	_ =	shalt  }
0x49: {  	_ =	shalt  }
0x4a: {  	_ =	shalt  }
0x4b: {  	_ =	shalt  }
0x4c: {  	_ =	shalt  }
0x4d: {  	_ =	shalt  }
0x4e: {  	_ =	shalt  }
0x4f: {  	_ =	shalt  }
0x50: {  	_ =	shalt  }
0x51: {  	_ =	shalt  }
0x52: {  	_ =	shalt  }
0x53: {  	_ =	shalt  }
0x54: {  	_ =	shalt  }
0x55: {  	_ =	shalt  }
0x56: {  	_ =	shalt  }
0x57: {  	_ =	shalt  }
0x58: {  	_ =	shalt  }
0x59: {  	_ =	shalt  }
0x5a: {  	_ =	shalt  }
0x5b: {  	_ =	shalt  }
0x5c: {  	_ =	shalt  }
0x5d: {  	_ =	shalt  }
0x5e: {  	_ =	shalt  }
0x5f: {  	_ =	shalt  }
0x60: {  	_ =	shalt  }
0x61: {  	_ =	shalt  }
0x62: {  	_ =	shalt  }
0x63: {  	_ =	shalt  }
0x64: {  	_ =	shalt  }
0x65: {  	_ =	shalt  }
0x66: {  	_ =	shalt  }
0x67: {  	_ =	shalt  }
0x68: {  	_ =	shalt  }
0x69: {  	_ =	shalt  }
0x6a: {  	_ =	shalt  }
0x6b: {  	_ =	shalt  }
0x6c: {  	_ =	shalt  }
0x6d: {  	_ =	shalt  }
0x6e: {  	_ =	shalt  }
0x6f: {  	_ =	shalt  }
0x70: {  	_ =	shalt  }
0x71: {  	_ =	shalt  }
0x72: {  	_ =	shalt  }
0x73: {  	_ =	shalt  }
0x74: {  	_ =	shalt  }
0x75: {  	_ =	shalt  }
0x76: {  	_ =	shalt  }
0x77: {  	_ =	shalt  }
0x78: {  	_ =	shalt  }
0x79: {  	_ =	shalt  }
0x7a: {  	_ =	shalt  }
0x7b: {  	_ =	shalt  }
0x7c: {  	_ =	shalt  }
0x7d: {  	_ =	shalt  }
0x7e: {  	_ =	shalt  }
0x7f: {  	_ =	shalt  }
0x80: {  	_ =	shalt  }
0x81: {  	_ =	shalt  }
0x82: {  	_ =	shalt  }
0x83: {  	_ =	shalt  }
0x84: {  	_ =	shalt  }
0x85: {  	_ =	shalt  }
0x86: {  	_ =	shalt  }
0x87: {  	_ =	shalt  }
.Lfunc_end0:
.L_simem_size_0:
called_computation_lowered:
.L_overlay_start_0:
0x88: {  	s2 =	sld [smem:$0x3FD9]  }
0x89: {  	s3 =	sld [smem:$0x3FFE];
	_ =	sdelay $0x1  }
0x8a: {  	s1 =	srdreg.scid  }
0x8b: {  	s0 =	sand.u32 $0x1, s1  }
0x8c: {  	s14 =	sshll.u32 s0, $0xA;
	s2 =	sadd.s32 s3, s2  }
0x8d: {  	s2 =	sadd.s32 s2, s14  }
0x8e: {  	[smem:$0x3FB2] =	sst s2  }
0x8f: {  	_ = 	snop  }
0x90: {  	s2 =	sld [smem:$0x3FD0];
	_ =	sdelay $0x2  }
0x91: {  	s15 =	simm.s32 $0xA;
	s4 =	simm.s32 $0x10  }
0x92: {  	[smem:s4], [sflag:s15] =	dma.local [hbm:s2], $0x1  }
0x93: {  	_ =	swait.eq [sflag:s15], $0x1  }
0x94: {  	[sflag:s15] =	ssyncset.done $0x0  }
0x95: {  	[sflag:s15] =	ssyncadd.s32 $0xFFFFFFFF  }
0x96: {  	s16 =	sld [smem:$0x10];
	(tm) =	ssettm $0x1  }
0x97: {  	s17 =	sld [smem:$0x3FFB];
	_ =	sdelay $0x3  }
0x98: {  	_ =	strace s17  }
0x99: {  	s3 =	sld [smem:$0x3FFC];
	_ =	sdelay $0x3  }
0x9a: {  	_ =	strace s3  }
0x9b: {  	s3 =	sld [smem:$0x3FFD];
	_ =	sdelay $0x3  }
0x9c: {  	_ =	strace s3  }
0x9d: {  	_ =	strace $0x8FFFFFFF  }
0x9e: {  	s18 =	sld [smem:$0x3FDB];
	_ =	sdelay $0x1  }
0x9f: {  	s19 =	simm.s32 $_scs_section_size  }
0xa0: {  	s5 =	simm.s32 $_size__tile_overlayer_lowered;
	s6 =	simm.s32 $_tile_overlayer_lowered  }
0xa1: {  	s22 =	simm.s32 $0x1BFF;
	s21 =	sshll.u32 s6, $0x1;
	s3 =	sadd.s32 s19, s18  }
0xa2: {  	s7 =	simm.s32 $0x0;
	s20 =	sshll.u32 s5, $0x1;
	s5 =	sadd.s32 s21, s3  }
0xa3: {  	[timem:s7], [sflag:s22] =	dma.local [hbm:s5], s20  }
0xa4: {  	_ =	swait.ge [sflag:s22], s20  }
0xa5: {  	s4 =	ssub.s32 $0x0, s20;
	[sflag:s22] =	ssyncset.done $0x0  }
0xa6: {  	[sflag:s22] =	ssyncadd.s32 s4;
	_ =	sdelay $0x1  }
0xa7: {  	s23 =	simm.s32 $0x1B8B  }
0xa8: {  	_ =	swait.ge [sflag:s23], $0x1  }
0xa9: {  	[sflag:s23] =	ssyncset.done $0x0  }
0xaa: {  	s25 =	simm.s32 $0x1B8E;
	s24 =	sld [smem:$0x3FFE];
	[sflag:s23] =	ssyncadd.s32 $0xFFFFFFFF  }
0xab: {  	s26 =	simm.s32 $execute0_lowered;
	[smem:$0x3FD2] =	sst s25  }
0xac: {  	s5 =	sshll.u32 s26, $0x1;
	_ =	strace $0x80000046;
	[dreg:$0x1] =	wrdreg $0xFFFFFFFF  }
0xad: {  	s28 =	simm.s32 $_size_execute0_lowered;
	s3 =	sadd.s32 s3, s5;
	[dreg:$0x0] =	wrdreg $0x0  }
0xae: {  	s5 =	sshll.u32 s28, $0x1;
	[dreg:$0x2] =	wrdreg s3  }
0xaf: {  	[dreg:$0x3] =	wrdreg s5  }
0xb0: {  	[dreg:$0x4] =	wrdreg $0xC0  }
0xb1: {  	_ =	task [dreg:s7], $0x5FFFF  }
0xb2: {  	[dreg:$0x1] =	wrdreg $0xFFFFFFFF  }
0xb3: {  	[dreg:$0x0] =	wrdreg $0x60  }
0xb4: {  	[dreg:$0x2] =	wrdreg s16  }
0xb5: {  	[dreg:$0x3] =	wrdreg s24  }
0xb6: {  	[dreg:$0x4] =	wrdreg $0x9  }
0xb7: {  	_ =	task.clear_ibuf [dreg:s7], $0x5FFFF;
	_ =	strace $0x90000046  }
0xb8: {  	s29 =	simm.s32 $0x9;
	_ =	strace $0x80000048  }
0xb9: {  	_ =	swait.ge [sflag:s29], $0x1  }
0xba: {  	[sflag:s29] =	ssyncadd.s32 $0xFFFFFFFF  }
0xbb: {  	_ =	strace $0x90000048  }
0xbc: {  	_ =	sfence  }
0xbd: {  	s30 =	sld [smem:$0x0];
	_ =	sdelay $0x2  }
0xbe: {  	s31 =	sshll.u32 s1, $0xD;
	s1 =	sshrl.u32 s1, $0x2  }
0xbf: {  	s3 =	sand.u32 $0x4000, s31;
	s1 =	sadd.s32 s1, s30  }
0xc0: {  	s0 =	sor.u32 s3, s0;
	s1 =	sshll.u32 s1, $0x11  }
0xc1: {  	s0 =	sor.u32 s1, s0  }
0xc2: {  	s0 =	sadd.s32 $0x8F2B, s0  }
0xc3: {  	[sflag:s0] =	ssyncadd.remote.s32 $0x1  }
0xc4: {  	_ =	sfence.sel $0xFFFF  }
0xc5: {  	[dreg:$0x0] =	wrdreg $0xFFFFFFFF;
	(pc) =	sbr.abs _section_cstart, $3  }
0xc6: {  	[dreg:$0x1] =	wrdreg $0xFFFFFFFF  }
0xc7: {  	_ =	task.clear_ibuf [dreg:s7], $0x2FFFF;
	_ =	strace $0x9FFFFFFF  }
0xc8: {  	(tm) =	ssettm $0x7FFFFFFF  }
0xc9: {  	_ =	shalt  }
tec
execute0_lowered:
.L_overlay_start_1:
0x0: {  	(tag) =	ssettag $0x1  }
0x1: {  	s1 =	rddreg [dreg:$0x0]  }
0x2: {  	s4 =	rddreg [dreg:$0x1]  }
0x3: {  	s0 =	rddreg [dreg:$0x2];
	s5 =	srdreg.scid  }
0x4: {  	s3 =	simm.s32 $0x0;
	s2 =	stileid.u32;
	s10 =	simm.s32 $0x4200  }
0x5: {  	s11 =	simm.s32 $0x100;
	s12 =	simm.s32 $0x8200;
	s13 =	simm.s32 $0x180  }
0x6: {  	s14 =	simm.s32 $0xC200;
	s15 =	simm.s32 $0x1;
	s16 =	simm.s32 $0x0  }
0x7: {  	s5 =	sand.u32 $0x1, s5;
	[smem:$0x7FF] =	sst s3;
	s6 =	sshll.u32 s2, $0xE  }
0x8: {  	s8 =	sshll.u32 s2, $0x12;
	s7 =	sshll.u32 s5, $0xD;
	_ =	strace $0x80000047  }
0x9: {  	s31 =	ssub.s32 $0x2, s5;
	s8 =	sadd.s32 s8, s4;
	s5 =	sshll.u32 s5, $0x11  }
0xa: {  	s6 =	sor.u32 s7, s6;
	s9 =	sshrl.u32 s31, $0x1;
	s5 =	sadd.s32 s5, s8  }
0xb: {  	s8 =	simm.s32 $0x80;
	s6 =	sshrl.u32 s6, $0x3;
	s7 =	ssub.s32 s31, s9  }
0xc: {  	s5 =	sadd.s32 $0x4AE00, s5;
	s9 =	simm.s32 $0x200;
	s6 =	sadd.s32 s6, s4  }
0xd: {  	s4 =	smax.u32 s7, $0x1;
	s7 =	simm.s32 $0x2;
	s6 =	sadd.s32 $0x42E00, s6  }
.LBB2_1:
0xe: {  	s17 =	sadd.s32 $0x0, s6  }
0xf: {  	[tilespmem:s3], [sflag:$0x2] =	stream.linear.gather [hbm4b:s17+s3], $0x200, $0x38;
	[tilespmem:$0x10200] =	vst v63  }
0x10: {  	_ =	swait.ge [sflag:s7], $0x200  }
0x11: {  	[sflag:s7] =	ssyncset.done $0x0  }
0x12: {  	[sflag:s7] =	ssyncadd.s32 $0xFFFFFE00  }
0x13: {  	[tilespmem:s9], [sflag:$0x1] =	stream.indirect.gather [hbm4b:s1+s8], $0x80, s3, s8, $0xb8;
	[tilespmem:$0x10200] =	vst v63  }
0x14: {  	_ = 	snop  }
0x15: {  	[tilespmem:s10], [sflag:$0x1] =	stream.indirect.gather [hbm4b:s1+s8], $0x80, s8, s8, $0xb8;
	[tilespmem:$0x10200] =	vst v63  }
0x16: {  	_ = 	snop  }
0x17: {  	[tilespmem:s12], [sflag:$0x1] =	stream.indirect.gather [hbm4b:s1+s8], $0x80, s11, s8, $0xb8;
	[tilespmem:$0x10200] =	vst v63  }
0x18: {  	_ = 	snop  }
0x19: {  	[tilespmem:s14], [sflag:$0x1] =	stream.indirect.gather [hbm4b:s1+s8], $0x80, s13, s8, $0xb8;
	[tilespmem:$0x10200] =	vst v63  }
0x1a: {  	_ =	swait.ge [sflag:s15], $0x4000  }
0x1b: {  	[sflag:s15] =	ssyncset.done $0x0  }
0x1c: {  	[sflag:s15] =	ssyncadd.s32 $0xFFFFC000  }
0x1d: {  	_ =	swait.ge [sflag:s15], $0x4000  }
0x1e: {  	[sflag:s15] =	ssyncset.done $0x0  }
0x1f: {  	[sflag:s15] =	ssyncadd.s32 $0xFFFFC000  }
0x20: {  	_ =	swait.ge [sflag:s15], $0x4000  }
0x21: {  	[sflag:s15] =	ssyncset.done $0x0  }
0x22: {  	[sflag:s15] =	ssyncadd.s32 $0xFFFFC000  }
0x23: {  	_ =	swait.ge [sflag:s15], $0x4000  }
0x24: {  	[sflag:s15] =	ssyncset.done $0x0  }
0x25: {  	[sflag:s15] =	ssyncadd.s32 $0xFFFFC000  }
0x26: {  	[hbm4b:s5+s3] =	stream.linear.scatter [tilespmem:s9], [sflag:$0x2], $0x10000, $0x38;
	[tilespmem:$0x10200] =	vst v63  }
0x27: {  	s18 =	simm.s32 $0x40;
	_ =	swait.ge [sflag:s7], $0x10000  }
0x28: {  	s19 =	simm.s32 $0x80;
	s17 =	sadd.s32 $0x2000, s5;
	[sflag:s7] =	ssyncset.done $0x0  }
.LBB2_2:
0x29: {  	s20 =	sadd.s32 s18, s6  }
0x2a: {  	[sflag:s7] =	ssyncadd.s32 $0xFFFF0000;
	s18 =	smov.u32 s19;
	s21 =	sadd.s32 $0x40, s19  }
0x2b: {  	[tilespmem:s3], [sflag:$0x2] =	stream.linear.gather [hbm4b:s20+s3], $0x200, $0x38;
	[tilespmem:$0x10200] =	vst v63  }
0x2c: {  	p0 =	sne.s32 s19, $0x3C0;
	_ =	swait.ge [sflag:s7], $0x200  }
0x2d: {  	[sflag:s7] =	ssyncset.done $0x0  }
0x2e: {  	[sflag:s7] =	ssyncadd.s32 $0xFFFFFE00  }
0x2f: {  	[tilespmem:s9], [sflag:$0x1] =	stream.indirect.gather [hbm4b:s1+s8], $0x80, s3, s8, $0xb8;
	[tilespmem:$0x10200] =	vst v63  }
0x30: {  	_ = 	snop  }
0x31: {  	[tilespmem:s10], [sflag:$0x1] =	stream.indirect.gather [hbm4b:s1+s8], $0x80, s8, s8, $0xb8;
	[tilespmem:$0x10200] =	vst v63  }
0x32: {  	_ = 	snop  }
0x33: {  	[tilespmem:s12], [sflag:$0x1] =	stream.indirect.gather [hbm4b:s1+s8], $0x80, s11, s8, $0xb8;
	[tilespmem:$0x10200] =	vst v63  }
0x34: {  	_ = 	snop  }
0x35: {  	[tilespmem:s14], [sflag:$0x1] =	stream.indirect.gather [hbm4b:s1+s8], $0x80, s13, s8, $0xb8;
	[tilespmem:$0x10200] =	vst v63  }
0x36: {  	_ =	swait.ge [sflag:s15], $0x4000  }
0x37: {  	[sflag:s15] =	ssyncset.done $0x0  }
0x38: {  	[sflag:s15] =	ssyncadd.s32 $0xFFFFC000  }
0x39: {  	_ =	swait.ge [sflag:s15], $0x4000  }
0x3a: {  	[sflag:s15] =	ssyncset.done $0x0  }
0x3b: {  	[sflag:s15] =	ssyncadd.s32 $0xFFFFC000  }
0x3c: {  	_ =	swait.ge [sflag:s15], $0x4000  }
0x3d: {  	[sflag:s15] =	ssyncset.done $0x0  }
0x3e: {  	[sflag:s15] =	ssyncadd.s32 $0xFFFFC000  }
0x3f: {  	_ =	swait.ge [sflag:s15], $0x4000  }
.Ltmp0:
0x40: {  	[sflag:s15] =	ssyncset.done $0x0;
	(pc) =	sbr.rel @p0 .LBB2_2-.Ltmp0, $4  }
0x41: {  	[sflag:s15] =	ssyncadd.s32 $0xFFFFC000  }
0x42: {  	[hbm4b:s17+s3] =	stream.linear.scatter [tilespmem:s9], [sflag:$0x2], $0x10000, $0x38;
	[tilespmem:$0x10200] =	vst v63  }
0x43: {  	_ =	swait.ge [sflag:s7], $0x10000  }
0x44: {  	s19 =	smov.u32 s21;
	s17 =	sadd.s32 $0x2000, s17;
	[sflag:s7] =	ssyncset.done $0x0  }
0x45: {  	s18 =	sadd.s32 s18, s6;
	[sflag:s7] =	ssyncadd.s32 $0xFFFF0000  }
0x46: {  	[tilespmem:s3], [sflag:$0x2] =	stream.linear.gather [hbm4b:s18+s3], $0x200, $0x38;
	[tilespmem:$0x10200] =	vst v63  }
0x47: {  	_ =	swait.ge [sflag:s7], $0x200  }
0x48: {  	[sflag:s7] =	ssyncset.done $0x0  }
0x49: {  	[sflag:s7] =	ssyncadd.s32 $0xFFFFFE00  }
0x4a: {  	[tilespmem:s9], [sflag:$0x1] =	stream.indirect.gather [hbm4b:s1+s8], $0x80, s3, s8, $0xb8;
	[tilespmem:$0x10200] =	vst v63  }
0x4b: {  	_ = 	snop  }
0x4c: {  	[tilespmem:s10], [sflag:$0x1] =	stream.indirect.gather [hbm4b:s1+s8], $0x80, s8, s8, $0xb8;
	[tilespmem:$0x10200] =	vst v63  }
0x4d: {  	_ = 	snop  }
0x4e: {  	[tilespmem:s12], [sflag:$0x1] =	stream.indirect.gather [hbm4b:s1+s8], $0x80, s11, s8, $0xb8;
	[tilespmem:$0x10200] =	vst v63  }
0x4f: {  	_ = 	snop  }
0x50: {  	[tilespmem:s14], [sflag:$0x1] =	stream.indirect.gather [hbm4b:s1+s8], $0x80, s13, s8, $0xb8;
	[tilespmem:$0x10200] =	vst v63  }
0x51: {  	_ =	swait.ge [sflag:s15], $0x4000  }
0x52: {  	[sflag:s15] =	ssyncset.done $0x0  }
0x53: {  	[sflag:s15] =	ssyncadd.s32 $0xFFFFC000  }
0x54: {  	_ =	swait.ge [sflag:s15], $0x4000  }
0x55: {  	[sflag:s15] =	ssyncset.done $0x0  }
0x56: {  	[sflag:s15] =	ssyncadd.s32 $0xFFFFC000  }
0x57: {  	_ =	swait.ge [sflag:s15], $0x4000  }
0x58: {  	[sflag:s15] =	ssyncset.done $0x0  }
0x59: {  	[sflag:s15] =	ssyncadd.s32 $0xFFFFC000  }
0x5a: {  	s16 =	sadd.s32 $0x1, s16;
	_ =	swait.ge [sflag:s15], $0x4000  }
0x5b: {  	p0 =	sne.s32 s16, s4;
	[sflag:s15] =	ssyncset.done $0x0  }
.Ltmp1:
0x5c: {  	[sflag:s15] =	ssyncadd.s32 $0xFFFFC000;
	(pc) =	sbr.rel @p0 .LBB2_1-.Ltmp1, $4  }
0x5d: {  	[hbm4b:s17+s3] =	stream.linear.scatter [tilespmem:s9], [sflag:$0x2], $0x10000, $0x38;
	[tilespmem:$0x10200] =	vst v63  }
0x5e: {  	_ =	swait.ge [sflag:s7], $0x10000  }
0x5f: {  	[sflag:s7] =	ssyncset.done $0x0  }
0x60: {  	[sflag:s7] =	ssyncadd.s32 $0xFFFF0000  }
0x61: {  	_ =	sfence.sel $0x180000  }
0x62: {  	[bflag:$0x0] =	sbarrier.arrive $0xFFFF  }
0x63: {  	p0 =	sne.s32 s2, $0x0;
	_ =	strace $0x90000047  }
0x64: {  	s0 =	sadd.s32 @!p0 $0x100000, s0;
	[bflag:$0x2] =	sbarrier.arrive $0xFFFF  }
0x65: {  	[sflag:s0] =	ssyncadd.tile.s32 @!p0 $0x1;
	_ =	shalt  }
.Lfunc_end2:
_tile_overlayer_lowered:
.L_overlay_start_2:
0x66: {  	(tag) =	ssettag $0x2  }
0x67: {  	s0 =	rddreg [dreg:$0x0];
	s2 =	stileid.u32  }
0x68: {  	s1 =	rddreg [dreg:$0x1];
	p0 =	sne.s32 s2, $0x0  }
0x69: {  	s3 =	rddreg [dreg:$0x2];
	[bflag:$0x3] =	sbarrier.arrive $0xFFFF;
	s2 =	simm.s32 @!p0 $0x1C02  }
0x6a: {  	[timem:s3], [sflag:s2] =	dma.local @!p0 [hbm:s0], s1  }
0x6b: {  	s0 =	simm.s32 @!p0 $0x2  }
0x6c: {  	_ =	swait.ge @!p0 [sflag:s0], s1  }
0x6d: {  	s1 =	ssub.s32 @!p0 $0x0, s1;
	[sflag:s0] =	ssyncset.done @!p0 $0x0  }
0x6e: {  	[sflag:s0] =	ssyncadd.s32 @!p0 s1  }
0x6f: {  	[bflag:$0x3] =	sbarrier.arrive $0xFFFF  }
0x70: {  	_ =	shalt  }

</sc_bundles>
